<compile_context>
chip_gen: v7x
topology: tpu7x:2x2x1
jax: 0.10.2.dev20260603
libtpu: 0.0.44.dev20260713+nightly
codegen_flags: <defaults>
</compile_context>

<pallas_src>
import functools

import jax
import jax.numpy as jnp
from jax import lax
from jax.experimental import pallas as pl
from jax.experimental.pallas import tpu as pltpu
from jax.experimental.pallas import tpu_sc as plsc

N = 10000
NP = 10240
D = 128
E = 320000
CH = 128
NTILES = 32
NCH = 79
EPT = NCH * CH
EP = NTILES * EPT
DW = 16
RPS = NP // 16
NCHG = NTILES * NCH
CN0 = 137
CN1 = 21

_MESH = dict(core_axis_name="c", subcore_axis_name="s")



@functools.partial(
    pl.kernel,
    mesh=plsc.VectorSubcoreMesh(**_MESH),
    out_type=jax.ShapeDtypeStruct((2, NP, DW), jnp.float32),
    scratch_types=[
        pltpu.VMEM_SHARED((NP, DW), jnp.float32),
        pltpu.VMEM((NCH, CH), jnp.int32),
        pltpu.VMEM((CH, DW), jnp.float32),
    ],
)
def _sc_degree(dst3_hbm, ones_hbm, zeros_hbm, pdeg_hbm, acc_sh, didx_all, ones_v):
    c = lax.axis_index("c")
    s = lax.axis_index("s")
    w = s * 2 + c
    pltpu.sync_copy(zeros_hbm.at[pl.ds(s * RPS, RPS)],
                    acc_sh.at[pl.ds(s * RPS, RPS)])
    pltpu.sync_copy(dst3_hbm.at[w], didx_all)
    pltpu.sync_copy(ones_hbm, ones_v)
    plsc.subcore_barrier()

    def body(j, carry):
        pltpu.sync_copy(ones_v, acc_sh.at[didx_all.at[j]], add=True)
        return carry

    lax.fori_loop(0, NCH, body, 0)
    plsc.subcore_barrier()
    pltpu.sync_copy(acc_sh.at[pl.ds(s * RPS, RPS)],
                    pdeg_hbm.at[c, pl.ds(s * RPS, RPS)])


@functools.partial(
    pl.kernel,
    mesh=plsc.VectorSubcoreMesh(**_MESH),
    out_type=jax.ShapeDtypeStruct((2, NP, D), jnp.float32),
    scratch_types=[
        pltpu.VMEM_SHARED((NP, D), jnp.float32),
        pltpu.VMEM((CH,), jnp.int32),
        pltpu.VMEM((CH,), jnp.int32),
        pltpu.VMEM((CH,), jnp.int32),
        pltpu.VMEM((CH,), jnp.int32),
        pltpu.VMEM((CH, D), jnp.float32),
        pltpu.VMEM((CH, D), jnp.float32),
        pltpu.SemaphoreType.DMA,
        pltpu.SemaphoreType.DMA,
        pltpu.SemaphoreType.DMA,
        pltpu.SemaphoreType.DMA,
        pltpu.SemaphoreType.DMA,
        pltpu.SemaphoreType.DMA,
    ],
)
def _sc_scatter(g_hbm, src_hbm, dst_hbm, p_hbm, acc_sh, s_a, s_b, d_a, d_b,
                rows_a, rows_b, gsem_a, gsem_b, ssem_a, ssem_b, dsem_a, dsem_b):
    c = lax.axis_index("c")
    s = lax.axis_index("s")
    start = jnp.where(c == 0, s * CN0, 16 * CN0 + s * CN1)
    cnt = jnp.where(c == 0, CN0, CN1)
    pltpu.sync_copy(g_hbm.at[pl.ds(s * RPS, RPS)],
                    acc_sh.at[pl.ds(s * RPS, RPS)])

    def _sidx(j, buf, sem):
        pltpu.async_copy(src_hbm.at[pl.ds((start + j) * CH, CH)], buf, sem)

    def _didx(j, buf, sem):
        pltpu.async_copy(dst_hbm.at[pl.ds((start + j) * CH, CH)], buf, sem)

    def _iwait(hbm, buf, sem):
        pltpu.make_async_copy(hbm.at[pl.ds(0, CH)], buf, sem).wait()

    def _gather(sbuf, rows, sem):
        pltpu.async_copy(g_hbm.at[sbuf], rows, sem)

    def _gwait(rows, sem):
        pltpu.make_async_copy(g_hbm.at[pl.ds(0, CH)], rows, sem).wait()

    def _scat(rows, dbuf):
        pltpu.sync_copy(rows, acc_sh.at[dbuf], add=True)

    _sidx(0, s_a, ssem_a)
    _didx(0, d_a, dsem_a)
    plsc.subcore_barrier()
    _iwait(src_hbm, s_a, ssem_a)
    _gather(s_a, rows_a, gsem_a)

    @pl.when(1 < cnt)
    def _():
        _sidx(1, s_b, ssem_b)
        _didx(1, d_b, dsem_b)

    def body(i, carry):
        jb = 2 * i + 2
        jn = 2 * i + 3
        _iwait(src_hbm, s_b, ssem_b)
        _gwait(rows_a, gsem_a)
        _gather(s_b, rows_b, gsem_b)
        _sidx(jb, s_a, ssem_a)
        _iwait(dst_hbm, d_a, dsem_a)
        _scat(rows_a, d_a)
        _didx(jb, d_a, dsem_a)
        _iwait(src_hbm, s_a, ssem_a)
        _gwait(rows_b, gsem_b)
        _gather(s_a, rows_a, gsem_a)

        @pl.when(jn < cnt)
        def _():
            _sidx(jn, s_b, ssem_b)

        _iwait(dst_hbm, d_b, dsem_b)
        _scat(rows_b, d_b)

        @pl.when(jn < cnt)
        def _():
            _didx(jn, d_b, dsem_b)

        return carry

    lax.fori_loop(0, (cnt - 1) // 2, body, 0)
    _gwait(rows_a, gsem_a)
    _iwait(dst_hbm, d_a, dsem_a)
    _scat(rows_a, d_a)
    plsc.subcore_barrier()
    pltpu.sync_copy(acc_sh.at[pl.ds(s * RPS, RPS)],
                    p_hbm.at[c, pl.ds(s * RPS, RPS)])



def _dis_from_pdeg(pdeg_ref):
    degcol = pdeg_ref[0] + pdeg_ref[1]
    return lax.rsqrt(degcol[:, 0:1] + 1.0)


def _g0_body(x_ref, w_ref, pdeg_ref, g_ref):
    dis = _dis_from_pdeg(pdeg_ref)
    h = lax.dot_general(x_ref[...], w_ref[...], (((1,), (1,)), ((), ())),
                        preferred_element_type=jnp.float32)
    g_ref[...] = dis * h


def _tc_g0(xp, W0, pdeg):
    return pl.pallas_call(
        _g0_body,
        out_shape=jax.ShapeDtypeStruct((NP, D), jnp.float32),
    )(xp, W0, pdeg)


def _layer_body(relu, p_ref, g_ref, b_ref, pdeg_ref, wn_ref, out_ref):
    dis = _dis_from_pdeg(pdeg_ref)
    y = dis * (p_ref[0] + p_ref[1] - g_ref[...]) + b_ref[...]
    mask = lax.broadcasted_iota(jnp.int32, (NP, 1), 0) < N
    y = jnp.where(mask, y, 0.0)
    if relu:
        y = jnp.maximum(y, 0.0)
    m = jnp.sum(y, axis=0, keepdims=True) / N
    v = jnp.sum(y * y, axis=0, keepdims=True) / N - m * m
    yn = (y - m) * lax.rsqrt(v + 1e-5)
    h = lax.dot_general(yn, wn_ref[...], (((1,), (1,)), ((), ())),
                        preferred_element_type=jnp.float32)
    out_ref[...] = jnp.where(mask, dis * h, 0.0)


def _tc_layer(P, g, b2d, pdeg, Wn):
    return pl.pallas_call(
        functools.partial(_layer_body, True),
        out_shape=jax.ShapeDtypeStruct((NP, D), jnp.float32),
    )(P, g, b2d, pdeg, Wn)


def _final_body(p_ref, g_ref, b_ref, pdeg_ref, wc_ref, bc_ref, out_ref):
    dis = _dis_from_pdeg(pdeg_ref)
    y = dis * (p_ref[0] + p_ref[1] - g_ref[...]) + b_ref[...]
    mask = lax.broadcasted_iota(jnp.int32, (NP, 1), 0) < N
    y = jnp.where(mask, y, 0.0)
    m = jnp.sum(y, axis=0, keepdims=True) / N
    v = jnp.sum(y * y, axis=0, keepdims=True) / N - m * m
    yn = (y - m) * lax.rsqrt(v + 1e-5)
    yn = jnp.where(mask, yn, 0.0)
    pooled = jnp.sum(yn, axis=0, keepdims=True) / N
    logits = lax.dot_general(pooled, wc_ref[...], (((1,), (1,)), ((), ())),
                             preferred_element_type=jnp.float32)
    logits = logits + bc_ref[...]
    z = logits - jnp.max(logits, axis=1, keepdims=True)
    ez = jnp.exp(z)
    out_ref[...] = ez / jnp.sum(ez, axis=1, keepdims=True)


def _tc_final(P, g, b2d, pdeg, Wc, bc2d):
    return pl.pallas_call(
        _final_body,
        out_shape=jax.ShapeDtypeStruct((1, 10), jnp.float32),
    )(P, g, b2d, pdeg, Wc, bc2d)



def kernel(x, edge_index, W0, b0, W1, b1, W2, b2, Wc, bc):
    src = edge_index[0].astype(jnp.int32)
    dst = edge_index[1].astype(jnp.int32)
    pad = EP - E
    srcp = jnp.concatenate([src, jnp.zeros((pad,), jnp.int32)])
    dstp = jnp.concatenate([dst, jnp.full((pad,), N + 8, jnp.int32)])
    xp = jnp.pad(x, ((0, NP - N), (0, 0)))
    ones = jnp.ones((CH, DW), jnp.float32)
    zeros = jnp.zeros((NP, DW), jnp.float32)
    b0r, b1r, b2r, bcr = (b0.reshape(1, -1), b1.reshape(1, -1),
                          b2.reshape(1, -1), bc.reshape(1, -1))

    pdeg = _sc_degree(dstp.reshape(NTILES, NCH, CH), ones, zeros)
    g0 = _tc_g0(xp, W0, pdeg)
    P0 = _sc_scatter(g0, srcp, dstp)
    g1 = _tc_layer(P0, g0, b0r, pdeg, W1)
    P1 = _sc_scatter(g1, srcp, dstp)
    g2 = _tc_layer(P1, g1, b1r, pdeg, W2)
    P2 = _sc_scatter(g2, srcp, dstp)
    return _tc_final(P2, g2, b2r, pdeg, Wc, bcr)

# --- scband reference (transcript-rebuilt; emitter-appended) ---
"""Pipeline reference for scband-gcn-34110630265038 (READ-ONLY COPY).

The authoritative reference and input builder live on the scoring server;
editing this copy changes nothing except your own understanding.
"""

import jax, jax.numpy as jnp
import numpy as np

N_NODES = 10000
N_EDGES = 320000
D_FEAT = 128
D_HID = 128
N_CLASSES = 10


def setup_inputs(seed: int = 0) -> dict:
    key = jax.random.key(seed)
    ks = jax.random.split(key, 12)
    x = jax.random.normal(ks[0], (N_NODES, D_FEAT), dtype=jnp.float32)
    edge_index = jax.random.randint(ks[1], (2, N_EDGES), 0, N_NODES, dtype=jnp.int64)
    s = 1.0 / np.sqrt(D_FEAT)
    W0 = jax.random.uniform(ks[2], (D_HID, D_FEAT), jnp.float32, -s, s)
    b0 = jnp.zeros((D_HID,), jnp.float32)
    W1 = jax.random.uniform(ks[3], (D_HID, D_HID), jnp.float32, -s, s)
    b1 = jnp.zeros((D_HID,), jnp.float32)
    W2 = jax.random.uniform(ks[4], (D_HID, D_HID), jnp.float32, -s, s)
    b2 = jnp.zeros((D_HID,), jnp.float32)
    sc = 1.0 / np.sqrt(D_HID)
    Wc = jax.random.uniform(ks[5], (N_CLASSES, D_HID), jnp.float32, -sc, sc)
    bc = jax.random.uniform(ks[6], (N_CLASSES,), jnp.float32, -sc, sc)
    return {"x": x, "edge_index": edge_index, "W0": W0, "b0": b0, "W1": W1, "b1": b1, "W2": W2, "b2": b2, "Wc": Wc, "bc": bc}


def _gcn_conv(x, src, dst, num_nodes, W, b):
    # PyG GCNConv: linear transform, add self-loops, sym-normalize, scatter-add, bias
    loop = jnp.arange(num_nodes, dtype=src.dtype)
    src_f = jnp.concatenate([src, loop])
    dst_f = jnp.concatenate([dst, loop])
    deg = jax.ops.segment_sum(jnp.ones_like(dst_f, dtype=x.dtype), dst_f, num_segments=num_nodes)
    deg_inv_sqrt = jnp.where(deg > 0, deg ** -0.5, 0.0)
    norm = deg_inv_sqrt[src_f] * deg_inv_sqrt[dst_f]
    h = x @ W.T
    msg = h[src_f] * norm[:, None]
    out = jax.ops.segment_sum(msg, dst_f, num_segments=num_nodes)
    return out + b


def _batchnorm(x):
    # nn.BatchNorm1d freshly constructed each forward -> training-mode batch stats,
    # gamma=1, beta=0, eps=1e-5, biased variance
    m = jnp.mean(x, axis=0)
    v = jnp.mean((x - m) ** 2, axis=0)
    return (x - m) / jnp.sqrt(v + 1e-5)


def reference(x, edge_index, W0, b0, W1, b1, W2, b2, Wc, bc):
    num_nodes = x.shape[0]
    src, dst = edge_index[0], edge_index[1]
    h = _gcn_conv(x, src, dst, num_nodes, W0, b0)
    h = jax.nn.relu(h)
    h = _batchnorm(h)
    h = _gcn_conv(h, src, dst, num_nodes, W1, b1)
    h = jax.nn.relu(h)
    h = _batchnorm(h)
    h = _gcn_conv(h, src, dst, num_nodes, W2, b2)
    h = _batchnorm(h)
    # global_mean_pool with batch = zeros -> single graph mean
    pooled = jnp.mean(h, axis=0, keepdims=True)
    logits = pooled @ Wc.T + bc
    return jax.nn.softmax(logits, axis=1)

if __name__ == "__main__":
    import jax
    _d = setup_inputs()
    print(jax.jit(kernel)(*tuple(_d.values())))

</pallas_src>

<mosaic_0001>
#map = affine_map<(d0, d1) -> (0, 0, 0)>
#map1 = affine_map<(d0, d1) -> (0, 0)>
module attributes {stable_mosaic.version = 14 : i64} {
  func.func @_sc_degree(%arg0: i32, %arg1: i32, %arg2: memref<32x79x128xi32, #tpu.memory_space<hbm>>, %arg3: memref<128x16xf32, #tpu.memory_space<hbm>>, %arg4: memref<10240x16xf32, #tpu.memory_space<hbm>>, %arg5: memref<2x10240x16xf32, #tpu.memory_space<hbm>>, %arg6: memref<10240x16xf32, #tpu.memory_space<vmem_shared>>, %arg7: memref<79x128xi32, #tpu.memory_space<vmem>>, %arg8: memref<128x16xf32, #tpu.memory_space<vmem>>) attributes {dimension_semantics = [#tpu.dimension_semantics<core_parallel>, #tpu.dimension_semantics<subcore_parallel>], iteration_bounds = array<i64: 2, 16>, scalar_prefetch = 0 : i64, scratch_operands = 3 : i64, tpu.core_type = #tpu.core_type<sc_vector_subcore>, window_params = [{transform_indices = #map}, {transform_indices = #map1}, {transform_indices = #map1}, {transform_indices = #map}]} {
    %mul3A = arith.constant 2 : i32
    %mul3A_0 = arith.muli %arg1, %mul3A : i32
    %add3A = arith.addi %mul3A_0, %arg0 : i32
    %mul3A_1 = arith.constant 640 : i32
    %mul3A_2 = arith.muli %arg1, %mul3A_1 : i32
    %mul3A_3 = arith.constant 640 : i32
    %mul3A_4 = arith.muli %arg1, %mul3A_3 : i32
    "tpu.region"() ({
      %run_scoped3A = tpu.sem_alloc : memref<!tpu.dma_semaphore, #tpu.memory_space<semaphore_mem>>
      %dma_start3A = arith.constant 0 : i32
      %dma_start3A_15 = tpu.memref_slice %arg6[%mul3A_4, %dma_start3A] : memref<10240x16xf32, #tpu.memory_space<vmem_shared>> -> memref<640x16xf32, #tpu.memory_space<vmem_shared>>
      %dma_start3A_16 = arith.constant 0 : i32
      %dma_start3A_17 = tpu.memref_slice %arg4[%mul3A_2, %dma_start3A_16] : memref<10240x16xf32, #tpu.memory_space<hbm>> -> memref<640x16xf32, #tpu.memory_space<hbm>>
      tpu.enqueue_dma source(%dma_start3A_17 : memref<640x16xf32, #tpu.memory_space<hbm>>) target(%dma_start3A_15 : memref<640x16xf32, #tpu.memory_space<vmem_shared>>) target_semaphore(%run_scoped3A : memref<!tpu.dma_semaphore, #tpu.memory_space<semaphore_mem>>)
      %dma_wait3A = arith.constant 0 : i32
      %dma_wait3A_18 = tpu.memref_slice %arg6[%mul3A_4, %dma_wait3A] : memref<10240x16xf32, #tpu.memory_space<vmem_shared>> -> memref<640x16xf32, #tpu.memory_space<vmem_shared>>
      %dma_wait3A_19 = arith.constant 0 : i32
      %dma_wait3A_20 = tpu.memref_slice %arg4[%mul3A_2, %dma_wait3A_19] : memref<10240x16xf32, #tpu.memory_space<hbm>> -> memref<640x16xf32, #tpu.memory_space<hbm>>
      tpu.wait_dma2 semaphore(%run_scoped3A : memref<!tpu.dma_semaphore, #tpu.memory_space<semaphore_mem>>) src(%dma_wait3A_20 : memref<640x16xf32, #tpu.memory_space<hbm>>) dst(%dma_wait3A_18 : memref<640x16xf32, #tpu.memory_space<vmem_shared>>)
      tpu.yield
    }) : () -> ()
    "tpu.region"() ({
      %run_scoped3A = tpu.sem_alloc : memref<!tpu.dma_semaphore, #tpu.memory_space<semaphore_mem>>
      %dma_start3A = arith.constant 0 : i32
      %dma_start3A_15 = arith.constant 0 : i32
      %dma_start3A_16 = tpu.memref_slice %arg2[%add3A, %dma_start3A, %dma_start3A_15] : memref<32x79x128xi32, #tpu.memory_space<hbm>> -> memref<1x79x128xi32, #tpu.memory_space<hbm>>
      %dma_start3A_17 = tpu.memref_squeeze %dma_start3A_16 : memref<1x79x128xi32, #tpu.memory_space<hbm>> -> memref<79x128xi32, #tpu.memory_space<hbm>>
      %dma_start3A_18 = arith.constant 0 : i32
      %dma_start3A_19 = arith.constant 0 : i32
      %dma_start3A_20 = tpu.memref_slice %arg2[%add3A, %dma_start3A_18, %dma_start3A_19] : memref<32x79x128xi32, #tpu.memory_space<hbm>> -> memref<1x79x128xi32, #tpu.memory_space<hbm>>
      %dma_start3A_21 = tpu.memref_squeeze %dma_start3A_20 : memref<1x79x128xi32, #tpu.memory_space<hbm>> -> memref<79x128xi32, #tpu.memory_space<hbm>>
      tpu.enqueue_dma source(%dma_start3A_21 : memref<79x128xi32, #tpu.memory_space<hbm>>) target(%arg7 : memref<79x128xi32, #tpu.memory_space<vmem>>) target_semaphore(%run_scoped3A : memref<!tpu.dma_semaphore, #tpu.memory_space<semaphore_mem>>)
      %dma_wait3A = arith.constant 0 : i32
      %dma_wait3A_22 = arith.constant 0 : i32
      %dma_wait3A_23 = tpu.memref_slice %arg2[%add3A, %dma_wait3A, %dma_wait3A_22] : memref<32x79x128xi32, #tpu.memory_space<hbm>> -> memref<1x79x128xi32, #tpu.memory_space<hbm>>
      %dma_wait3A_24 = tpu.memref_squeeze %dma_wait3A_23 : memref<1x79x128xi32, #tpu.memory_space<hbm>> -> memref<79x128xi32, #tpu.memory_space<hbm>>
      %dma_wait3A_25 = arith.constant 0 : i32
      %dma_wait3A_26 = arith.constant 0 : i32
      %dma_wait3A_27 = tpu.memref_slice %arg2[%add3A, %dma_wait3A_25, %dma_wait3A_26] : memref<32x79x128xi32, #tpu.memory_space<hbm>> -> memref<1x79x128xi32, #tpu.memory_space<hbm>>
      %dma_wait3A_28 = tpu.memref_squeeze %dma_wait3A_27 : memref<1x79x128xi32, #tpu.memory_space<hbm>> -> memref<79x128xi32, #tpu.memory_space<hbm>>
      tpu.wait_dma2 semaphore(%run_scoped3A : memref<!tpu.dma_semaphore, #tpu.memory_space<semaphore_mem>>) src(%dma_wait3A_28 : memref<79x128xi32, #tpu.memory_space<hbm>>) dst(%arg7 : memref<79x128xi32, #tpu.memory_space<vmem>>)
      tpu.yield
    }) : () -> ()
    "tpu.region"() ({
      %run_scoped3A = tpu.sem_alloc : memref<!tpu.dma_semaphore, #tpu.memory_space<semaphore_mem>>
      tpu.enqueue_dma source(%arg3 : memref<128x16xf32, #tpu.memory_space<hbm>>) target(%arg8 : memref<128x16xf32, #tpu.memory_space<vmem>>) target_semaphore(%run_scoped3A : memref<!tpu.dma_semaphore, #tpu.memory_space<semaphore_mem>>)
      tpu.wait_dma2 semaphore(%run_scoped3A : memref<!tpu.dma_semaphore, #tpu.memory_space<semaphore_mem>>) src(%arg3 : memref<128x16xf32, #tpu.memory_space<hbm>>) dst(%arg8 : memref<128x16xf32, #tpu.memory_space<vmem>>)
      tpu.yield
    }) : () -> ()
    %barrier3A = arith.constant 0 : index
    tpu.barrier barrier_id(%barrier3A)
    %scan3A = arith.constant 0 : i32
    %scan3A_5 = arith.constant 0 : i32
    %scan3A_6 = arith.constant 79 : i32
    %scan3A_7 = arith.addi %scan3A_5, %scan3A_6 : i32
    %scan3A_8 = arith.constant 1 : i32
    scf.for %scan3A_15 = %scan3A_5 to %scan3A_7 step %scan3A_8  : i32 {
      "tpu.region"() ({
        %run_scoped3A = tpu.sem_alloc : memref<!tpu.dma_semaphore, #tpu.memory_space<semaphore_mem>>
        %dma_start3A = arith.constant 0 : i32
        %dma_start3A_16 = tpu.memref_slice %arg7[%scan3A_15, %dma_start3A] : memref<79x128xi32, #tpu.memory_space<vmem>> -> memref<1x128xi32, #tpu.memory_space<vmem>>
        %dma_start3A_17 = tpu.memref_squeeze %dma_start3A_16 : memref<1x128xi32, #tpu.memory_space<vmem>> -> memref<128xi32, #tpu.memory_space<vmem>>
        %dma_start3A_18 = arith.constant 0 : i32
        %dma_start3A_19 = arith.constant 0 : i32
        %dma_start3A_20 = tpu.memref_slice %arg6[%dma_start3A_18, %dma_start3A_19] : memref<10240x16xf32, #tpu.memory_space<vmem_shared>> -> memref<10240x16xf32, #tpu.memory_space<vmem_shared>>
        tpu.enqueue_indirect_dma source(%arg8 : memref<128x16xf32, #tpu.memory_space<vmem>>) target(%dma_start3A_20 : memref<10240x16xf32, #tpu.memory_space<vmem_shared>>) offsets(%dma_start3A_17 : memref<128xi32, #tpu.memory_space<vmem>>) semaphore(%run_scoped3A : memref<!tpu.dma_semaphore, #tpu.memory_space<semaphore_mem>>) {add = true}
        %dma_wait3A = arith.constant 0 : i32
        %dma_wait3A_21 = tpu.memref_slice %arg7[%scan3A_15, %dma_wait3A] : memref<79x128xi32, #tpu.memory_space<vmem>> -> memref<1x128xi32, #tpu.memory_space<vmem>>
        %dma_wait3A_22 = tpu.memref_squeeze %dma_wait3A_21 : memref<1x128xi32, #tpu.memory_space<vmem>> -> memref<128xi32, #tpu.memory_space<vmem>>
        %dma_wait3A_23 = arith.constant 0 : i32
        %dma_wait3A_24 = arith.constant 0 : i32
        %dma_wait3A_25 = tpu.memref_slice %arg6[%dma_wait3A_23, %dma_wait3A_24] : memref<10240x16xf32, #tpu.memory_space<vmem_shared>> -> memref<10240x16xf32, #tpu.memory_space<vmem_shared>>
        tpu.wait_indirect_dma semaphore(%run_scoped3A : memref<!tpu.dma_semaphore, #tpu.memory_space<semaphore_mem>>) src(%arg8 : memref<128x16xf32, #tpu.memory_space<vmem>>) dst(%dma_wait3A_25 : memref<10240x16xf32, #tpu.memory_space<vmem_shared>>)
        tpu.yield
      }) : () -> ()
    }
    %scan3A_9 = arith.constant 79 : i32
    %barrier3A_10 = arith.constant 0 : index
    tpu.barrier barrier_id(%barrier3A_10)
    %mul3A_11 = arith.constant 640 : i32
    %mul3A_12 = arith.muli %arg1, %mul3A_11 : i32
    %mul3A_13 = arith.constant 640 : i32
    %mul3A_14 = arith.muli %arg1, %mul3A_13 : i32
    "tpu.region"() ({
      %run_scoped3A = tpu.sem_alloc : memref<!tpu.dma_semaphore, #tpu.memory_space<semaphore_mem>>
      %dma_start3A = arith.constant 0 : i32
      %dma_start3A_15 = tpu.memref_slice %arg5[%arg0, %mul3A_14, %dma_start3A] : memref<2x10240x16xf32, #tpu.memory_space<hbm>> -> memref<1x640x16xf32, #tpu.memory_space<hbm>>
      %dma_start3A_16 = tpu.memref_squeeze %dma_start3A_15 : memref<1x640x16xf32, #tpu.memory_space<hbm>> -> memref<640x16xf32, #tpu.memory_space<hbm>>
      %dma_start3A_17 = arith.constant 0 : i32
      %dma_start3A_18 = tpu.memref_slice %arg6[%mul3A_12, %dma_start3A_17] : memref<10240x16xf32, #tpu.memory_space<vmem_shared>> -> memref<640x16xf32, #tpu.memory_space<vmem_shared>>
      tpu.enqueue_dma source(%dma_start3A_18 : memref<640x16xf32, #tpu.memory_space<vmem_shared>>) target(%dma_start3A_16 : memref<640x16xf32, #tpu.memory_space<hbm>>) target_semaphore(%run_scoped3A : memref<!tpu.dma_semaphore, #tpu.memory_space<semaphore_mem>>)
      %dma_wait3A = arith.constant 0 : i32
      %dma_wait3A_19 = tpu.memref_slice %arg5[%arg0, %mul3A_14, %dma_wait3A] : memref<2x10240x16xf32, #tpu.memory_space<hbm>> -> memref<1x640x16xf32, #tpu.memory_space<hbm>>
      %dma_wait3A_20 = tpu.memref_squeeze %dma_wait3A_19 : memref<1x640x16xf32, #tpu.memory_space<hbm>> -> memref<640x16xf32, #tpu.memory_space<hbm>>
      %dma_wait3A_21 = arith.constant 0 : i32
      %dma_wait3A_22 = tpu.memref_slice %arg6[%mul3A_12, %dma_wait3A_21] : memref<10240x16xf32, #tpu.memory_space<vmem_shared>> -> memref<640x16xf32, #tpu.memory_space<vmem_shared>>
      tpu.wait_dma2 semaphore(%run_scoped3A : memref<!tpu.dma_semaphore, #tpu.memory_space<semaphore_mem>>) src(%dma_wait3A_22 : memref<640x16xf32, #tpu.memory_space<vmem_shared>>) dst(%dma_wait3A_20 : memref<640x16xf32, #tpu.memory_space<hbm>>)
      tpu.yield
    }) : () -> ()
    return
  }
}

#map = affine_map<(d0, d1) -> (0, 0)>
#map1 = affine_map<(d0, d1) -> (0)>
#map2 = affine_map<(d0, d1) -> (0, 0, 0)>
module attributes {stable_mosaic.version = 14 : i64} {
  func.func @_sc_scatter(%arg0: i32, %arg1: i32, %arg2: memref<10240x128xf32, #tpu.memory_space<hbm>>, %arg3: memref<323584xi32, #tpu.memory_space<hbm>>, %arg4: memref<323584xi32, #tpu.memory_space<hbm>>, %arg5: memref<2x10240x128xf32, #tpu.memory_space<hbm>>, %arg6: memref<10240x128xf32, #tpu.memory_space<vmem_shared>>, %arg7: memref<128xi32, #tpu.memory_space<vmem>>, %arg8: memref<128xi32, #tpu.memory_space<vmem>>, %arg9: memref<128xi32, #tpu.memory_space<vmem>>, %arg10: memref<128xi32, #tpu.memory_space<vmem>>, %arg11: memref<128x128xf32, #tpu.memory_space<vmem>>, %arg12: memref<128x128xf32, #tpu.memory_space<vmem>>, %arg13: memref<!tpu.dma_semaphore, #tpu.memory_space<semaphore_mem>>, %arg14: memref<!tpu.dma_semaphore, #tpu.memory_space<semaphore_mem>>, %arg15: memref<!tpu.dma_semaphore, #tpu.memory_space<semaphore_mem>>, %arg16: memref<!tpu.dma_semaphore, #tpu.memory_space<semaphore_mem>>, %arg17: memref<!tpu.dma_semaphore, #tpu.memory_space<semaphore_mem>>, %arg18: memref<!tpu.dma_semaphore, #tpu.memory_space<semaphore_mem>>) attributes {dimension_semantics = [#tpu.dimension_semantics<core_parallel>, #tpu.dimension_semantics<subcore_parallel>], iteration_bounds = array<i64: 2, 16>, scalar_prefetch = 0 : i64, scratch_operands = 13 : i64, tpu.core_type = #tpu.core_type<sc_vector_subcore>, window_params = [{transform_indices = #map}, {transform_indices = #map1}, {transform_indices = #map1}, {transform_indices = #map2}]} {
    %eq3A = arith.constant 0 : i32
    %eq3A_0 = arith.cmpi eq, %arg0, %eq3A : i32
    %mul3A = arith.constant 137 : i32
    %mul3A_1 = arith.muli %arg1, %mul3A : i32
    %mul3A_2 = arith.constant 21 : i32
    %mul3A_3 = arith.muli %arg1, %mul3A_2 : i32
    %add3A = arith.constant 2192 : i32
    %add3A_4 = arith.addi %add3A, %mul3A_3 : i32
    %select_n3A = arith.select %eq3A_0, %mul3A_1, %add3A_4 : i32
    %eq3A_5 = arith.constant 0 : i32
    %eq3A_6 = arith.cmpi eq, %arg0, %eq3A_5 : i32
    %jit3A = arith.constant 137 : i32
    %jit3A_7 = arith.constant 21 : i32
    %select_n3A_8 = arith.select %eq3A_6, %jit3A, %jit3A_7 : i32
    %mul3A_9 = arith.constant 640 : i32
    %mul3A_10 = arith.muli %arg1, %mul3A_9 : i32
    %mul3A_11 = arith.constant 640 : i32
    %mul3A_12 = arith.muli %arg1, %mul3A_11 : i32
    "tpu.region"() ({
      %run_scoped3A = tpu.sem_alloc : memref<!tpu.dma_semaphore, #tpu.memory_space<semaphore_mem>>
      %dma_start3A_76 = arith.constant 0 : i32
      %dma_start3A_77 = tpu.memref_slice %arg6[%mul3A_12, %dma_start3A_76] : memref<10240x128xf32, #tpu.memory_space<vmem_shared>> -> memref<640x128xf32, #tpu.memory_space<vmem_shared>>
      %dma_start3A_78 = arith.constant 0 : i32
      %dma_start3A_79 = tpu.memref_slice %arg2[%mul3A_10, %dma_start3A_78] : memref<10240x128xf32, #tpu.memory_space<hbm>> -> memref<640x128xf32, #tpu.memory_space<hbm>>
      tpu.enqueue_dma source(%dma_start3A_79 : memref<640x128xf32, #tpu.memory_space<hbm>>) target(%dma_start3A_77 : memref<640x128xf32, #tpu.memory_space<vmem_shared>>) target_semaphore(%run_scoped3A : memref<!tpu.dma_semaphore, #tpu.memory_space<semaphore_mem>>)
      %dma_wait3A_80 = arith.constant 0 : i32
      %dma_wait3A_81 = tpu.memref_slice %arg6[%mul3A_12, %dma_wait3A_80] : memref<10240x128xf32, #tpu.memory_space<vmem_shared>> -> memref<640x128xf32, #tpu.memory_space<vmem_shared>>
      %dma_wait3A_82 = arith.constant 0 : i32
      %dma_wait3A_83 = tpu.memref_slice %arg2[%mul3A_10, %dma_wait3A_82] : memref<10240x128xf32, #tpu.memory_space<hbm>> -> memref<640x128xf32, #tpu.memory_space<hbm>>
      tpu.wait_dma2 semaphore(%run_scoped3A : memref<!tpu.dma_semaphore, #tpu.memory_space<semaphore_mem>>) src(%dma_wait3A_83 : memref<640x128xf32, #tpu.memory_space<hbm>>) dst(%dma_wait3A_81 : memref<640x128xf32, #tpu.memory_space<vmem_shared>>)
      tpu.yield
    }) : () -> ()
    %add3A_13 = arith.constant 0 : i32
    %add3A_14 = arith.addi %select_n3A, %add3A_13 : i32
    %mul3A_15 = arith.constant 128 : i32
    %mul3A_16 = arith.muli %add3A_14, %mul3A_15 : i32
    %dma_start3A = tpu.memref_slice %arg3[%mul3A_16] : memref<323584xi32, #tpu.memory_space<hbm>> -> memref<128xi32, #tpu.memory_space<hbm>>
    %dma_start3A_17 = tpu.memref_slice %arg3[%mul3A_16] : memref<323584xi32, #tpu.memory_space<hbm>> -> memref<128xi32, #tpu.memory_space<hbm>>
    tpu.enqueue_dma source(%dma_start3A_17 : memref<128xi32, #tpu.memory_space<hbm>>) target(%arg7 : memref<128xi32, #tpu.memory_space<vmem>>) target_semaphore(%arg15 : memref<!tpu.dma_semaphore, #tpu.memory_space<semaphore_mem>>)
    %add3A_18 = arith.constant 0 : i32
    %add3A_19 = arith.addi %select_n3A, %add3A_18 : i32
    %mul3A_20 = arith.constant 128 : i32
    %mul3A_21 = arith.muli %add3A_19, %mul3A_20 : i32
    %dma_start3A_22 = tpu.memref_slice %arg4[%mul3A_21] : memref<323584xi32, #tpu.memory_space<hbm>> -> memref<128xi32, #tpu.memory_space<hbm>>
    %dma_start3A_23 = tpu.memref_slice %arg4[%mul3A_21] : memref<323584xi32, #tpu.memory_space<hbm>> -> memref<128xi32, #tpu.memory_space<hbm>>
    tpu.enqueue_dma source(%dma_start3A_23 : memref<128xi32, #tpu.memory_space<hbm>>) target(%arg9 : memref<128xi32, #tpu.memory_space<vmem>>) target_semaphore(%arg17 : memref<!tpu.dma_semaphore, #tpu.memory_space<semaphore_mem>>)
    %barrier3A = arith.constant 0 : index
    tpu.barrier barrier_id(%barrier3A)
    %dma_wait3A = arith.constant 0 : i32
    %dma_wait3A_24 = tpu.memref_slice %arg3[%dma_wait3A] : memref<323584xi32, #tpu.memory_space<hbm>> -> memref<128xi32, #tpu.memory_space<hbm>>
    %dma_wait3A_25 = arith.constant 0 : i32
    %dma_wait3A_26 = tpu.memref_slice %arg3[%dma_wait3A_25] : memref<323584xi32, #tpu.memory_space<hbm>> -> memref<128xi32, #tpu.memory_space<hbm>>
    tpu.wait_dma2 semaphore(%arg15 : memref<!tpu.dma_semaphore, #tpu.memory_space<semaphore_mem>>) src(%dma_wait3A_26 : memref<128xi32, #tpu.memory_space<hbm>>) dst(%arg7 : memref<128xi32, #tpu.memory_space<vmem>>)
    %dma_start3A_27 = arith.constant 0 : i32
    %dma_start3A_28 = arith.constant 0 : i32
    %dma_start3A_29 = tpu.memref_slice %arg2[%dma_start3A_27, %dma_start3A_28] : memref<10240x128xf32, #tpu.memory_space<hbm>> -> memref<10240x128xf32, #tpu.memory_space<hbm>>
    tpu.enqueue_indirect_dma source(%dma_start3A_29 : memref<10240x128xf32, #tpu.memory_space<hbm>>) target(%arg11 : memref<128x128xf32, #tpu.memory_space<vmem>>) offsets(%arg7 : memref<128xi32, #tpu.memory_space<vmem>>) semaphore(%arg13 : memref<!tpu.dma_semaphore, #tpu.memory_space<semaphore_mem>>)
    %gt3A = arith.constant 1 : i32
    %gt3A_30 = arith.cmpi sgt, %select_n3A_8, %gt3A : i32
    %convert_element_type3A = arith.extui %gt3A_30 : i1 to i32
    %cond3A = arith.constant 0 : i32
    %cond3A_31 = arith.cmpi ne, %convert_element_type3A, %cond3A : i32
    scf.if %cond3A_31 {
      %add3A_76 = arith.constant 1 : i32
      %add3A_77 = arith.addi %select_n3A, %add3A_76 : i32
      %mul3A_78 = arith.constant 128 : i32
      %mul3A_79 = arith.muli %add3A_77, %mul3A_78 : i32
      %dma_start3A_80 = tpu.memref_slice %arg3[%mul3A_79] : memref<323584xi32, #tpu.memory_space<hbm>> -> memref<128xi32, #tpu.memory_space<hbm>>
      %dma_start3A_81 = tpu.memref_slice %arg3[%mul3A_79] : memref<323584xi32, #tpu.memory_space<hbm>> -> memref<128xi32, #tpu.memory_space<hbm>>
      tpu.enqueue_dma source(%dma_start3A_81 : memref<128xi32, #tpu.memory_space<hbm>>) target(%arg8 : memref<128xi32, #tpu.memory_space<vmem>>) target_semaphore(%arg16 : memref<!tpu.dma_semaphore, #tpu.memory_space<semaphore_mem>>)
      %add3A_82 = arith.constant 1 : i32
      %add3A_83 = arith.addi %select_n3A, %add3A_82 : i32
      %mul3A_84 = arith.constant 128 : i32
      %mul3A_85 = arith.muli %add3A_83, %mul3A_84 : i32
      %dma_start3A_86 = tpu.memref_slice %arg4[%mul3A_85] : memref<323584xi32, #tpu.memory_space<hbm>> -> memref<128xi32, #tpu.memory_space<hbm>>
      %dma_start3A_87 = tpu.memref_slice %arg4[%mul3A_85] : memref<323584xi32, #tpu.memory_space<hbm>> -> memref<128xi32, #tpu.memory_space<hbm>>
      tpu.enqueue_dma source(%dma_start3A_87 : memref<128xi32, #tpu.memory_space<hbm>>) target(%arg10 : memref<128xi32, #tpu.memory_space<vmem>>) target_semaphore(%arg18 : memref<!tpu.dma_semaphore, #tpu.memory_space<semaphore_mem>>)
    } else {
    }
    %sub3A = arith.constant 1 : i32
    %sub3A_32 = arith.subi %select_n3A_8, %sub3A : i32
    %jit3A_33 = arith.constant 2 : i32
    %div3A = arith.divsi %sub3A_32, %jit3A_33 : i32
    %sign3A = arith.constant 0 : i32
    %sign3A_34 = arith.cmpi sgt, %sub3A_32, %sign3A : i32
    %sign3A_35 = arith.extui %sign3A_34 : i1 to i32
    %sign3A_36 = arith.constant 0 : i32
    %sign3A_37 = arith.cmpi slt, %sub3A_32, %sign3A_36 : i32
    %sign3A_38 = arith.extui %sign3A_37 : i1 to i32
    %sign3A_39 = arith.subi %sign3A_35, %sign3A_38 : i32
    %sign3A_40 = arith.constant 0 : i32
    %sign3A_41 = arith.cmpi sgt, %jit3A_33, %sign3A_40 : i32
    %sign3A_42 = arith.extui %sign3A_41 : i1 to i32
    %sign3A_43 = arith.constant 0 : i32
    %sign3A_44 = arith.cmpi slt, %jit3A_33, %sign3A_43 : i32
    %sign3A_45 = arith.extui %sign3A_44 : i1 to i32
    %sign3A_46 = arith.subi %sign3A_42, %sign3A_45 : i32
    %ne3A = arith.cmpi ne, %sign3A_39, %sign3A_46 : i32
    %rem3A = arith.remsi %sub3A_32, %jit3A_33 : i32
    %ne3A_47 = arith.constant 0 : i32
    %ne3A_48 = arith.cmpi ne, %rem3A, %ne3A_47 : i32
    %and3A = arith.andi %ne3A, %ne3A_48 : i1
    %sub3A_49 = arith.constant 1 : i32
    %sub3A_50 = arith.subi %div3A, %sub3A_49 : i32
    %select_n3A_51 = arith.select %and3A, %sub3A_50, %div3A : i32
    %while3A = arith.constant 0 : i32
    %while3A_52 = arith.constant 0 : i32
    %while3A_53 = arith.subi %select_n3A_51, %while3A_52 : i32
    %while3A_54 = arith.addi %while3A_52, %while3A_53 : i32
    %while3A_55 = arith.constant 1 : i32
    %while3A_56 = arith.divsi %while3A_53, %while3A_55 : i32
    %while3A_57 = arith.muli %while3A_56, %while3A_55 : i32
    %while3A_58 = arith.addi %while3A_52, %while3A_57 : i32
    %while3A_59 = arith.constant 1 : i32
    scf.for %while3A_76 = %while3A_52 to %while3A_58 step %while3A_59  : i32 {
      %mul3A_77 = arith.constant 2 : i32
      %mul3A_78 = arith.muli %mul3A_77, %while3A_76 : i32
      %add3A_79 = arith.constant 2 : i32
      %add3A_80 = arith.addi %mul3A_78, %add3A_79 : i32
      %mul3A_81 = arith.constant 2 : i32
      %mul3A_82 = arith.muli %mul3A_81, %while3A_76 : i32
      %add3A_83 = arith.constant 3 : i32
      %add3A_84 = arith.addi %mul3A_82, %add3A_83 : i32
      %dma_wait3A_85 = arith.constant 0 : i32
      %dma_wait3A_86 = tpu.memref_slice %arg3[%dma_wait3A_85] : memref<323584xi32, #tpu.memory_space<hbm>> -> memref<128xi32, #tpu.memory_space<hbm>>
      %dma_wait3A_87 = arith.constant 0 : i32
      %dma_wait3A_88 = tpu.memref_slice %arg3[%dma_wait3A_87] : memref<323584xi32, #tpu.memory_space<hbm>> -> memref<128xi32, #tpu.memory_space<hbm>>
      tpu.wait_dma2 semaphore(%arg16 : memref<!tpu.dma_semaphore, #tpu.memory_space<semaphore_mem>>) src(%dma_wait3A_88 : memref<128xi32, #tpu.memory_space<hbm>>) dst(%arg8 : memref<128xi32, #tpu.memory_space<vmem>>)
      %dma_wait3A_89 = arith.constant 0 : i32
      %dma_wait3A_90 = arith.constant 0 : i32
      %dma_wait3A_91 = tpu.memref_slice %arg2[%dma_wait3A_89, %dma_wait3A_90] : memref<10240x128xf32, #tpu.memory_space<hbm>> -> memref<128x128xf32, #tpu.memory_space<hbm>>
      %dma_wait3A_92 = arith.constant 0 : i32
      %dma_wait3A_93 = arith.constant 0 : i32
      %dma_wait3A_94 = tpu.memref_slice %arg2[%dma_wait3A_92, %dma_wait3A_93] : memref<10240x128xf32, #tpu.memory_space<hbm>> -> memref<128x128xf32, #tpu.memory_space<hbm>>
      tpu.wait_dma2 semaphore(%arg13 : memref<!tpu.dma_semaphore, #tpu.memory_space<semaphore_mem>>) src(%dma_wait3A_94 : memref<128x128xf32, #tpu.memory_space<hbm>>) dst(%arg11 : memref<128x128xf32, #tpu.memory_space<vmem>>)
      %dma_start3A_95 = arith.constant 0 : i32
      %dma_start3A_96 = arith.constant 0 : i32
      %dma_start3A_97 = tpu.memref_slice %arg2[%dma_start3A_95, %dma_start3A_96] : memref<10240x128xf32, #tpu.memory_space<hbm>> -> memref<10240x128xf32, #tpu.memory_space<hbm>>
      tpu.enqueue_indirect_dma source(%dma_start3A_97 : memref<10240x128xf32, #tpu.memory_space<hbm>>) target(%arg12 : memref<128x128xf32, #tpu.memory_space<vmem>>) offsets(%arg8 : memref<128xi32, #tpu.memory_space<vmem>>) semaphore(%arg14 : memref<!tpu.dma_semaphore, #tpu.memory_space<semaphore_mem>>)
      %add3A_98 = arith.addi %select_n3A, %add3A_80 : i32
      %mul3A_99 = arith.constant 128 : i32
      %mul3A_100 = arith.muli %add3A_98, %mul3A_99 : i32
      %dma_start3A_101 = tpu.memref_slice %arg3[%mul3A_100] : memref<323584xi32, #tpu.memory_space<hbm>> -> memref<128xi32, #tpu.memory_space<hbm>>
      %dma_start3A_102 = tpu.memref_slice %arg3[%mul3A_100] : memref<323584xi32, #tpu.memory_space<hbm>> -> memref<128xi32, #tpu.memory_space<hbm>>
      tpu.enqueue_dma source(%dma_start3A_102 : memref<128xi32, #tpu.memory_space<hbm>>) target(%arg7 : memref<128xi32, #tpu.memory_space<vmem>>) target_semaphore(%arg15 : memref<!tpu.dma_semaphore, #tpu.memory_space<semaphore_mem>>)
      %dma_wait3A_103 = arith.constant 0 : i32
      %dma_wait3A_104 = tpu.memref_slice %arg4[%dma_wait3A_103] : memref<323584xi32, #tpu.memory_space<hbm>> -> memref<128xi32, #tpu.memory_space<hbm>>
      %dma_wait3A_105 = arith.constant 0 : i32
      %dma_wait3A_106 = tpu.memref_slice %arg4[%dma_wait3A_105] : memref<323584xi32, #tpu.memory_space<hbm>> -> memref<128xi32, #tpu.memory_space<hbm>>
      tpu.wait_dma2 semaphore(%arg17 : memref<!tpu.dma_semaphore, #tpu.memory_space<semaphore_mem>>) src(%dma_wait3A_106 : memref<128xi32, #tpu.memory_space<hbm>>) dst(%arg9 : memref<128xi32, #tpu.memory_space<vmem>>)
      "tpu.region"() ({
        %run_scoped3A = tpu.sem_alloc : memref<!tpu.dma_semaphore, #tpu.memory_space<semaphore_mem>>
        %dma_start3A_136 = arith.constant 0 : i32
        %dma_start3A_137 = arith.constant 0 : i32
        %dma_start3A_138 = tpu.memref_slice %arg6[%dma_start3A_136, %dma_start3A_137] : memref<10240x128xf32, #tpu.memory_space<vmem_shared>> -> memref<10240x128xf32, #tpu.memory_space<vmem_shared>>
        tpu.enqueue_indirect_dma source(%arg11 : memref<128x128xf32, #tpu.memory_space<vmem>>) target(%dma_start3A_138 : memref<10240x128xf32, #tpu.memory_space<vmem_shared>>) offsets(%arg9 : memref<128xi32, #tpu.memory_space<vmem>>) semaphore(%run_scoped3A : memref<!tpu.dma_semaphore, #tpu.memory_space<semaphore_mem>>) {add = true}
        %dma_wait3A_139 = arith.constant 0 : i32
        %dma_wait3A_140 = arith.constant 0 : i32
        %dma_wait3A_141 = tpu.memref_slice %arg6[%dma_wait3A_139, %dma_wait3A_140] : memref<10240x128xf32, #tpu.memory_space<vmem_shared>> -> memref<10240x128xf32, #tpu.memory_space<vmem_shared>>
        tpu.wait_indirect_dma semaphore(%run_scoped3A : memref<!tpu.dma_semaphore, #tpu.memory_space<semaphore_mem>>) src(%arg11 : memref<128x128xf32, #tpu.memory_space<vmem>>) dst(%dma_wait3A_141 : memref<10240x128xf32, #tpu.memory_space<vmem_shared>>)
        tpu.yield
      }) : () -> ()
      %add3A_107 = arith.addi %select_n3A, %add3A_80 : i32
      %mul3A_108 = arith.constant 128 : i32
      %mul3A_109 = arith.muli %add3A_107, %mul3A_108 : i32
      %dma_start3A_110 = tpu.memref_slice %arg4[%mul3A_109] : memref<323584xi32, #tpu.memory_space<hbm>> -> memref<128xi32, #tpu.memory_space<hbm>>
      %dma_start3A_111 = tpu.memref_slice %arg4[%mul3A_109] : memref<323584xi32, #tpu.memory_space<hbm>> -> memref<128xi32, #tpu.memory_space<hbm>>
      tpu.enqueue_dma source(%dma_start3A_111 : memref<128xi32, #tpu.memory_space<hbm>>) target(%arg9 : memref<128xi32, #tpu.memory_space<vmem>>) target_semaphore(%arg17 : memref<!tpu.dma_semaphore, #tpu.memory_space<semaphore_mem>>)
      %dma_wait3A_112 = arith.constant 0 : i32
      %dma_wait3A_113 = tpu.memref_slice %arg3[%dma_wait3A_112] : memref<323584xi32, #tpu.memory_space<hbm>> -> memref<128xi32, #tpu.memory_space<hbm>>
      %dma_wait3A_114 = arith.constant 0 : i32
      %dma_wait3A_115 = tpu.memref_slice %arg3[%dma_wait3A_114] : memref<323584xi32, #tpu.memory_space<hbm>> -> memref<128xi32, #tpu.memory_space<hbm>>
      tpu.wait_dma2 semaphore(%arg15 : memref<!tpu.dma_semaphore, #tpu.memory_space<semaphore_mem>>) src(%dma_wait3A_115 : memref<128xi32, #tpu.memory_space<hbm>>) dst(%arg7 : memref<128xi32, #tpu.memory_space<vmem>>)
      %dma_wait3A_116 = arith.constant 0 : i32
      %dma_wait3A_117 = arith.constant 0 : i32
      %dma_wait3A_118 = tpu.memref_slice %arg2[%dma_wait3A_116, %dma_wait3A_117] : memref<10240x128xf32, #tpu.memory_space<hbm>> -> memref<128x128xf32, #tpu.memory_space<hbm>>
      %dma_wait3A_119 = arith.constant 0 : i32
      %dma_wait3A_120 = arith.constant 0 : i32
      %dma_wait3A_121 = tpu.memref_slice %arg2[%dma_wait3A_119, %dma_wait3A_120] : memref<10240x128xf32, #tpu.memory_space<hbm>> -> memref<128x128xf32, #tpu.memory_space<hbm>>
      tpu.wait_dma2 semaphore(%arg14 : memref<!tpu.dma_semaphore, #tpu.memory_space<semaphore_mem>>) src(%dma_wait3A_121 : memref<128x128xf32, #tpu.memory_space<hbm>>) dst(%arg12 : memref<128x128xf32, #tpu.memory_space<vmem>>)
      %dma_start3A_122 = arith.constant 0 : i32
      %dma_start3A_123 = arith.constant 0 : i32
      %dma_start3A_124 = tpu.memref_slice %arg2[%dma_start3A_122, %dma_start3A_123] : memref<10240x128xf32, #tpu.memory_space<hbm>> -> memref<10240x128xf32, #tpu.memory_space<hbm>>
      tpu.enqueue_indirect_dma source(%dma_start3A_124 : memref<10240x128xf32, #tpu.memory_space<hbm>>) target(%arg11 : memref<128x128xf32, #tpu.memory_space<vmem>>) offsets(%arg7 : memref<128xi32, #tpu.memory_space<vmem>>) semaphore(%arg13 : memref<!tpu.dma_semaphore, #tpu.memory_space<semaphore_mem>>)
      %lt3A = arith.cmpi slt, %add3A_84, %select_n3A_8 : i32
      %convert_element_type3A_125 = arith.extui %lt3A : i1 to i32
      %cond3A_126 = arith.constant 0 : i32
      %cond3A_127 = arith.cmpi ne, %convert_element_type3A_125, %cond3A_126 : i32
      scf.if %cond3A_127 {
        %add3A_136 = arith.addi %select_n3A, %add3A_84 : i32
        %mul3A_137 = arith.constant 128 : i32
        %mul3A_138 = arith.muli %add3A_136, %mul3A_137 : i32
        %dma_start3A_139 = tpu.memref_slice %arg3[%mul3A_138] : memref<323584xi32, #tpu.memory_space<hbm>> -> memref<128xi32, #tpu.memory_space<hbm>>
        %dma_start3A_140 = tpu.memref_slice %arg3[%mul3A_138] : memref<323584xi32, #tpu.memory_space<hbm>> -> memref<128xi32, #tpu.memory_space<hbm>>
        tpu.enqueue_dma source(%dma_start3A_140 : memref<128xi32, #tpu.memory_space<hbm>>) target(%arg8 : memref<128xi32, #tpu.memory_space<vmem>>) target_semaphore(%arg16 : memref<!tpu.dma_semaphore, #tpu.memory_space<semaphore_mem>>)
      } else {
      }
      %dma_wait3A_128 = arith.constant 0 : i32
      %dma_wait3A_129 = tpu.memref_slice %arg4[%dma_wait3A_128] : memref<323584xi32, #tpu.memory_space<hbm>> -> memref<128xi32, #tpu.memory_space<hbm>>
      %dma_wait3A_130 = arith.constant 0 : i32
      %dma_wait3A_131 = tpu.memref_slice %arg4[%dma_wait3A_130] : memref<323584xi32, #tpu.memory_space<hbm>> -> memref<128xi32, #tpu.memory_space<hbm>>
      tpu.wait_dma2 semaphore(%arg18 : memref<!tpu.dma_semaphore, #tpu.memory_space<semaphore_mem>>) src(%dma_wait3A_131 : memref<128xi32, #tpu.memory_space<hbm>>) dst(%arg10 : memref<128xi32, #tpu.memory_space<vmem>>)
      "tpu.region"() ({
        %run_scoped3A = tpu.sem_alloc : memref<!tpu.dma_semaphore, #tpu.memory_space<semaphore_mem>>
        %dma_start3A_136 = arith.constant 0 : i32
        %dma_start3A_137 = arith.constant 0 : i32
        %dma_start3A_138 = tpu.memref_slice %arg6[%dma_start3A_136, %dma_start3A_137] : memref<10240x128xf32, #tpu.memory_space<vmem_shared>> -> memref<10240x128xf32, #tpu.memory_space<vmem_shared>>
        tpu.enqueue_indirect_dma source(%arg12 : memref<128x128xf32, #tpu.memory_space<vmem>>) target(%dma_start3A_138 : memref<10240x128xf32, #tpu.memory_space<vmem_shared>>) offsets(%arg10 : memref<128xi32, #tpu.memory_space<vmem>>) semaphore(%run_scoped3A : memref<!tpu.dma_semaphore, #tpu.memory_space<semaphore_mem>>) {add = true}
        %dma_wait3A_139 = arith.constant 0 : i32
        %dma_wait3A_140 = arith.constant 0 : i32
        %dma_wait3A_141 = tpu.memref_slice %arg6[%dma_wait3A_139, %dma_wait3A_140] : memref<10240x128xf32, #tpu.memory_space<vmem_shared>> -> memref<10240x128xf32, #tpu.memory_space<vmem_shared>>
        tpu.wait_indirect_dma semaphore(%run_scoped3A : memref<!tpu.dma_semaphore, #tpu.memory_space<semaphore_mem>>) src(%arg12 : memref<128x128xf32, #tpu.memory_space<vmem>>) dst(%dma_wait3A_141 : memref<10240x128xf32, #tpu.memory_space<vmem_shared>>)
        tpu.yield
      }) : () -> ()
      %lt3A_132 = arith.cmpi slt, %add3A_84, %select_n3A_8 : i32
      %convert_element_type3A_133 = arith.extui %lt3A_132 : i1 to i32
      %cond3A_134 = arith.constant 0 : i32
      %cond3A_135 = arith.cmpi ne, %convert_element_type3A_133, %cond3A_134 : i32
      scf.if %cond3A_135 {
        %add3A_136 = arith.addi %select_n3A, %add3A_84 : i32
        %mul3A_137 = arith.constant 128 : i32
        %mul3A_138 = arith.muli %add3A_136, %mul3A_137 : i32
        %dma_start3A_139 = tpu.memref_slice %arg4[%mul3A_138] : memref<323584xi32, #tpu.memory_space<hbm>> -> memref<128xi32, #tpu.memory_space<hbm>>
        %dma_start3A_140 = tpu.memref_slice %arg4[%mul3A_138] : memref<323584xi32, #tpu.memory_space<hbm>> -> memref<128xi32, #tpu.memory_space<hbm>>
        tpu.enqueue_dma source(%dma_start3A_140 : memref<128xi32, #tpu.memory_space<hbm>>) target(%arg10 : memref<128xi32, #tpu.memory_space<vmem>>) target_semaphore(%arg18 : memref<!tpu.dma_semaphore, #tpu.memory_space<semaphore_mem>>)
      } else {
      }
    }
    %while3A_60 = arith.constant 1 : i32
    scf.for %while3A_76 = %while3A_58 to %while3A_54 step %while3A_60  : i32 {
      %mul3A_77 = arith.constant 2 : i32
      %mul3A_78 = arith.muli %mul3A_77, %while3A_76 : i32
      %add3A_79 = arith.constant 2 : i32
      %add3A_80 = arith.addi %mul3A_78, %add3A_79 : i32
      %mul3A_81 = arith.constant 2 : i32
      %mul3A_82 = arith.muli %mul3A_81, %while3A_76 : i32
      %add3A_83 = arith.constant 3 : i32
      %add3A_84 = arith.addi %mul3A_82, %add3A_83 : i32
      %dma_wait3A_85 = arith.constant 0 : i32
      %dma_wait3A_86 = tpu.memref_slice %arg3[%dma_wait3A_85] : memref<323584xi32, #tpu.memory_space<hbm>> -> memref<128xi32, #tpu.memory_space<hbm>>
      %dma_wait3A_87 = arith.constant 0 : i32
      %dma_wait3A_88 = tpu.memref_slice %arg3[%dma_wait3A_87] : memref<323584xi32, #tpu.memory_space<hbm>> -> memref<128xi32, #tpu.memory_space<hbm>>
      tpu.wait_dma2 semaphore(%arg16 : memref<!tpu.dma_semaphore, #tpu.memory_space<semaphore_mem>>) src(%dma_wait3A_88 : memref<128xi32, #tpu.memory_space<hbm>>) dst(%arg8 : memref<128xi32, #tpu.memory_space<vmem>>)
      %dma_wait3A_89 = arith.constant 0 : i32
      %dma_wait3A_90 = arith.constant 0 : i32
      %dma_wait3A_91 = tpu.memref_slice %arg2[%dma_wait3A_89, %dma_wait3A_90] : memref<10240x128xf32, #tpu.memory_space<hbm>> -> memref<128x128xf32, #tpu.memory_space<hbm>>
      %dma_wait3A_92 = arith.constant 0 : i32
      %dma_wait3A_93 = arith.constant 0 : i32
      %dma_wait3A_94 = tpu.memref_slice %arg2[%dma_wait3A_92, %dma_wait3A_93] : memref<10240x128xf32, #tpu.memory_space<hbm>> -> memref<128x128xf32, #tpu.memory_space<hbm>>
      tpu.wait_dma2 semaphore(%arg13 : memref<!tpu.dma_semaphore, #tpu.memory_space<semaphore_mem>>) src(%dma_wait3A_94 : memref<128x128xf32, #tpu.memory_space<hbm>>) dst(%arg11 : memref<128x128xf32, #tpu.memory_space<vmem>>)
      %dma_start3A_95 = arith.constant 0 : i32
      %dma_start3A_96 = arith.constant 0 : i32
      %dma_start3A_97 = tpu.memref_slice %arg2[%dma_start3A_95, %dma_start3A_96] : memref<10240x128xf32, #tpu.memory_space<hbm>> -> memref<10240x128xf32, #tpu.memory_space<hbm>>
      tpu.enqueue_indirect_dma source(%dma_start3A_97 : memref<10240x128xf32, #tpu.memory_space<hbm>>) target(%arg12 : memref<128x128xf32, #tpu.memory_space<vmem>>) offsets(%arg8 : memref<128xi32, #tpu.memory_space<vmem>>) semaphore(%arg14 : memref<!tpu.dma_semaphore, #tpu.memory_space<semaphore_mem>>)
      %add3A_98 = arith.addi %select_n3A, %add3A_80 : i32
      %mul3A_99 = arith.constant 128 : i32
      %mul3A_100 = arith.muli %add3A_98, %mul3A_99 : i32
      %dma_start3A_101 = tpu.memref_slice %arg3[%mul3A_100] : memref<323584xi32, #tpu.memory_space<hbm>> -> memref<128xi32, #tpu.memory_space<hbm>>
      %dma_start3A_102 = tpu.memref_slice %arg3[%mul3A_100] : memref<323584xi32, #tpu.memory_space<hbm>> -> memref<128xi32, #tpu.memory_space<hbm>>
      tpu.enqueue_dma source(%dma_start3A_102 : memref<128xi32, #tpu.memory_space<hbm>>) target(%arg7 : memref<128xi32, #tpu.memory_space<vmem>>) target_semaphore(%arg15 : memref<!tpu.dma_semaphore, #tpu.memory_space<semaphore_mem>>)
      %dma_wait3A_103 = arith.constant 0 : i32
      %dma_wait3A_104 = tpu.memref_slice %arg4[%dma_wait3A_103] : memref<323584xi32, #tpu.memory_space<hbm>> -> memref<128xi32, #tpu.memory_space<hbm>>
      %dma_wait3A_105 = arith.constant 0 : i32
      %dma_wait3A_106 = tpu.memref_slice %arg4[%dma_wait3A_105] : memref<323584xi32, #tpu.memory_space<hbm>> -> memref<128xi32, #tpu.memory_space<hbm>>
      tpu.wait_dma2 semaphore(%arg17 : memref<!tpu.dma_semaphore, #tpu.memory_space<semaphore_mem>>) src(%dma_wait3A_106 : memref<128xi32, #tpu.memory_space<hbm>>) dst(%arg9 : memref<128xi32, #tpu.memory_space<vmem>>)
      "tpu.region"() ({
        %run_scoped3A = tpu.sem_alloc : memref<!tpu.dma_semaphore, #tpu.memory_space<semaphore_mem>>
        %dma_start3A_136 = arith.constant 0 : i32
        %dma_start3A_137 = arith.constant 0 : i32
        %dma_start3A_138 = tpu.memref_slice %arg6[%dma_start3A_136, %dma_start3A_137] : memref<10240x128xf32, #tpu.memory_space<vmem_shared>> -> memref<10240x128xf32, #tpu.memory_space<vmem_shared>>
        tpu.enqueue_indirect_dma source(%arg11 : memref<128x128xf32, #tpu.memory_space<vmem>>) target(%dma_start3A_138 : memref<10240x128xf32, #tpu.memory_space<vmem_shared>>) offsets(%arg9 : memref<128xi32, #tpu.memory_space<vmem>>) semaphore(%run_scoped3A : memref<!tpu.dma_semaphore, #tpu.memory_space<semaphore_mem>>) {add = true}
        %dma_wait3A_139 = arith.constant 0 : i32
        %dma_wait3A_140 = arith.constant 0 : i32
        %dma_wait3A_141 = tpu.memref_slice %arg6[%dma_wait3A_139, %dma_wait3A_140] : memref<10240x128xf32, #tpu.memory_space<vmem_shared>> -> memref<10240x128xf32, #tpu.memory_space<vmem_shared>>
        tpu.wait_indirect_dma semaphore(%run_scoped3A : memref<!tpu.dma_semaphore, #tpu.memory_space<semaphore_mem>>) src(%arg11 : memref<128x128xf32, #tpu.memory_space<vmem>>) dst(%dma_wait3A_141 : memref<10240x128xf32, #tpu.memory_space<vmem_shared>>)
        tpu.yield
      }) : () -> ()
      %add3A_107 = arith.addi %select_n3A, %add3A_80 : i32
      %mul3A_108 = arith.constant 128 : i32
      %mul3A_109 = arith.muli %add3A_107, %mul3A_108 : i32
      %dma_start3A_110 = tpu.memref_slice %arg4[%mul3A_109] : memref<323584xi32, #tpu.memory_space<hbm>> -> memref<128xi32, #tpu.memory_space<hbm>>
      %dma_start3A_111 = tpu.memref_slice %arg4[%mul3A_109] : memref<323584xi32, #tpu.memory_space<hbm>> -> memref<128xi32, #tpu.memory_space<hbm>>
      tpu.enqueue_dma source(%dma_start3A_111 : memref<128xi32, #tpu.memory_space<hbm>>) target(%arg9 : memref<128xi32, #tpu.memory_space<vmem>>) target_semaphore(%arg17 : memref<!tpu.dma_semaphore, #tpu.memory_space<semaphore_mem>>)
      %dma_wait3A_112 = arith.constant 0 : i32
      %dma_wait3A_113 = tpu.memref_slice %arg3[%dma_wait3A_112] : memref<323584xi32, #tpu.memory_space<hbm>> -> memref<128xi32, #tpu.memory_space<hbm>>
      %dma_wait3A_114 = arith.constant 0 : i32
      %dma_wait3A_115 = tpu.memref_slice %arg3[%dma_wait3A_114] : memref<323584xi32, #tpu.memory_space<hbm>> -> memref<128xi32, #tpu.memory_space<hbm>>
      tpu.wait_dma2 semaphore(%arg15 : memref<!tpu.dma_semaphore, #tpu.memory_space<semaphore_mem>>) src(%dma_wait3A_115 : memref<128xi32, #tpu.memory_space<hbm>>) dst(%arg7 : memref<128xi32, #tpu.memory_space<vmem>>)
      %dma_wait3A_116 = arith.constant 0 : i32
      %dma_wait3A_117 = arith.constant 0 : i32
      %dma_wait3A_118 = tpu.memref_slice %arg2[%dma_wait3A_116, %dma_wait3A_117] : memref<10240x128xf32, #tpu.memory_space<hbm>> -> memref<128x128xf32, #tpu.memory_space<hbm>>
      %dma_wait3A_119 = arith.constant 0 : i32
      %dma_wait3A_120 = arith.constant 0 : i32
      %dma_wait3A_121 = tpu.memref_slice %arg2[%dma_wait3A_119, %dma_wait3A_120] : memref<10240x128xf32, #tpu.memory_space<hbm>> -> memref<128x128xf32, #tpu.memory_space<hbm>>
      tpu.wait_dma2 semaphore(%arg14 : memref<!tpu.dma_semaphore, #tpu.memory_space<semaphore_mem>>) src(%dma_wait3A_121 : memref<128x128xf32, #tpu.memory_space<hbm>>) dst(%arg12 : memref<128x128xf32, #tpu.memory_space<vmem>>)
      %dma_start3A_122 = arith.constant 0 : i32
      %dma_start3A_123 = arith.constant 0 : i32
      %dma_start3A_124 = tpu.memref_slice %arg2[%dma_start3A_122, %dma_start3A_123] : memref<10240x128xf32, #tpu.memory_space<hbm>> -> memref<10240x128xf32, #tpu.memory_space<hbm>>
      tpu.enqueue_indirect_dma source(%dma_start3A_124 : memref<10240x128xf32, #tpu.memory_space<hbm>>) target(%arg11 : memref<128x128xf32, #tpu.memory_space<vmem>>) offsets(%arg7 : memref<128xi32, #tpu.memory_space<vmem>>) semaphore(%arg13 : memref<!tpu.dma_semaphore, #tpu.memory_space<semaphore_mem>>)
      %lt3A = arith.cmpi slt, %add3A_84, %select_n3A_8 : i32
      %convert_element_type3A_125 = arith.extui %lt3A : i1 to i32
      %cond3A_126 = arith.constant 0 : i32
      %cond3A_127 = arith.cmpi ne, %convert_element_type3A_125, %cond3A_126 : i32
      scf.if %cond3A_127 {
        %add3A_136 = arith.addi %select_n3A, %add3A_84 : i32
        %mul3A_137 = arith.constant 128 : i32
        %mul3A_138 = arith.muli %add3A_136, %mul3A_137 : i32
        %dma_start3A_139 = tpu.memref_slice %arg3[%mul3A_138] : memref<323584xi32, #tpu.memory_space<hbm>> -> memref<128xi32, #tpu.memory_space<hbm>>
        %dma_start3A_140 = tpu.memref_slice %arg3[%mul3A_138] : memref<323584xi32, #tpu.memory_space<hbm>> -> memref<128xi32, #tpu.memory_space<hbm>>
        tpu.enqueue_dma source(%dma_start3A_140 : memref<128xi32, #tpu.memory_space<hbm>>) target(%arg8 : memref<128xi32, #tpu.memory_space<vmem>>) target_semaphore(%arg16 : memref<!tpu.dma_semaphore, #tpu.memory_space<semaphore_mem>>)
      } else {
      }
      %dma_wait3A_128 = arith.constant 0 : i32
      %dma_wait3A_129 = tpu.memref_slice %arg4[%dma_wait3A_128] : memref<323584xi32, #tpu.memory_space<hbm>> -> memref<128xi32, #tpu.memory_space<hbm>>
      %dma_wait3A_130 = arith.constant 0 : i32
      %dma_wait3A_131 = tpu.memref_slice %arg4[%dma_wait3A_130] : memref<323584xi32, #tpu.memory_space<hbm>> -> memref<128xi32, #tpu.memory_space<hbm>>
      tpu.wait_dma2 semaphore(%arg18 : memref<!tpu.dma_semaphore, #tpu.memory_space<semaphore_mem>>) src(%dma_wait3A_131 : memref<128xi32, #tpu.memory_space<hbm>>) dst(%arg10 : memref<128xi32, #tpu.memory_space<vmem>>)
      "tpu.region"() ({
        %run_scoped3A = tpu.sem_alloc : memref<!tpu.dma_semaphore, #tpu.memory_space<semaphore_mem>>
        %dma_start3A_136 = arith.constant 0 : i32
        %dma_start3A_137 = arith.constant 0 : i32
        %dma_start3A_138 = tpu.memref_slice %arg6[%dma_start3A_136, %dma_start3A_137] : memref<10240x128xf32, #tpu.memory_space<vmem_shared>> -> memref<10240x128xf32, #tpu.memory_space<vmem_shared>>
        tpu.enqueue_indirect_dma source(%arg12 : memref<128x128xf32, #tpu.memory_space<vmem>>) target(%dma_start3A_138 : memref<10240x128xf32, #tpu.memory_space<vmem_shared>>) offsets(%arg10 : memref<128xi32, #tpu.memory_space<vmem>>) semaphore(%run_scoped3A : memref<!tpu.dma_semaphore, #tpu.memory_space<semaphore_mem>>) {add = true}
        %dma_wait3A_139 = arith.constant 0 : i32
        %dma_wait3A_140 = arith.constant 0 : i32
        %dma_wait3A_141 = tpu.memref_slice %arg6[%dma_wait3A_139, %dma_wait3A_140] : memref<10240x128xf32, #tpu.memory_space<vmem_shared>> -> memref<10240x128xf32, #tpu.memory_space<vmem_shared>>
        tpu.wait_indirect_dma semaphore(%run_scoped3A : memref<!tpu.dma_semaphore, #tpu.memory_space<semaphore_mem>>) src(%arg12 : memref<128x128xf32, #tpu.memory_space<vmem>>) dst(%dma_wait3A_141 : memref<10240x128xf32, #tpu.memory_space<vmem_shared>>)
        tpu.yield
      }) : () -> ()
      %lt3A_132 = arith.cmpi slt, %add3A_84, %select_n3A_8 : i32
      %convert_element_type3A_133 = arith.extui %lt3A_132 : i1 to i32
      %cond3A_134 = arith.constant 0 : i32
      %cond3A_135 = arith.cmpi ne, %convert_element_type3A_133, %cond3A_134 : i32
      scf.if %cond3A_135 {
        %add3A_136 = arith.addi %select_n3A, %add3A_84 : i32
        %mul3A_137 = arith.constant 128 : i32
        %mul3A_138 = arith.muli %add3A_136, %mul3A_137 : i32
        %dma_start3A_139 = tpu.memref_slice %arg4[%mul3A_138] : memref<323584xi32, #tpu.memory_space<hbm>> -> memref<128xi32, #tpu.memory_space<hbm>>
        %dma_start3A_140 = tpu.memref_slice %arg4[%mul3A_138] : memref<323584xi32, #tpu.memory_space<hbm>> -> memref<128xi32, #tpu.memory_space<hbm>>
        tpu.enqueue_dma source(%dma_start3A_140 : memref<128xi32, #tpu.memory_space<hbm>>) target(%arg10 : memref<128xi32, #tpu.memory_space<vmem>>) target_semaphore(%arg18 : memref<!tpu.dma_semaphore, #tpu.memory_space<semaphore_mem>>)
      } else {
      }
    }
    %dma_wait3A_61 = arith.constant 0 : i32
    %dma_wait3A_62 = arith.constant 0 : i32
    %dma_wait3A_63 = tpu.memref_slice %arg2[%dma_wait3A_61, %dma_wait3A_62] : memref<10240x128xf32, #tpu.memory_space<hbm>> -> memref<128x128xf32, #tpu.memory_space<hbm>>
    %dma_wait3A_64 = arith.constant 0 : i32
    %dma_wait3A_65 = arith.constant 0 : i32
    %dma_wait3A_66 = tpu.memref_slice %arg2[%dma_wait3A_64, %dma_wait3A_65] : memref<10240x128xf32, #tpu.memory_space<hbm>> -> memref<128x128xf32, #tpu.memory_space<hbm>>
    tpu.wait_dma2 semaphore(%arg13 : memref<!tpu.dma_semaphore, #tpu.memory_space<semaphore_mem>>) src(%dma_wait3A_66 : memref<128x128xf32, #tpu.memory_space<hbm>>) dst(%arg11 : memref<128x128xf32, #tpu.memory_space<vmem>>)
    %dma_wait3A_67 = arith.constant 0 : i32
    %dma_wait3A_68 = tpu.memref_slice %arg4[%dma_wait3A_67] : memref<323584xi32, #tpu.memory_space<hbm>> -> memref<128xi32, #tpu.memory_space<hbm>>
    %dma_wait3A_69 = arith.constant 0 : i32
    %dma_wait3A_70 = tpu.memref_slice %arg4[%dma_wait3A_69] : memref<323584xi32, #tpu.memory_space<hbm>> -> memref<128xi32, #tpu.memory_space<hbm>>
    tpu.wait_dma2 semaphore(%arg17 : memref<!tpu.dma_semaphore, #tpu.memory_space<semaphore_mem>>) src(%dma_wait3A_70 : memref<128xi32, #tpu.memory_space<hbm>>) dst(%arg9 : memref<128xi32, #tpu.memory_space<vmem>>)
    "tpu.region"() ({
      %run_scoped3A = tpu.sem_alloc : memref<!tpu.dma_semaphore, #tpu.memory_space<semaphore_mem>>
      %dma_start3A_76 = arith.constant 0 : i32
      %dma_start3A_77 = arith.constant 0 : i32
      %dma_start3A_78 = tpu.memref_slice %arg6[%dma_start3A_76, %dma_start3A_77] : memref<10240x128xf32, #tpu.memory_space<vmem_shared>> -> memref<10240x128xf32, #tpu.memory_space<vmem_shared>>
      tpu.enqueue_indirect_dma source(%arg11 : memref<128x128xf32, #tpu.memory_space<vmem>>) target(%dma_start3A_78 : memref<10240x128xf32, #tpu.memory_space<vmem_shared>>) offsets(%arg9 : memref<128xi32, #tpu.memory_space<vmem>>) semaphore(%run_scoped3A : memref<!tpu.dma_semaphore, #tpu.memory_space<semaphore_mem>>) {add = true}
      %dma_wait3A_79 = arith.constant 0 : i32
      %dma_wait3A_80 = arith.constant 0 : i32
      %dma_wait3A_81 = tpu.memref_slice %arg6[%dma_wait3A_79, %dma_wait3A_80] : memref<10240x128xf32, #tpu.memory_space<vmem_shared>> -> memref<10240x128xf32, #tpu.memory_space<vmem_shared>>
      tpu.wait_indirect_dma semaphore(%run_scoped3A : memref<!tpu.dma_semaphore, #tpu.memory_space<semaphore_mem>>) src(%arg11 : memref<128x128xf32, #tpu.memory_space<vmem>>) dst(%dma_wait3A_81 : memref<10240x128xf32, #tpu.memory_space<vmem_shared>>)
      tpu.yield
    }) : () -> ()
    %barrier3A_71 = arith.constant 0 : index
    tpu.barrier barrier_id(%barrier3A_71)
    %mul3A_72 = arith.constant 640 : i32
    %mul3A_73 = arith.muli %arg1, %mul3A_72 : i32
    %mul3A_74 = arith.constant 640 : i32
    %mul3A_75 = arith.muli %arg1, %mul3A_74 : i32
    "tpu.region"() ({
      %run_scoped3A = tpu.sem_alloc : memref<!tpu.dma_semaphore, #tpu.memory_space<semaphore_mem>>
      %dma_start3A_76 = arith.constant 0 : i32
      %dma_start3A_77 = tpu.memref_slice %arg5[%arg0, %mul3A_75, %dma_start3A_76] : memref<2x10240x128xf32, #tpu.memory_space<hbm>> -> memref<1x640x128xf32, #tpu.memory_space<hbm>>
      %dma_start3A_78 = tpu.memref_squeeze %dma_start3A_77 : memref<1x640x128xf32, #tpu.memory_space<hbm>> -> memref<640x128xf32, #tpu.memory_space<hbm>>
      %dma_start3A_79 = arith.constant 0 : i32
      %dma_start3A_80 = tpu.memref_slice %arg6[%mul3A_73, %dma_start3A_79] : memref<10240x128xf32, #tpu.memory_space<vmem_shared>> -> memref<640x128xf32, #tpu.memory_space<vmem_shared>>
      tpu.enqueue_dma source(%dma_start3A_80 : memref<640x128xf32, #tpu.memory_space<vmem_shared>>) target(%dma_start3A_78 : memref<640x128xf32, #tpu.memory_space<hbm>>) target_semaphore(%run_scoped3A : memref<!tpu.dma_semaphore, #tpu.memory_space<semaphore_mem>>)
      %dma_wait3A_81 = arith.constant 0 : i32
      %dma_wait3A_82 = tpu.memref_slice %arg5[%arg0, %mul3A_75, %dma_wait3A_81] : memref<2x10240x128xf32, #tpu.memory_space<hbm>> -> memref<1x640x128xf32, #tpu.memory_space<hbm>>
      %dma_wait3A_83 = tpu.memref_squeeze %dma_wait3A_82 : memref<1x640x128xf32, #tpu.memory_space<hbm>> -> memref<640x128xf32, #tpu.memory_space<hbm>>
      %dma_wait3A_84 = arith.constant 0 : i32
      %dma_wait3A_85 = tpu.memref_slice %arg6[%mul3A_73, %dma_wait3A_84] : memref<10240x128xf32, #tpu.memory_space<vmem_shared>> -> memref<640x128xf32, #tpu.memory_space<vmem_shared>>
      tpu.wait_dma2 semaphore(%run_scoped3A : memref<!tpu.dma_semaphore, #tpu.memory_space<semaphore_mem>>) src(%dma_wait3A_85 : memref<640x128xf32, #tpu.memory_space<vmem_shared>>) dst(%dma_wait3A_83 : memref<640x128xf32, #tpu.memory_space<hbm>>)
      tpu.yield
    }) : () -> ()
    return
  }
}

#map = affine_map<(d0, d1) -> (0, 0)>
#map1 = affine_map<(d0, d1) -> (0)>
#map2 = affine_map<(d0, d1) -> (0, 0, 0)>
module attributes {stable_mosaic.version = 14 : i64} {
  func.func @_sc_scatter(%arg0: i32, %arg1: i32, %arg2: memref<10240x128xf32, #tpu.memory_space<hbm>>, %arg3: memref<323584xi32, #tpu.memory_space<hbm>>, %arg4: memref<323584xi32, #tpu.memory_space<hbm>>, %arg5: memref<2x10240x128xf32, #tpu.memory_space<hbm>>, %arg6: memref<10240x128xf32, #tpu.memory_space<vmem_shared>>, %arg7: memref<128xi32, #tpu.memory_space<vmem>>, %arg8: memref<128xi32, #tpu.memory_space<vmem>>, %arg9: memref<128xi32, #tpu.memory_space<vmem>>, %arg10: memref<128xi32, #tpu.memory_space<vmem>>, %arg11: memref<128x128xf32, #tpu.memory_space<vmem>>, %arg12: memref<128x128xf32, #tpu.memory_space<vmem>>, %arg13: memref<!tpu.dma_semaphore, #tpu.memory_space<semaphore_mem>>, %arg14: memref<!tpu.dma_semaphore, #tpu.memory_space<semaphore_mem>>, %arg15: memref<!tpu.dma_semaphore, #tpu.memory_space<semaphore_mem>>, %arg16: memref<!tpu.dma_semaphore, #tpu.memory_space<semaphore_mem>>, %arg17: memref<!tpu.dma_semaphore, #tpu.memory_space<semaphore_mem>>, %arg18: memref<!tpu.dma_semaphore, #tpu.memory_space<semaphore_mem>>) attributes {dimension_semantics = [#tpu.dimension_semantics<core_parallel>, #tpu.dimension_semantics<subcore_parallel>], iteration_bounds = array<i64: 2, 16>, scalar_prefetch = 0 : i64, scratch_operands = 13 : i64, tpu.core_type = #tpu.core_type<sc_vector_subcore>, window_params = [{transform_indices = #map}, {transform_indices = #map1}, {transform_indices = #map1}, {transform_indices = #map2}]} {
    %eq3A = arith.constant 0 : i32
    %eq3A_0 = arith.cmpi eq, %arg0, %eq3A : i32
    %mul3A = arith.constant 137 : i32
    %mul3A_1 = arith.muli %arg1, %mul3A : i32
    %mul3A_2 = arith.constant 21 : i32
    %mul3A_3 = arith.muli %arg1, %mul3A_2 : i32
    %add3A = arith.constant 2192 : i32
    %add3A_4 = arith.addi %add3A, %mul3A_3 : i32
    %select_n3A = arith.select %eq3A_0, %mul3A_1, %add3A_4 : i32
    %eq3A_5 = arith.constant 0 : i32
    %eq3A_6 = arith.cmpi eq, %arg0, %eq3A_5 : i32
    %jit3A = arith.constant 137 : i32
    %jit3A_7 = arith.constant 21 : i32
    %select_n3A_8 = arith.select %eq3A_6, %jit3A, %jit3A_7 : i32
    %mul3A_9 = arith.constant 640 : i32
    %mul3A_10 = arith.muli %arg1, %mul3A_9 : i32
    %mul3A_11 = arith.constant 640 : i32
    %mul3A_12 = arith.muli %arg1, %mul3A_11 : i32
    "tpu.region"() ({
      %run_scoped3A = tpu.sem_alloc : memref<!tpu.dma_semaphore, #tpu.memory_space<semaphore_mem>>
      %dma_start3A_76 = arith.constant 0 : i32
      %dma_start3A_77 = tpu.memref_slice %arg6[%mul3A_12, %dma_start3A_76] : memref<10240x128xf32, #tpu.memory_space<vmem_shared>> -> memref<640x128xf32, #tpu.memory_space<vmem_shared>>
      %dma_start3A_78 = arith.constant 0 : i32
      %dma_start3A_79 = tpu.memref_slice %arg2[%mul3A_10, %dma_start3A_78] : memref<10240x128xf32, #tpu.memory_space<hbm>> -> memref<640x128xf32, #tpu.memory_space<hbm>>
      tpu.enqueue_dma source(%dma_start3A_79 : memref<640x128xf32, #tpu.memory_space<hbm>>) target(%dma_start3A_77 : memref<640x128xf32, #tpu.memory_space<vmem_shared>>) target_semaphore(%run_scoped3A : memref<!tpu.dma_semaphore, #tpu.memory_space<semaphore_mem>>)
      %dma_wait3A_80 = arith.constant 0 : i32
      %dma_wait3A_81 = tpu.memref_slice %arg6[%mul3A_12, %dma_wait3A_80] : memref<10240x128xf32, #tpu.memory_space<vmem_shared>> -> memref<640x128xf32, #tpu.memory_space<vmem_shared>>
      %dma_wait3A_82 = arith.constant 0 : i32
      %dma_wait3A_83 = tpu.memref_slice %arg2[%mul3A_10, %dma_wait3A_82] : memref<10240x128xf32, #tpu.memory_space<hbm>> -> memref<640x128xf32, #tpu.memory_space<hbm>>
      tpu.wait_dma2 semaphore(%run_scoped3A : memref<!tpu.dma_semaphore, #tpu.memory_space<semaphore_mem>>) src(%dma_wait3A_83 : memref<640x128xf32, #tpu.memory_space<hbm>>) dst(%dma_wait3A_81 : memref<640x128xf32, #tpu.memory_space<vmem_shared>>)
      tpu.yield
    }) : () -> ()
    %add3A_13 = arith.constant 0 : i32
    %add3A_14 = arith.addi %select_n3A, %add3A_13 : i32
    %mul3A_15 = arith.constant 128 : i32
    %mul3A_16 = arith.muli %add3A_14, %mul3A_15 : i32
    %dma_start3A = tpu.memref_slice %arg3[%mul3A_16] : memref<323584xi32, #tpu.memory_space<hbm>> -> memref<128xi32, #tpu.memory_space<hbm>>
    %dma_start3A_17 = tpu.memref_slice %arg3[%mul3A_16] : memref<323584xi32, #tpu.memory_space<hbm>> -> memref<128xi32, #tpu.memory_space<hbm>>
    tpu.enqueue_dma source(%dma_start3A_17 : memref<128xi32, #tpu.memory_space<hbm>>) target(%arg7 : memref<128xi32, #tpu.memory_space<vmem>>) target_semaphore(%arg15 : memref<!tpu.dma_semaphore, #tpu.memory_space<semaphore_mem>>)
    %add3A_18 = arith.constant 0 : i32
    %add3A_19 = arith.addi %select_n3A, %add3A_18 : i32
    %mul3A_20 = arith.constant 128 : i32
    %mul3A_21 = arith.muli %add3A_19, %mul3A_20 : i32
    %dma_start3A_22 = tpu.memref_slice %arg4[%mul3A_21] : memref<323584xi32, #tpu.memory_space<hbm>> -> memref<128xi32, #tpu.memory_space<hbm>>
    %dma_start3A_23 = tpu.memref_slice %arg4[%mul3A_21] : memref<323584xi32, #tpu.memory_space<hbm>> -> memref<128xi32, #tpu.memory_space<hbm>>
    tpu.enqueue_dma source(%dma_start3A_23 : memref<128xi32, #tpu.memory_space<hbm>>) target(%arg9 : memref<128xi32, #tpu.memory_space<vmem>>) target_semaphore(%arg17 : memref<!tpu.dma_semaphore, #tpu.memory_space<semaphore_mem>>)
    %barrier3A = arith.constant 0 : index
    tpu.barrier barrier_id(%barrier3A)
    %dma_wait3A = arith.constant 0 : i32
    %dma_wait3A_24 = tpu.memref_slice %arg3[%dma_wait3A] : memref<323584xi32, #tpu.memory_space<hbm>> -> memref<128xi32, #tpu.memory_space<hbm>>
    %dma_wait3A_25 = arith.constant 0 : i32
    %dma_wait3A_26 = tpu.memref_slice %arg3[%dma_wait3A_25] : memref<323584xi32, #tpu.memory_space<hbm>> -> memref<128xi32, #tpu.memory_space<hbm>>
    tpu.wait_dma2 semaphore(%arg15 : memref<!tpu.dma_semaphore, #tpu.memory_space<semaphore_mem>>) src(%dma_wait3A_26 : memref<128xi32, #tpu.memory_space<hbm>>) dst(%arg7 : memref<128xi32, #tpu.memory_space<vmem>>)
    %dma_start3A_27 = arith.constant 0 : i32
    %dma_start3A_28 = arith.constant 0 : i32
    %dma_start3A_29 = tpu.memref_slice %arg2[%dma_start3A_27, %dma_start3A_28] : memref<10240x128xf32, #tpu.memory_space<hbm>> -> memref<10240x128xf32, #tpu.memory_space<hbm>>
    tpu.enqueue_indirect_dma source(%dma_start3A_29 : memref<10240x128xf32, #tpu.memory_space<hbm>>) target(%arg11 : memref<128x128xf32, #tpu.memory_space<vmem>>) offsets(%arg7 : memref<128xi32, #tpu.memory_space<vmem>>) semaphore(%arg13 : memref<!tpu.dma_semaphore, #tpu.memory_space<semaphore_mem>>)
    %gt3A = arith.constant 1 : i32
    %gt3A_30 = arith.cmpi sgt, %select_n3A_8, %gt3A : i32
    %convert_element_type3A = arith.extui %gt3A_30 : i1 to i32
    %cond3A = arith.constant 0 : i32
    %cond3A_31 = arith.cmpi ne, %convert_element_type3A, %cond3A : i32
    scf.if %cond3A_31 {
      %add3A_76 = arith.constant 1 : i32
      %add3A_77 = arith.addi %select_n3A, %add3A_76 : i32
      %mul3A_78 = arith.constant 128 : i32
      %mul3A_79 = arith.muli %add3A_77, %mul3A_78 : i32
      %dma_start3A_80 = tpu.memref_slice %arg3[%mul3A_79] : memref<323584xi32, #tpu.memory_space<hbm>> -> memref<128xi32, #tpu.memory_space<hbm>>
      %dma_start3A_81 = tpu.memref_slice %arg3[%mul3A_79] : memref<323584xi32, #tpu.memory_space<hbm>> -> memref<128xi32, #tpu.memory_space<hbm>>
      tpu.enqueue_dma source(%dma_start3A_81 : memref<128xi32, #tpu.memory_space<hbm>>) target(%arg8 : memref<128xi32, #tpu.memory_space<vmem>>) target_semaphore(%arg16 : memref<!tpu.dma_semaphore, #tpu.memory_space<semaphore_mem>>)
      %add3A_82 = arith.constant 1 : i32
      %add3A_83 = arith.addi %select_n3A, %add3A_82 : i32
      %mul3A_84 = arith.constant 128 : i32
      %mul3A_85 = arith.muli %add3A_83, %mul3A_84 : i32
      %dma_start3A_86 = tpu.memref_slice %arg4[%mul3A_85] : memref<323584xi32, #tpu.memory_space<hbm>> -> memref<128xi32, #tpu.memory_space<hbm>>
      %dma_start3A_87 = tpu.memref_slice %arg4[%mul3A_85] : memref<323584xi32, #tpu.memory_space<hbm>> -> memref<128xi32, #tpu.memory_space<hbm>>
      tpu.enqueue_dma source(%dma_start3A_87 : memref<128xi32, #tpu.memory_space<hbm>>) target(%arg10 : memref<128xi32, #tpu.memory_space<vmem>>) target_semaphore(%arg18 : memref<!tpu.dma_semaphore, #tpu.memory_space<semaphore_mem>>)
    } else {
    }
    %sub3A = arith.constant 1 : i32
    %sub3A_32 = arith.subi %select_n3A_8, %sub3A : i32
    %jit3A_33 = arith.constant 2 : i32
    %div3A = arith.divsi %sub3A_32, %jit3A_33 : i32
    %sign3A = arith.constant 0 : i32
    %sign3A_34 = arith.cmpi sgt, %sub3A_32, %sign3A : i32
    %sign3A_35 = arith.extui %sign3A_34 : i1 to i32
    %sign3A_36 = arith.constant 0 : i32
    %sign3A_37 = arith.cmpi slt, %sub3A_32, %sign3A_36 : i32
    %sign3A_38 = arith.extui %sign3A_37 : i1 to i32
    %sign3A_39 = arith.subi %sign3A_35, %sign3A_38 : i32
    %sign3A_40 = arith.constant 0 : i32
    %sign3A_41 = arith.cmpi sgt, %jit3A_33, %sign3A_40 : i32
    %sign3A_42 = arith.extui %sign3A_41 : i1 to i32
    %sign3A_43 = arith.constant 0 : i32
    %sign3A_44 = arith.cmpi slt, %jit3A_33, %sign3A_43 : i32
    %sign3A_45 = arith.extui %sign3A_44 : i1 to i32
    %sign3A_46 = arith.subi %sign3A_42, %sign3A_45 : i32
    %ne3A = arith.cmpi ne, %sign3A_39, %sign3A_46 : i32
    %rem3A = arith.remsi %sub3A_32, %jit3A_33 : i32
    %ne3A_47 = arith.constant 0 : i32
    %ne3A_48 = arith.cmpi ne, %rem3A, %ne3A_47 : i32
    %and3A = arith.andi %ne3A, %ne3A_48 : i1
    %sub3A_49 = arith.constant 1 : i32
    %sub3A_50 = arith.subi %div3A, %sub3A_49 : i32
    %select_n3A_51 = arith.select %and3A, %sub3A_50, %div3A : i32
    %while3A = arith.constant 0 : i32
    %while3A_52 = arith.constant 0 : i32
    %while3A_53 = arith.subi %select_n3A_51, %while3A_52 : i32
    %while3A_54 = arith.addi %while3A_52, %while3A_53 : i32
    %while3A_55 = arith.constant 1 : i32
    %while3A_56 = arith.divsi %while3A_53, %while3A_55 : i32
    %while3A_57 = arith.muli %while3A_56, %while3A_55 : i32
    %while3A_58 = arith.addi %while3A_52, %while3A_57 : i32
    %while3A_59 = arith.constant 1 : i32
    scf.for %while3A_76 = %while3A_52 to %while3A_58 step %while3A_59  : i32 {
      %mul3A_77 = arith.constant 2 : i32
      %mul3A_78 = arith.muli %mul3A_77, %while3A_76 : i32
      %add3A_79 = arith.constant 2 : i32
      %add3A_80 = arith.addi %mul3A_78, %add3A_79 : i32
      %mul3A_81 = arith.constant 2 : i32
      %mul3A_82 = arith.muli %mul3A_81, %while3A_76 : i32
      %add3A_83 = arith.constant 3 : i32
      %add3A_84 = arith.addi %mul3A_82, %add3A_83 : i32
      %dma_wait3A_85 = arith.constant 0 : i32
      %dma_wait3A_86 = tpu.memref_slice %arg3[%dma_wait3A_85] : memref<323584xi32, #tpu.memory_space<hbm>> -> memref<128xi32, #tpu.memory_space<hbm>>
      %dma_wait3A_87 = arith.constant 0 : i32
      %dma_wait3A_88 = tpu.memref_slice %arg3[%dma_wait3A_87] : memref<323584xi32, #tpu.memory_space<hbm>> -> memref<128xi32, #tpu.memory_space<hbm>>
      tpu.wait_dma2 semaphore(%arg16 : memref<!tpu.dma_semaphore, #tpu.memory_space<semaphore_mem>>) src(%dma_wait3A_88 : memref<128xi32, #tpu.memory_space<hbm>>) dst(%arg8 : memref<128xi32, #tpu.memory_space<vmem>>)
      %dma_wait3A_89 = arith.constant 0 : i32
      %dma_wait3A_90 = arith.constant 0 : i32
      %dma_wait3A_91 = tpu.memref_slice %arg2[%dma_wait3A_89, %dma_wait3A_90] : memref<10240x128xf32, #tpu.memory_space<hbm>> -> memref<128x128xf32, #tpu.memory_space<hbm>>
      %dma_wait3A_92 = arith.constant 0 : i32
      %dma_wait3A_93 = arith.constant 0 : i32
      %dma_wait3A_94 = tpu.memref_slice %arg2[%dma_wait3A_92, %dma_wait3A_93] : memref<10240x128xf32, #tpu.memory_space<hbm>> -> memref<128x128xf32, #tpu.memory_space<hbm>>
      tpu.wait_dma2 semaphore(%arg13 : memref<!tpu.dma_semaphore, #tpu.memory_space<semaphore_mem>>) src(%dma_wait3A_94 : memref<128x128xf32, #tpu.memory_space<hbm>>) dst(%arg11 : memref<128x128xf32, #tpu.memory_space<vmem>>)
      %dma_start3A_95 = arith.constant 0 : i32
      %dma_start3A_96 = arith.constant 0 : i32
      %dma_start3A_97 = tpu.memref_slice %arg2[%dma_start3A_95, %dma_start3A_96] : memref<10240x128xf32, #tpu.memory_space<hbm>> -> memref<10240x128xf32, #tpu.memory_space<hbm>>
      tpu.enqueue_indirect_dma source(%dma_start3A_97 : memref<10240x128xf32, #tpu.memory_space<hbm>>) target(%arg12 : memref<128x128xf32, #tpu.memory_space<vmem>>) offsets(%arg8 : memref<128xi32, #tpu.memory_space<vmem>>) semaphore(%arg14 : memref<!tpu.dma_semaphore, #tpu.memory_space<semaphore_mem>>)
      %add3A_98 = arith.addi %select_n3A, %add3A_80 : i32
      %mul3A_99 = arith.constant 128 : i32
      %mul3A_100 = arith.muli %add3A_98, %mul3A_99 : i32
      %dma_start3A_101 = tpu.memref_slice %arg3[%mul3A_100] : memref<323584xi32, #tpu.memory_space<hbm>> -> memref<128xi32, #tpu.memory_space<hbm>>
      %dma_start3A_102 = tpu.memref_slice %arg3[%mul3A_100] : memref<323584xi32, #tpu.memory_space<hbm>> -> memref<128xi32, #tpu.memory_space<hbm>>
      tpu.enqueue_dma source(%dma_start3A_102 : memref<128xi32, #tpu.memory_space<hbm>>) target(%arg7 : memref<128xi32, #tpu.memory_space<vmem>>) target_semaphore(%arg15 : memref<!tpu.dma_semaphore, #tpu.memory_space<semaphore_mem>>)
      %dma_wait3A_103 = arith.constant 0 : i32
      %dma_wait3A_104 = tpu.memref_slice %arg4[%dma_wait3A_103] : memref<323584xi32, #tpu.memory_space<hbm>> -> memref<128xi32, #tpu.memory_space<hbm>>
      %dma_wait3A_105 = arith.constant 0 : i32
      %dma_wait3A_106 = tpu.memref_slice %arg4[%dma_wait3A_105] : memref<323584xi32, #tpu.memory_space<hbm>> -> memref<128xi32, #tpu.memory_space<hbm>>
      tpu.wait_dma2 semaphore(%arg17 : memref<!tpu.dma_semaphore, #tpu.memory_space<semaphore_mem>>) src(%dma_wait3A_106 : memref<128xi32, #tpu.memory_space<hbm>>) dst(%arg9 : memref<128xi32, #tpu.memory_space<vmem>>)
      "tpu.region"() ({
        %run_scoped3A = tpu.sem_alloc : memref<!tpu.dma_semaphore, #tpu.memory_space<semaphore_mem>>
        %dma_start3A_136 = arith.constant 0 : i32
        %dma_start3A_137 = arith.constant 0 : i32
        %dma_start3A_138 = tpu.memref_slice %arg6[%dma_start3A_136, %dma_start3A_137] : memref<10240x128xf32, #tpu.memory_space<vmem_shared>> -> memref<10240x128xf32, #tpu.memory_space<vmem_shared>>
        tpu.enqueue_indirect_dma source(%arg11 : memref<128x128xf32, #tpu.memory_space<vmem>>) target(%dma_start3A_138 : memref<10240x128xf32, #tpu.memory_space<vmem_shared>>) offsets(%arg9 : memref<128xi32, #tpu.memory_space<vmem>>) semaphore(%run_scoped3A : memref<!tpu.dma_semaphore, #tpu.memory_space<semaphore_mem>>) {add = true}
        %dma_wait3A_139 = arith.constant 0 : i32
        %dma_wait3A_140 = arith.constant 0 : i32
        %dma_wait3A_141 = tpu.memref_slice %arg6[%dma_wait3A_139, %dma_wait3A_140] : memref<10240x128xf32, #tpu.memory_space<vmem_shared>> -> memref<10240x128xf32, #tpu.memory_space<vmem_shared>>
        tpu.wait_indirect_dma semaphore(%run_scoped3A : memref<!tpu.dma_semaphore, #tpu.memory_space<semaphore_mem>>) src(%arg11 : memref<128x128xf32, #tpu.memory_space<vmem>>) dst(%dma_wait3A_141 : memref<10240x128xf32, #tpu.memory_space<vmem_shared>>)
        tpu.yield
      }) : () -> ()
      %add3A_107 = arith.addi %select_n3A, %add3A_80 : i32
      %mul3A_108 = arith.constant 128 : i32
      %mul3A_109 = arith.muli %add3A_107, %mul3A_108 : i32
      %dma_start3A_110 = tpu.memref_slice %arg4[%mul3A_109] : memref<323584xi32, #tpu.memory_space<hbm>> -> memref<128xi32, #tpu.memory_space<hbm>>
      %dma_start3A_111 = tpu.memref_slice %arg4[%mul3A_109] : memref<323584xi32, #tpu.memory_space<hbm>> -> memref<128xi32, #tpu.memory_space<hbm>>
      tpu.enqueue_dma source(%dma_start3A_111 : memref<128xi32, #tpu.memory_space<hbm>>) target(%arg9 : memref<128xi32, #tpu.memory_space<vmem>>) target_semaphore(%arg17 : memref<!tpu.dma_semaphore, #tpu.memory_space<semaphore_mem>>)
      %dma_wait3A_112 = arith.constant 0 : i32
      %dma_wait3A_113 = tpu.memref_slice %arg3[%dma_wait3A_112] : memref<323584xi32, #tpu.memory_space<hbm>> -> memref<128xi32, #tpu.memory_space<hbm>>
      %dma_wait3A_114 = arith.constant 0 : i32
      %dma_wait3A_115 = tpu.memref_slice %arg3[%dma_wait3A_114] : memref<323584xi32, #tpu.memory_space<hbm>> -> memref<128xi32, #tpu.memory_space<hbm>>
      tpu.wait_dma2 semaphore(%arg15 : memref<!tpu.dma_semaphore, #tpu.memory_space<semaphore_mem>>) src(%dma_wait3A_115 : memref<128xi32, #tpu.memory_space<hbm>>) dst(%arg7 : memref<128xi32, #tpu.memory_space<vmem>>)
      %dma_wait3A_116 = arith.constant 0 : i32
      %dma_wait3A_117 = arith.constant 0 : i32
      %dma_wait3A_118 = tpu.memref_slice %arg2[%dma_wait3A_116, %dma_wait3A_117] : memref<10240x128xf32, #tpu.memory_space<hbm>> -> memref<128x128xf32, #tpu.memory_space<hbm>>
      %dma_wait3A_119 = arith.constant 0 : i32
      %dma_wait3A_120 = arith.constant 0 : i32
      %dma_wait3A_121 = tpu.memref_slice %arg2[%dma_wait3A_119, %dma_wait3A_120] : memref<10240x128xf32, #tpu.memory_space<hbm>> -> memref<128x128xf32, #tpu.memory_space<hbm>>
      tpu.wait_dma2 semaphore(%arg14 : memref<!tpu.dma_semaphore, #tpu.memory_space<semaphore_mem>>) src(%dma_wait3A_121 : memref<128x128xf32, #tpu.memory_space<hbm>>) dst(%arg12 : memref<128x128xf32, #tpu.memory_space<vmem>>)
      %dma_start3A_122 = arith.constant 0 : i32
      %dma_start3A_123 = arith.constant 0 : i32
      %dma_start3A_124 = tpu.memref_slice %arg2[%dma_start3A_122, %dma_start3A_123] : memref<10240x128xf32, #tpu.memory_space<hbm>> -> memref<10240x128xf32, #tpu.memory_space<hbm>>
      tpu.enqueue_indirect_dma source(%dma_start3A_124 : memref<10240x128xf32, #tpu.memory_space<hbm>>) target(%arg11 : memref<128x128xf32, #tpu.memory_space<vmem>>) offsets(%arg7 : memref<128xi32, #tpu.memory_space<vmem>>) semaphore(%arg13 : memref<!tpu.dma_semaphore, #tpu.memory_space<semaphore_mem>>)
      %lt3A = arith.cmpi slt, %add3A_84, %select_n3A_8 : i32
      %convert_element_type3A_125 = arith.extui %lt3A : i1 to i32
      %cond3A_126 = arith.constant 0 : i32
      %cond3A_127 = arith.cmpi ne, %convert_element_type3A_125, %cond3A_126 : i32
      scf.if %cond3A_127 {
        %add3A_136 = arith.addi %select_n3A, %add3A_84 : i32
        %mul3A_137 = arith.constant 128 : i32
        %mul3A_138 = arith.muli %add3A_136, %mul3A_137 : i32
        %dma_start3A_139 = tpu.memref_slice %arg3[%mul3A_138] : memref<323584xi32, #tpu.memory_space<hbm>> -> memref<128xi32, #tpu.memory_space<hbm>>
        %dma_start3A_140 = tpu.memref_slice %arg3[%mul3A_138] : memref<323584xi32, #tpu.memory_space<hbm>> -> memref<128xi32, #tpu.memory_space<hbm>>
        tpu.enqueue_dma source(%dma_start3A_140 : memref<128xi32, #tpu.memory_space<hbm>>) target(%arg8 : memref<128xi32, #tpu.memory_space<vmem>>) target_semaphore(%arg16 : memref<!tpu.dma_semaphore, #tpu.memory_space<semaphore_mem>>)
      } else {
      }
      %dma_wait3A_128 = arith.constant 0 : i32
      %dma_wait3A_129 = tpu.memref_slice %arg4[%dma_wait3A_128] : memref<323584xi32, #tpu.memory_space<hbm>> -> memref<128xi32, #tpu.memory_space<hbm>>
      %dma_wait3A_130 = arith.constant 0 : i32
      %dma_wait3A_131 = tpu.memref_slice %arg4[%dma_wait3A_130] : memref<323584xi32, #tpu.memory_space<hbm>> -> memref<128xi32, #tpu.memory_space<hbm>>
      tpu.wait_dma2 semaphore(%arg18 : memref<!tpu.dma_semaphore, #tpu.memory_space<semaphore_mem>>) src(%dma_wait3A_131 : memref<128xi32, #tpu.memory_space<hbm>>) dst(%arg10 : memref<128xi32, #tpu.memory_space<vmem>>)
      "tpu.region"() ({
        %run_scoped3A = tpu.sem_alloc : memref<!tpu.dma_semaphore, #tpu.memory_space<semaphore_mem>>
        %dma_start3A_136 = arith.constant 0 : i32
        %dma_start3A_137 = arith.constant 0 : i32
        %dma_start3A_138 = tpu.memref_slice %arg6[%dma_start3A_136, %dma_start3A_137] : memref<10240x128xf32, #tpu.memory_space<vmem_shared>> -> memref<10240x128xf32, #tpu.memory_space<vmem_shared>>
        tpu.enqueue_indirect_dma source(%arg12 : memref<128x128xf32, #tpu.memory_space<vmem>>) target(%dma_start3A_138 : memref<10240x128xf32, #tpu.memory_space<vmem_shared>>) offsets(%arg10 : memref<128xi32, #tpu.memory_space<vmem>>) semaphore(%run_scoped3A : memref<!tpu.dma_semaphore, #tpu.memory_space<semaphore_mem>>) {add = true}
        %dma_wait3A_139 = arith.constant 0 : i32
        %dma_wait3A_140 = arith.constant 0 : i32
        %dma_wait3A_141 = tpu.memref_slice %arg6[%dma_wait3A_139, %dma_wait3A_140] : memref<10240x128xf32, #tpu.memory_space<vmem_shared>> -> memref<10240x128xf32, #tpu.memory_space<vmem_shared>>
        tpu.wait_indirect_dma semaphore(%run_scoped3A : memref<!tpu.dma_semaphore, #tpu.memory_space<semaphore_mem>>) src(%arg12 : memref<128x128xf32, #tpu.memory_space<vmem>>) dst(%dma_wait3A_141 : memref<10240x128xf32, #tpu.memory_space<vmem_shared>>)
        tpu.yield
      }) : () -> ()
      %lt3A_132 = arith.cmpi slt, %add3A_84, %select_n3A_8 : i32
      %convert_element_type3A_133 = arith.extui %lt3A_132 : i1 to i32
      %cond3A_134 = arith.constant 0 : i32
      %cond3A_135 = arith.cmpi ne, %convert_element_type3A_133, %cond3A_134 : i32
      scf.if %cond3A_135 {
        %add3A_136 = arith.addi %select_n3A, %add3A_84 : i32
        %mul3A_137 = arith.constant 128 : i32
        %mul3A_138 = arith.muli %add3A_136, %mul3A_137 : i32
        %dma_start3A_139 = tpu.memref_slice %arg4[%mul3A_138] : memref<323584xi32, #tpu.memory_space<hbm>> -> memref<128xi32, #tpu.memory_space<hbm>>
        %dma_start3A_140 = tpu.memref_slice %arg4[%mul3A_138] : memref<323584xi32, #tpu.memory_space<hbm>> -> memref<128xi32, #tpu.memory_space<hbm>>
        tpu.enqueue_dma source(%dma_start3A_140 : memref<128xi32, #tpu.memory_space<hbm>>) target(%arg10 : memref<128xi32, #tpu.memory_space<vmem>>) target_semaphore(%arg18 : memref<!tpu.dma_semaphore, #tpu.memory_space<semaphore_mem>>)
      } else {
      }
    }
    %while3A_60 = arith.constant 1 : i32
    scf.for %while3A_76 = %while3A_58 to %while3A_54 step %while3A_60  : i32 {
      %mul3A_77 = arith.constant 2 : i32
      %mul3A_78 = arith.muli %mul3A_77, %while3A_76 : i32
      %add3A_79 = arith.constant 2 : i32
      %add3A_80 = arith.addi %mul3A_78, %add3A_79 : i32
      %mul3A_81 = arith.constant 2 : i32
      %mul3A_82 = arith.muli %mul3A_81, %while3A_76 : i32
      %add3A_83 = arith.constant 3 : i32
      %add3A_84 = arith.addi %mul3A_82, %add3A_83 : i32
      %dma_wait3A_85 = arith.constant 0 : i32
      %dma_wait3A_86 = tpu.memref_slice %arg3[%dma_wait3A_85] : memref<323584xi32, #tpu.memory_space<hbm>> -> memref<128xi32, #tpu.memory_space<hbm>>
      %dma_wait3A_87 = arith.constant 0 : i32
      %dma_wait3A_88 = tpu.memref_slice %arg3[%dma_wait3A_87] : memref<323584xi32, #tpu.memory_space<hbm>> -> memref<128xi32, #tpu.memory_space<hbm>>
      tpu.wait_dma2 semaphore(%arg16 : memref<!tpu.dma_semaphore, #tpu.memory_space<semaphore_mem>>) src(%dma_wait3A_88 : memref<128xi32, #tpu.memory_space<hbm>>) dst(%arg8 : memref<128xi32, #tpu.memory_space<vmem>>)
      %dma_wait3A_89 = arith.constant 0 : i32
      %dma_wait3A_90 = arith.constant 0 : i32
      %dma_wait3A_91 = tpu.memref_slice %arg2[%dma_wait3A_89, %dma_wait3A_90] : memref<10240x128xf32, #tpu.memory_space<hbm>> -> memref<128x128xf32, #tpu.memory_space<hbm>>
      %dma_wait3A_92 = arith.constant 0 : i32
      %dma_wait3A_93 = arith.constant 0 : i32
      %dma_wait3A_94 = tpu.memref_slice %arg2[%dma_wait3A_92, %dma_wait3A_93] : memref<10240x128xf32, #tpu.memory_space<hbm>> -> memref<128x128xf32, #tpu.memory_space<hbm>>
      tpu.wait_dma2 semaphore(%arg13 : memref<!tpu.dma_semaphore, #tpu.memory_space<semaphore_mem>>) src(%dma_wait3A_94 : memref<128x128xf32, #tpu.memory_space<hbm>>) dst(%arg11 : memref<128x128xf32, #tpu.memory_space<vmem>>)
      %dma_start3A_95 = arith.constant 0 : i32
      %dma_start3A_96 = arith.constant 0 : i32
      %dma_start3A_97 = tpu.memref_slice %arg2[%dma_start3A_95, %dma_start3A_96] : memref<10240x128xf32, #tpu.memory_space<hbm>> -> memref<10240x128xf32, #tpu.memory_space<hbm>>
      tpu.enqueue_indirect_dma source(%dma_start3A_97 : memref<10240x128xf32, #tpu.memory_space<hbm>>) target(%arg12 : memref<128x128xf32, #tpu.memory_space<vmem>>) offsets(%arg8 : memref<128xi32, #tpu.memory_space<vmem>>) semaphore(%arg14 : memref<!tpu.dma_semaphore, #tpu.memory_space<semaphore_mem>>)
      %add3A_98 = arith.addi %select_n3A, %add3A_80 : i32
      %mul3A_99 = arith.constant 128 : i32
      %mul3A_100 = arith.muli %add3A_98, %mul3A_99 : i32
      %dma_start3A_101 = tpu.memref_slice %arg3[%mul3A_100] : memref<323584xi32, #tpu.memory_space<hbm>> -> memref<128xi32, #tpu.memory_space<hbm>>
      %dma_start3A_102 = tpu.memref_slice %arg3[%mul3A_100] : memref<323584xi32, #tpu.memory_space<hbm>> -> memref<128xi32, #tpu.memory_space<hbm>>
      tpu.enqueue_dma source(%dma_start3A_102 : memref<128xi32, #tpu.memory_space<hbm>>) target(%arg7 : memref<128xi32, #tpu.memory_space<vmem>>) target_semaphore(%arg15 : memref<!tpu.dma_semaphore, #tpu.memory_space<semaphore_mem>>)
      %dma_wait3A_103 = arith.constant 0 : i32
      %dma_wait3A_104 = tpu.memref_slice %arg4[%dma_wait3A_103] : memref<323584xi32, #tpu.memory_space<hbm>> -> memref<128xi32, #tpu.memory_space<hbm>>
      %dma_wait3A_105 = arith.constant 0 : i32
      %dma_wait3A_106 = tpu.memref_slice %arg4[%dma_wait3A_105] : memref<323584xi32, #tpu.memory_space<hbm>> -> memref<128xi32, #tpu.memory_space<hbm>>
      tpu.wait_dma2 semaphore(%arg17 : memref<!tpu.dma_semaphore, #tpu.memory_space<semaphore_mem>>) src(%dma_wait3A_106 : memref<128xi32, #tpu.memory_space<hbm>>) dst(%arg9 : memref<128xi32, #tpu.memory_space<vmem>>)
      "tpu.region"() ({
        %run_scoped3A = tpu.sem_alloc : memref<!tpu.dma_semaphore, #tpu.memory_space<semaphore_mem>>
        %dma_start3A_136 = arith.constant 0 : i32
        %dma_start3A_137 = arith.constant 0 : i32
        %dma_start3A_138 = tpu.memref_slice %arg6[%dma_start3A_136, %dma_start3A_137] : memref<10240x128xf32, #tpu.memory_space<vmem_shared>> -> memref<10240x128xf32, #tpu.memory_space<vmem_shared>>
        tpu.enqueue_indirect_dma source(%arg11 : memref<128x128xf32, #tpu.memory_space<vmem>>) target(%dma_start3A_138 : memref<10240x128xf32, #tpu.memory_space<vmem_shared>>) offsets(%arg9 : memref<128xi32, #tpu.memory_space<vmem>>) semaphore(%run_scoped3A : memref<!tpu.dma_semaphore, #tpu.memory_space<semaphore_mem>>) {add = true}
        %dma_wait3A_139 = arith.constant 0 : i32
        %dma_wait3A_140 = arith.constant 0 : i32
        %dma_wait3A_141 = tpu.memref_slice %arg6[%dma_wait3A_139, %dma_wait3A_140] : memref<10240x128xf32, #tpu.memory_space<vmem_shared>> -> memref<10240x128xf32, #tpu.memory_space<vmem_shared>>
        tpu.wait_indirect_dma semaphore(%run_scoped3A : memref<!tpu.dma_semaphore, #tpu.memory_space<semaphore_mem>>) src(%arg11 : memref<128x128xf32, #tpu.memory_space<vmem>>) dst(%dma_wait3A_141 : memref<10240x128xf32, #tpu.memory_space<vmem_shared>>)
        tpu.yield
      }) : () -> ()
      %add3A_107 = arith.addi %select_n3A, %add3A_80 : i32
      %mul3A_108 = arith.constant 128 : i32
      %mul3A_109 = arith.muli %add3A_107, %mul3A_108 : i32
      %dma_start3A_110 = tpu.memref_slice %arg4[%mul3A_109] : memref<323584xi32, #tpu.memory_space<hbm>> -> memref<128xi32, #tpu.memory_space<hbm>>
      %dma_start3A_111 = tpu.memref_slice %arg4[%mul3A_109] : memref<323584xi32, #tpu.memory_space<hbm>> -> memref<128xi32, #tpu.memory_space<hbm>>
      tpu.enqueue_dma source(%dma_start3A_111 : memref<128xi32, #tpu.memory_space<hbm>>) target(%arg9 : memref<128xi32, #tpu.memory_space<vmem>>) target_semaphore(%arg17 : memref<!tpu.dma_semaphore, #tpu.memory_space<semaphore_mem>>)
      %dma_wait3A_112 = arith.constant 0 : i32
      %dma_wait3A_113 = tpu.memref_slice %arg3[%dma_wait3A_112] : memref<323584xi32, #tpu.memory_space<hbm>> -> memref<128xi32, #tpu.memory_space<hbm>>
      %dma_wait3A_114 = arith.constant 0 : i32
      %dma_wait3A_115 = tpu.memref_slice %arg3[%dma_wait3A_114] : memref<323584xi32, #tpu.memory_space<hbm>> -> memref<128xi32, #tpu.memory_space<hbm>>
      tpu.wait_dma2 semaphore(%arg15 : memref<!tpu.dma_semaphore, #tpu.memory_space<semaphore_mem>>) src(%dma_wait3A_115 : memref<128xi32, #tpu.memory_space<hbm>>) dst(%arg7 : memref<128xi32, #tpu.memory_space<vmem>>)
      %dma_wait3A_116 = arith.constant 0 : i32
      %dma_wait3A_117 = arith.constant 0 : i32
      %dma_wait3A_118 = tpu.memref_slice %arg2[%dma_wait3A_116, %dma_wait3A_117] : memref<10240x128xf32, #tpu.memory_space<hbm>> -> memref<128x128xf32, #tpu.memory_space<hbm>>
      %dma_wait3A_119 = arith.constant 0 : i32
      %dma_wait3A_120 = arith.constant 0 : i32
      %dma_wait3A_121 = tpu.memref_slice %arg2[%dma_wait3A_119, %dma_wait3A_120] : memref<10240x128xf32, #tpu.memory_space<hbm>> -> memref<128x128xf32, #tpu.memory_space<hbm>>
      tpu.wait_dma2 semaphore(%arg14 : memref<!tpu.dma_semaphore, #tpu.memory_space<semaphore_mem>>) src(%dma_wait3A_121 : memref<128x128xf32, #tpu.memory_space<hbm>>) dst(%arg12 : memref<128x128xf32, #tpu.memory_space<vmem>>)
      %dma_start3A_122 = arith.constant 0 : i32
      %dma_start3A_123 = arith.constant 0 : i32
      %dma_start3A_124 = tpu.memref_slice %arg2[%dma_start3A_122, %dma_start3A_123] : memref<10240x128xf32, #tpu.memory_space<hbm>> -> memref<10240x128xf32, #tpu.memory_space<hbm>>
      tpu.enqueue_indirect_dma source(%dma_start3A_124 : memref<10240x128xf32, #tpu.memory_space<hbm>>) target(%arg11 : memref<128x128xf32, #tpu.memory_space<vmem>>) offsets(%arg7 : memref<128xi32, #tpu.memory_space<vmem>>) semaphore(%arg13 : memref<!tpu.dma_semaphore, #tpu.memory_space<semaphore_mem>>)
      %lt3A = arith.cmpi slt, %add3A_84, %select_n3A_8 : i32
      %convert_element_type3A_125 = arith.extui %lt3A : i1 to i32
      %cond3A_126 = arith.constant 0 : i32
      %cond3A_127 = arith.cmpi ne, %convert_element_type3A_125, %cond3A_126 : i32
      scf.if %cond3A_127 {
        %add3A_136 = arith.addi %select_n3A, %add3A_84 : i32
        %mul3A_137 = arith.constant 128 : i32
        %mul3A_138 = arith.muli %add3A_136, %mul3A_137 : i32
        %dma_start3A_139 = tpu.memref_slice %arg3[%mul3A_138] : memref<323584xi32, #tpu.memory_space<hbm>> -> memref<128xi32, #tpu.memory_space<hbm>>
        %dma_start3A_140 = tpu.memref_slice %arg3[%mul3A_138] : memref<323584xi32, #tpu.memory_space<hbm>> -> memref<128xi32, #tpu.memory_space<hbm>>
        tpu.enqueue_dma source(%dma_start3A_140 : memref<128xi32, #tpu.memory_space<hbm>>) target(%arg8 : memref<128xi32, #tpu.memory_space<vmem>>) target_semaphore(%arg16 : memref<!tpu.dma_semaphore, #tpu.memory_space<semaphore_mem>>)
      } else {
      }
      %dma_wait3A_128 = arith.constant 0 : i32
      %dma_wait3A_129 = tpu.memref_slice %arg4[%dma_wait3A_128] : memref<323584xi32, #tpu.memory_space<hbm>> -> memref<128xi32, #tpu.memory_space<hbm>>
      %dma_wait3A_130 = arith.constant 0 : i32
      %dma_wait3A_131 = tpu.memref_slice %arg4[%dma_wait3A_130] : memref<323584xi32, #tpu.memory_space<hbm>> -> memref<128xi32, #tpu.memory_space<hbm>>
      tpu.wait_dma2 semaphore(%arg18 : memref<!tpu.dma_semaphore, #tpu.memory_space<semaphore_mem>>) src(%dma_wait3A_131 : memref<128xi32, #tpu.memory_space<hbm>>) dst(%arg10 : memref<128xi32, #tpu.memory_space<vmem>>)
      "tpu.region"() ({
        %run_scoped3A = tpu.sem_alloc : memref<!tpu.dma_semaphore, #tpu.memory_space<semaphore_mem>>
        %dma_start3A_136 = arith.constant 0 : i32
        %dma_start3A_137 = arith.constant 0 : i32
        %dma_start3A_138 = tpu.memref_slice %arg6[%dma_start3A_136, %dma_start3A_137] : memref<10240x128xf32, #tpu.memory_space<vmem_shared>> -> memref<10240x128xf32, #tpu.memory_space<vmem_shared>>
        tpu.enqueue_indirect_dma source(%arg12 : memref<128x128xf32, #tpu.memory_space<vmem>>) target(%dma_start3A_138 : memref<10240x128xf32, #tpu.memory_space<vmem_shared>>) offsets(%arg10 : memref<128xi32, #tpu.memory_space<vmem>>) semaphore(%run_scoped3A : memref<!tpu.dma_semaphore, #tpu.memory_space<semaphore_mem>>) {add = true}
        %dma_wait3A_139 = arith.constant 0 : i32
        %dma_wait3A_140 = arith.constant 0 : i32
        %dma_wait3A_141 = tpu.memref_slice %arg6[%dma_wait3A_139, %dma_wait3A_140] : memref<10240x128xf32, #tpu.memory_space<vmem_shared>> -> memref<10240x128xf32, #tpu.memory_space<vmem_shared>>
        tpu.wait_indirect_dma semaphore(%run_scoped3A : memref<!tpu.dma_semaphore, #tpu.memory_space<semaphore_mem>>) src(%arg12 : memref<128x128xf32, #tpu.memory_space<vmem>>) dst(%dma_wait3A_141 : memref<10240x128xf32, #tpu.memory_space<vmem_shared>>)
        tpu.yield
      }) : () -> ()
      %lt3A_132 = arith.cmpi slt, %add3A_84, %select_n3A_8 : i32
      %convert_element_type3A_133 = arith.extui %lt3A_132 : i1 to i32
      %cond3A_134 = arith.constant 0 : i32
      %cond3A_135 = arith.cmpi ne, %convert_element_type3A_133, %cond3A_134 : i32
      scf.if %cond3A_135 {
        %add3A_136 = arith.addi %select_n3A, %add3A_84 : i32
        %mul3A_137 = arith.constant 128 : i32
        %mul3A_138 = arith.muli %add3A_136, %mul3A_137 : i32
        %dma_start3A_139 = tpu.memref_slice %arg4[%mul3A_138] : memref<323584xi32, #tpu.memory_space<hbm>> -> memref<128xi32, #tpu.memory_space<hbm>>
        %dma_start3A_140 = tpu.memref_slice %arg4[%mul3A_138] : memref<323584xi32, #tpu.memory_space<hbm>> -> memref<128xi32, #tpu.memory_space<hbm>>
        tpu.enqueue_dma source(%dma_start3A_140 : memref<128xi32, #tpu.memory_space<hbm>>) target(%arg10 : memref<128xi32, #tpu.memory_space<vmem>>) target_semaphore(%arg18 : memref<!tpu.dma_semaphore, #tpu.memory_space<semaphore_mem>>)
      } else {
      }
    }
    %dma_wait3A_61 = arith.constant 0 : i32
    %dma_wait3A_62 = arith.constant 0 : i32
    %dma_wait3A_63 = tpu.memref_slice %arg2[%dma_wait3A_61, %dma_wait3A_62] : memref<10240x128xf32, #tpu.memory_space<hbm>> -> memref<128x128xf32, #tpu.memory_space<hbm>>
    %dma_wait3A_64 = arith.constant 0 : i32
    %dma_wait3A_65 = arith.constant 0 : i32
    %dma_wait3A_66 = tpu.memref_slice %arg2[%dma_wait3A_64, %dma_wait3A_65] : memref<10240x128xf32, #tpu.memory_space<hbm>> -> memref<128x128xf32, #tpu.memory_space<hbm>>
    tpu.wait_dma2 semaphore(%arg13 : memref<!tpu.dma_semaphore, #tpu.memory_space<semaphore_mem>>) src(%dma_wait3A_66 : memref<128x128xf32, #tpu.memory_space<hbm>>) dst(%arg11 : memref<128x128xf32, #tpu.memory_space<vmem>>)
    %dma_wait3A_67 = arith.constant 0 : i32
    %dma_wait3A_68 = tpu.memref_slice %arg4[%dma_wait3A_67] : memref<323584xi32, #tpu.memory_space<hbm>> -> memref<128xi32, #tpu.memory_space<hbm>>
    %dma_wait3A_69 = arith.constant 0 : i32
    %dma_wait3A_70 = tpu.memref_slice %arg4[%dma_wait3A_69] : memref<323584xi32, #tpu.memory_space<hbm>> -> memref<128xi32, #tpu.memory_space<hbm>>
    tpu.wait_dma2 semaphore(%arg17 : memref<!tpu.dma_semaphore, #tpu.memory_space<semaphore_mem>>) src(%dma_wait3A_70 : memref<128xi32, #tpu.memory_space<hbm>>) dst(%arg9 : memref<128xi32, #tpu.memory_space<vmem>>)
    "tpu.region"() ({
      %run_scoped3A = tpu.sem_alloc : memref<!tpu.dma_semaphore, #tpu.memory_space<semaphore_mem>>
      %dma_start3A_76 = arith.constant 0 : i32
      %dma_start3A_77 = arith.constant 0 : i32
      %dma_start3A_78 = tpu.memref_slice %arg6[%dma_start3A_76, %dma_start3A_77] : memref<10240x128xf32, #tpu.memory_space<vmem_shared>> -> memref<10240x128xf32, #tpu.memory_space<vmem_shared>>
      tpu.enqueue_indirect_dma source(%arg11 : memref<128x128xf32, #tpu.memory_space<vmem>>) target(%dma_start3A_78 : memref<10240x128xf32, #tpu.memory_space<vmem_shared>>) offsets(%arg9 : memref<128xi32, #tpu.memory_space<vmem>>) semaphore(%run_scoped3A : memref<!tpu.dma_semaphore, #tpu.memory_space<semaphore_mem>>) {add = true}
      %dma_wait3A_79 = arith.constant 0 : i32
      %dma_wait3A_80 = arith.constant 0 : i32
      %dma_wait3A_81 = tpu.memref_slice %arg6[%dma_wait3A_79, %dma_wait3A_80] : memref<10240x128xf32, #tpu.memory_space<vmem_shared>> -> memref<10240x128xf32, #tpu.memory_space<vmem_shared>>
      tpu.wait_indirect_dma semaphore(%run_scoped3A : memref<!tpu.dma_semaphore, #tpu.memory_space<semaphore_mem>>) src(%arg11 : memref<128x128xf32, #tpu.memory_space<vmem>>) dst(%dma_wait3A_81 : memref<10240x128xf32, #tpu.memory_space<vmem_shared>>)
      tpu.yield
    }) : () -> ()
    %barrier3A_71 = arith.constant 0 : index
    tpu.barrier barrier_id(%barrier3A_71)
    %mul3A_72 = arith.constant 640 : i32
    %mul3A_73 = arith.muli %arg1, %mul3A_72 : i32
    %mul3A_74 = arith.constant 640 : i32
    %mul3A_75 = arith.muli %arg1, %mul3A_74 : i32
    "tpu.region"() ({
      %run_scoped3A = tpu.sem_alloc : memref<!tpu.dma_semaphore, #tpu.memory_space<semaphore_mem>>
      %dma_start3A_76 = arith.constant 0 : i32
      %dma_start3A_77 = tpu.memref_slice %arg5[%arg0, %mul3A_75, %dma_start3A_76] : memref<2x10240x128xf32, #tpu.memory_space<hbm>> -> memref<1x640x128xf32, #tpu.memory_space<hbm>>
      %dma_start3A_78 = tpu.memref_squeeze %dma_start3A_77 : memref<1x640x128xf32, #tpu.memory_space<hbm>> -> memref<640x128xf32, #tpu.memory_space<hbm>>
      %dma_start3A_79 = arith.constant 0 : i32
      %dma_start3A_80 = tpu.memref_slice %arg6[%mul3A_73, %dma_start3A_79] : memref<10240x128xf32, #tpu.memory_space<vmem_shared>> -> memref<640x128xf32, #tpu.memory_space<vmem_shared>>
      tpu.enqueue_dma source(%dma_start3A_80 : memref<640x128xf32, #tpu.memory_space<vmem_shared>>) target(%dma_start3A_78 : memref<640x128xf32, #tpu.memory_space<hbm>>) target_semaphore(%run_scoped3A : memref<!tpu.dma_semaphore, #tpu.memory_space<semaphore_mem>>)
      %dma_wait3A_81 = arith.constant 0 : i32
      %dma_wait3A_82 = tpu.memref_slice %arg5[%arg0, %mul3A_75, %dma_wait3A_81] : memref<2x10240x128xf32, #tpu.memory_space<hbm>> -> memref<1x640x128xf32, #tpu.memory_space<hbm>>
      %dma_wait3A_83 = tpu.memref_squeeze %dma_wait3A_82 : memref<1x640x128xf32, #tpu.memory_space<hbm>> -> memref<640x128xf32, #tpu.memory_space<hbm>>
      %dma_wait3A_84 = arith.constant 0 : i32
      %dma_wait3A_85 = tpu.memref_slice %arg6[%mul3A_73, %dma_wait3A_84] : memref<10240x128xf32, #tpu.memory_space<vmem_shared>> -> memref<640x128xf32, #tpu.memory_space<vmem_shared>>
      tpu.wait_dma2 semaphore(%run_scoped3A : memref<!tpu.dma_semaphore, #tpu.memory_space<semaphore_mem>>) src(%dma_wait3A_85 : memref<640x128xf32, #tpu.memory_space<vmem_shared>>) dst(%dma_wait3A_83 : memref<640x128xf32, #tpu.memory_space<hbm>>)
      tpu.yield
    }) : () -> ()
    return
  }
}

#map = affine_map<(d0, d1) -> (0, 0)>
#map1 = affine_map<(d0, d1) -> (0)>
#map2 = affine_map<(d0, d1) -> (0, 0, 0)>
module attributes {stable_mosaic.version = 14 : i64} {
  func.func @_sc_scatter(%arg0: i32, %arg1: i32, %arg2: memref<10240x128xf32, #tpu.memory_space<hbm>>, %arg3: memref<323584xi32, #tpu.memory_space<hbm>>, %arg4: memref<323584xi32, #tpu.memory_space<hbm>>, %arg5: memref<2x10240x128xf32, #tpu.memory_space<hbm>>, %arg6: memref<10240x128xf32, #tpu.memory_space<vmem_shared>>, %arg7: memref<128xi32, #tpu.memory_space<vmem>>, %arg8: memref<128xi32, #tpu.memory_space<vmem>>, %arg9: memref<128xi32, #tpu.memory_space<vmem>>, %arg10: memref<128xi32, #tpu.memory_space<vmem>>, %arg11: memref<128x128xf32, #tpu.memory_space<vmem>>, %arg12: memref<128x128xf32, #tpu.memory_space<vmem>>, %arg13: memref<!tpu.dma_semaphore, #tpu.memory_space<semaphore_mem>>, %arg14: memref<!tpu.dma_semaphore, #tpu.memory_space<semaphore_mem>>, %arg15: memref<!tpu.dma_semaphore, #tpu.memory_space<semaphore_mem>>, %arg16: memref<!tpu.dma_semaphore, #tpu.memory_space<semaphore_mem>>, %arg17: memref<!tpu.dma_semaphore, #tpu.memory_space<semaphore_mem>>, %arg18: memref<!tpu.dma_semaphore, #tpu.memory_space<semaphore_mem>>) attributes {dimension_semantics = [#tpu.dimension_semantics<core_parallel>, #tpu.dimension_semantics<subcore_parallel>], iteration_bounds = array<i64: 2, 16>, scalar_prefetch = 0 : i64, scratch_operands = 13 : i64, tpu.core_type = #tpu.core_type<sc_vector_subcore>, window_params = [{transform_indices = #map}, {transform_indices = #map1}, {transform_indices = #map1}, {transform_indices = #map2}]} {
    %eq3A = arith.constant 0 : i32
    %eq3A_0 = arith.cmpi eq, %arg0, %eq3A : i32
    %mul3A = arith.constant 137 : i32
    %mul3A_1 = arith.muli %arg1, %mul3A : i32
    %mul3A_2 = arith.constant 21 : i32
    %mul3A_3 = arith.muli %arg1, %mul3A_2 : i32
    %add3A = arith.constant 2192 : i32
    %add3A_4 = arith.addi %add3A, %mul3A_3 : i32
    %select_n3A = arith.select %eq3A_0, %mul3A_1, %add3A_4 : i32
    %eq3A_5 = arith.constant 0 : i32
    %eq3A_6 = arith.cmpi eq, %arg0, %eq3A_5 : i32
    %jit3A = arith.constant 137 : i32
    %jit3A_7 = arith.constant 21 : i32
    %select_n3A_8 = arith.select %eq3A_6, %jit3A, %jit3A_7 : i32
    %mul3A_9 = arith.constant 640 : i32
    %mul3A_10 = arith.muli %arg1, %mul3A_9 : i32
    %mul3A_11 = arith.constant 640 : i32
    %mul3A_12 = arith.muli %arg1, %mul3A_11 : i32
    "tpu.region"() ({
      %run_scoped3A = tpu.sem_alloc : memref<!tpu.dma_semaphore, #tpu.memory_space<semaphore_mem>>
      %dma_start3A_76 = arith.constant 0 : i32
      %dma_start3A_77 = tpu.memref_slice %arg6[%mul3A_12, %dma_start3A_76] : memref<10240x128xf32, #tpu.memory_space<vmem_shared>> -> memref<640x128xf32, #tpu.memory_space<vmem_shared>>
      %dma_start3A_78 = arith.constant 0 : i32
      %dma_start3A_79 = tpu.memref_slice %arg2[%mul3A_10, %dma_start3A_78] : memref<10240x128xf32, #tpu.memory_space<hbm>> -> memref<640x128xf32, #tpu.memory_space<hbm>>
      tpu.enqueue_dma source(%dma_start3A_79 : memref<640x128xf32, #tpu.memory_space<hbm>>) target(%dma_start3A_77 : memref<640x128xf32, #tpu.memory_space<vmem_shared>>) target_semaphore(%run_scoped3A : memref<!tpu.dma_semaphore, #tpu.memory_space<semaphore_mem>>)
      %dma_wait3A_80 = arith.constant 0 : i32
      %dma_wait3A_81 = tpu.memref_slice %arg6[%mul3A_12, %dma_wait3A_80] : memref<10240x128xf32, #tpu.memory_space<vmem_shared>> -> memref<640x128xf32, #tpu.memory_space<vmem_shared>>
      %dma_wait3A_82 = arith.constant 0 : i32
      %dma_wait3A_83 = tpu.memref_slice %arg2[%mul3A_10, %dma_wait3A_82] : memref<10240x128xf32, #tpu.memory_space<hbm>> -> memref<640x128xf32, #tpu.memory_space<hbm>>
      tpu.wait_dma2 semaphore(%run_scoped3A : memref<!tpu.dma_semaphore, #tpu.memory_space<semaphore_mem>>) src(%dma_wait3A_83 : memref<640x128xf32, #tpu.memory_space<hbm>>) dst(%dma_wait3A_81 : memref<640x128xf32, #tpu.memory_space<vmem_shared>>)
      tpu.yield
    }) : () -> ()
    %add3A_13 = arith.constant 0 : i32
    %add3A_14 = arith.addi %select_n3A, %add3A_13 : i32
    %mul3A_15 = arith.constant 128 : i32
    %mul3A_16 = arith.muli %add3A_14, %mul3A_15 : i32
    %dma_start3A = tpu.memref_slice %arg3[%mul3A_16] : memref<323584xi32, #tpu.memory_space<hbm>> -> memref<128xi32, #tpu.memory_space<hbm>>
    %dma_start3A_17 = tpu.memref_slice %arg3[%mul3A_16] : memref<323584xi32, #tpu.memory_space<hbm>> -> memref<128xi32, #tpu.memory_space<hbm>>
    tpu.enqueue_dma source(%dma_start3A_17 : memref<128xi32, #tpu.memory_space<hbm>>) target(%arg7 : memref<128xi32, #tpu.memory_space<vmem>>) target_semaphore(%arg15 : memref<!tpu.dma_semaphore, #tpu.memory_space<semaphore_mem>>)
    %add3A_18 = arith.constant 0 : i32
    %add3A_19 = arith.addi %select_n3A, %add3A_18 : i32
    %mul3A_20 = arith.constant 128 : i32
    %mul3A_21 = arith.muli %add3A_19, %mul3A_20 : i32
    %dma_start3A_22 = tpu.memref_slice %arg4[%mul3A_21] : memref<323584xi32, #tpu.memory_space<hbm>> -> memref<128xi32, #tpu.memory_space<hbm>>
    %dma_start3A_23 = tpu.memref_slice %arg4[%mul3A_21] : memref<323584xi32, #tpu.memory_space<hbm>> -> memref<128xi32, #tpu.memory_space<hbm>>
    tpu.enqueue_dma source(%dma_start3A_23 : memref<128xi32, #tpu.memory_space<hbm>>) target(%arg9 : memref<128xi32, #tpu.memory_space<vmem>>) target_semaphore(%arg17 : memref<!tpu.dma_semaphore, #tpu.memory_space<semaphore_mem>>)
    %barrier3A = arith.constant 0 : index
    tpu.barrier barrier_id(%barrier3A)
    %dma_wait3A = arith.constant 0 : i32
    %dma_wait3A_24 = tpu.memref_slice %arg3[%dma_wait3A] : memref<323584xi32, #tpu.memory_space<hbm>> -> memref<128xi32, #tpu.memory_space<hbm>>
    %dma_wait3A_25 = arith.constant 0 : i32
    %dma_wait3A_26 = tpu.memref_slice %arg3[%dma_wait3A_25] : memref<323584xi32, #tpu.memory_space<hbm>> -> memref<128xi32, #tpu.memory_space<hbm>>
    tpu.wait_dma2 semaphore(%arg15 : memref<!tpu.dma_semaphore, #tpu.memory_space<semaphore_mem>>) src(%dma_wait3A_26 : memref<128xi32, #tpu.memory_space<hbm>>) dst(%arg7 : memref<128xi32, #tpu.memory_space<vmem>>)
    %dma_start3A_27 = arith.constant 0 : i32
    %dma_start3A_28 = arith.constant 0 : i32
    %dma_start3A_29 = tpu.memref_slice %arg2[%dma_start3A_27, %dma_start3A_28] : memref<10240x128xf32, #tpu.memory_space<hbm>> -> memref<10240x128xf32, #tpu.memory_space<hbm>>
    tpu.enqueue_indirect_dma source(%dma_start3A_29 : memref<10240x128xf32, #tpu.memory_space<hbm>>) target(%arg11 : memref<128x128xf32, #tpu.memory_space<vmem>>) offsets(%arg7 : memref<128xi32, #tpu.memory_space<vmem>>) semaphore(%arg13 : memref<!tpu.dma_semaphore, #tpu.memory_space<semaphore_mem>>)
    %gt3A = arith.constant 1 : i32
    %gt3A_30 = arith.cmpi sgt, %select_n3A_8, %gt3A : i32
    %convert_element_type3A = arith.extui %gt3A_30 : i1 to i32
    %cond3A = arith.constant 0 : i32
    %cond3A_31 = arith.cmpi ne, %convert_element_type3A, %cond3A : i32
    scf.if %cond3A_31 {
      %add3A_76 = arith.constant 1 : i32
      %add3A_77 = arith.addi %select_n3A, %add3A_76 : i32
      %mul3A_78 = arith.constant 128 : i32
      %mul3A_79 = arith.muli %add3A_77, %mul3A_78 : i32
      %dma_start3A_80 = tpu.memref_slice %arg3[%mul3A_79] : memref<323584xi32, #tpu.memory_space<hbm>> -> memref<128xi32, #tpu.memory_space<hbm>>
      %dma_start3A_81 = tpu.memref_slice %arg3[%mul3A_79] : memref<323584xi32, #tpu.memory_space<hbm>> -> memref<128xi32, #tpu.memory_space<hbm>>
      tpu.enqueue_dma source(%dma_start3A_81 : memref<128xi32, #tpu.memory_space<hbm>>) target(%arg8 : memref<128xi32, #tpu.memory_space<vmem>>) target_semaphore(%arg16 : memref<!tpu.dma_semaphore, #tpu.memory_space<semaphore_mem>>)
      %add3A_82 = arith.constant 1 : i32
      %add3A_83 = arith.addi %select_n3A, %add3A_82 : i32
      %mul3A_84 = arith.constant 128 : i32
      %mul3A_85 = arith.muli %add3A_83, %mul3A_84 : i32
      %dma_start3A_86 = tpu.memref_slice %arg4[%mul3A_85] : memref<323584xi32, #tpu.memory_space<hbm>> -> memref<128xi32, #tpu.memory_space<hbm>>
      %dma_start3A_87 = tpu.memref_slice %arg4[%mul3A_85] : memref<323584xi32, #tpu.memory_space<hbm>> -> memref<128xi32, #tpu.memory_space<hbm>>
      tpu.enqueue_dma source(%dma_start3A_87 : memref<128xi32, #tpu.memory_space<hbm>>) target(%arg10 : memref<128xi32, #tpu.memory_space<vmem>>) target_semaphore(%arg18 : memref<!tpu.dma_semaphore, #tpu.memory_space<semaphore_mem>>)
    } else {
    }
    %sub3A = arith.constant 1 : i32
    %sub3A_32 = arith.subi %select_n3A_8, %sub3A : i32
    %jit3A_33 = arith.constant 2 : i32
    %div3A = arith.divsi %sub3A_32, %jit3A_33 : i32
    %sign3A = arith.constant 0 : i32
    %sign3A_34 = arith.cmpi sgt, %sub3A_32, %sign3A : i32
    %sign3A_35 = arith.extui %sign3A_34 : i1 to i32
    %sign3A_36 = arith.constant 0 : i32
    %sign3A_37 = arith.cmpi slt, %sub3A_32, %sign3A_36 : i32
    %sign3A_38 = arith.extui %sign3A_37 : i1 to i32
    %sign3A_39 = arith.subi %sign3A_35, %sign3A_38 : i32
    %sign3A_40 = arith.constant 0 : i32
    %sign3A_41 = arith.cmpi sgt, %jit3A_33, %sign3A_40 : i32
    %sign3A_42 = arith.extui %sign3A_41 : i1 to i32
    %sign3A_43 = arith.constant 0 : i32
    %sign3A_44 = arith.cmpi slt, %jit3A_33, %sign3A_43 : i32
    %sign3A_45 = arith.extui %sign3A_44 : i1 to i32
    %sign3A_46 = arith.subi %sign3A_42, %sign3A_45 : i32
    %ne3A = arith.cmpi ne, %sign3A_39, %sign3A_46 : i32
    %rem3A = arith.remsi %sub3A_32, %jit3A_33 : i32
    %ne3A_47 = arith.constant 0 : i32
    %ne3A_48 = arith.cmpi ne, %rem3A, %ne3A_47 : i32
    %and3A = arith.andi %ne3A, %ne3A_48 : i1
    %sub3A_49 = arith.constant 1 : i32
    %sub3A_50 = arith.subi %div3A, %sub3A_49 : i32
    %select_n3A_51 = arith.select %and3A, %sub3A_50, %div3A : i32
    %while3A = arith.constant 0 : i32
    %while3A_52 = arith.constant 0 : i32
    %while3A_53 = arith.subi %select_n3A_51, %while3A_52 : i32
    %while3A_54 = arith.addi %while3A_52, %while3A_53 : i32
    %while3A_55 = arith.constant 1 : i32
    %while3A_56 = arith.divsi %while3A_53, %while3A_55 : i32
    %while3A_57 = arith.muli %while3A_56, %while3A_55 : i32
    %while3A_58 = arith.addi %while3A_52, %while3A_57 : i32
    %while3A_59 = arith.constant 1 : i32
    scf.for %while3A_76 = %while3A_52 to %while3A_58 step %while3A_59  : i32 {
      %mul3A_77 = arith.constant 2 : i32
      %mul3A_78 = arith.muli %mul3A_77, %while3A_76 : i32
      %add3A_79 = arith.constant 2 : i32
      %add3A_80 = arith.addi %mul3A_78, %add3A_79 : i32
      %mul3A_81 = arith.constant 2 : i32
      %mul3A_82 = arith.muli %mul3A_81, %while3A_76 : i32
      %add3A_83 = arith.constant 3 : i32
      %add3A_84 = arith.addi %mul3A_82, %add3A_83 : i32
      %dma_wait3A_85 = arith.constant 0 : i32
      %dma_wait3A_86 = tpu.memref_slice %arg3[%dma_wait3A_85] : memref<323584xi32, #tpu.memory_space<hbm>> -> memref<128xi32, #tpu.memory_space<hbm>>
      %dma_wait3A_87 = arith.constant 0 : i32
      %dma_wait3A_88 = tpu.memref_slice %arg3[%dma_wait3A_87] : memref<323584xi32, #tpu.memory_space<hbm>> -> memref<128xi32, #tpu.memory_space<hbm>>
      tpu.wait_dma2 semaphore(%arg16 : memref<!tpu.dma_semaphore, #tpu.memory_space<semaphore_mem>>) src(%dma_wait3A_88 : memref<128xi32, #tpu.memory_space<hbm>>) dst(%arg8 : memref<128xi32, #tpu.memory_space<vmem>>)
      %dma_wait3A_89 = arith.constant 0 : i32
      %dma_wait3A_90 = arith.constant 0 : i32
      %dma_wait3A_91 = tpu.memref_slice %arg2[%dma_wait3A_89, %dma_wait3A_90] : memref<10240x128xf32, #tpu.memory_space<hbm>> -> memref<128x128xf32, #tpu.memory_space<hbm>>
      %dma_wait3A_92 = arith.constant 0 : i32
      %dma_wait3A_93 = arith.constant 0 : i32
      %dma_wait3A_94 = tpu.memref_slice %arg2[%dma_wait3A_92, %dma_wait3A_93] : memref<10240x128xf32, #tpu.memory_space<hbm>> -> memref<128x128xf32, #tpu.memory_space<hbm>>
      tpu.wait_dma2 semaphore(%arg13 : memref<!tpu.dma_semaphore, #tpu.memory_space<semaphore_mem>>) src(%dma_wait3A_94 : memref<128x128xf32, #tpu.memory_space<hbm>>) dst(%arg11 : memref<128x128xf32, #tpu.memory_space<vmem>>)
      %dma_start3A_95 = arith.constant 0 : i32
      %dma_start3A_96 = arith.constant 0 : i32
      %dma_start3A_97 = tpu.memref_slice %arg2[%dma_start3A_95, %dma_start3A_96] : memref<10240x128xf32, #tpu.memory_space<hbm>> -> memref<10240x128xf32, #tpu.memory_space<hbm>>
      tpu.enqueue_indirect_dma source(%dma_start3A_97 : memref<10240x128xf32, #tpu.memory_space<hbm>>) target(%arg12 : memref<128x128xf32, #tpu.memory_space<vmem>>) offsets(%arg8 : memref<128xi32, #tpu.memory_space<vmem>>) semaphore(%arg14 : memref<!tpu.dma_semaphore, #tpu.memory_space<semaphore_mem>>)
      %add3A_98 = arith.addi %select_n3A, %add3A_80 : i32
      %mul3A_99 = arith.constant 128 : i32
      %mul3A_100 = arith.muli %add3A_98, %mul3A_99 : i32
      %dma_start3A_101 = tpu.memref_slice %arg3[%mul3A_100] : memref<323584xi32, #tpu.memory_space<hbm>> -> memref<128xi32, #tpu.memory_space<hbm>>
      %dma_start3A_102 = tpu.memref_slice %arg3[%mul3A_100] : memref<323584xi32, #tpu.memory_space<hbm>> -> memref<128xi32, #tpu.memory_space<hbm>>
      tpu.enqueue_dma source(%dma_start3A_102 : memref<128xi32, #tpu.memory_space<hbm>>) target(%arg7 : memref<128xi32, #tpu.memory_space<vmem>>) target_semaphore(%arg15 : memref<!tpu.dma_semaphore, #tpu.memory_space<semaphore_mem>>)
      %dma_wait3A_103 = arith.constant 0 : i32
      %dma_wait3A_104 = tpu.memref_slice %arg4[%dma_wait3A_103] : memref<323584xi32, #tpu.memory_space<hbm>> -> memref<128xi32, #tpu.memory_space<hbm>>
      %dma_wait3A_105 = arith.constant 0 : i32
      %dma_wait3A_106 = tpu.memref_slice %arg4[%dma_wait3A_105] : memref<323584xi32, #tpu.memory_space<hbm>> -> memref<128xi32, #tpu.memory_space<hbm>>
      tpu.wait_dma2 semaphore(%arg17 : memref<!tpu.dma_semaphore, #tpu.memory_space<semaphore_mem>>) src(%dma_wait3A_106 : memref<128xi32, #tpu.memory_space<hbm>>) dst(%arg9 : memref<128xi32, #tpu.memory_space<vmem>>)
      "tpu.region"() ({
        %run_scoped3A = tpu.sem_alloc : memref<!tpu.dma_semaphore, #tpu.memory_space<semaphore_mem>>
        %dma_start3A_136 = arith.constant 0 : i32
        %dma_start3A_137 = arith.constant 0 : i32
        %dma_start3A_138 = tpu.memref_slice %arg6[%dma_start3A_136, %dma_start3A_137] : memref<10240x128xf32, #tpu.memory_space<vmem_shared>> -> memref<10240x128xf32, #tpu.memory_space<vmem_shared>>
        tpu.enqueue_indirect_dma source(%arg11 : memref<128x128xf32, #tpu.memory_space<vmem>>) target(%dma_start3A_138 : memref<10240x128xf32, #tpu.memory_space<vmem_shared>>) offsets(%arg9 : memref<128xi32, #tpu.memory_space<vmem>>) semaphore(%run_scoped3A : memref<!tpu.dma_semaphore, #tpu.memory_space<semaphore_mem>>) {add = true}
        %dma_wait3A_139 = arith.constant 0 : i32
        %dma_wait3A_140 = arith.constant 0 : i32
        %dma_wait3A_141 = tpu.memref_slice %arg6[%dma_wait3A_139, %dma_wait3A_140] : memref<10240x128xf32, #tpu.memory_space<vmem_shared>> -> memref<10240x128xf32, #tpu.memory_space<vmem_shared>>
        tpu.wait_indirect_dma semaphore(%run_scoped3A : memref<!tpu.dma_semaphore, #tpu.memory_space<semaphore_mem>>) src(%arg11 : memref<128x128xf32, #tpu.memory_space<vmem>>) dst(%dma_wait3A_141 : memref<10240x128xf32, #tpu.memory_space<vmem_shared>>)
        tpu.yield
      }) : () -> ()
      %add3A_107 = arith.addi %select_n3A, %add3A_80 : i32
      %mul3A_108 = arith.constant 128 : i32
      %mul3A_109 = arith.muli %add3A_107, %mul3A_108 : i32
      %dma_start3A_110 = tpu.memref_slice %arg4[%mul3A_109] : memref<323584xi32, #tpu.memory_space<hbm>> -> memref<128xi32, #tpu.memory_space<hbm>>
      %dma_start3A_111 = tpu.memref_slice %arg4[%mul3A_109] : memref<323584xi32, #tpu.memory_space<hbm>> -> memref<128xi32, #tpu.memory_space<hbm>>
      tpu.enqueue_dma source(%dma_start3A_111 : memref<128xi32, #tpu.memory_space<hbm>>) target(%arg9 : memref<128xi32, #tpu.memory_space<vmem>>) target_semaphore(%arg17 : memref<!tpu.dma_semaphore, #tpu.memory_space<semaphore_mem>>)
      %dma_wait3A_112 = arith.constant 0 : i32
      %dma_wait3A_113 = tpu.memref_slice %arg3[%dma_wait3A_112] : memref<323584xi32, #tpu.memory_space<hbm>> -> memref<128xi32, #tpu.memory_space<hbm>>
      %dma_wait3A_114 = arith.constant 0 : i32
      %dma_wait3A_115 = tpu.memref_slice %arg3[%dma_wait3A_114] : memref<323584xi32, #tpu.memory_space<hbm>> -> memref<128xi32, #tpu.memory_space<hbm>>
      tpu.wait_dma2 semaphore(%arg15 : memref<!tpu.dma_semaphore, #tpu.memory_space<semaphore_mem>>) src(%dma_wait3A_115 : memref<128xi32, #tpu.memory_space<hbm>>) dst(%arg7 : memref<128xi32, #tpu.memory_space<vmem>>)
      %dma_wait3A_116 = arith.constant 0 : i32
      %dma_wait3A_117 = arith.constant 0 : i32
      %dma_wait3A_118 = tpu.memref_slice %arg2[%dma_wait3A_116, %dma_wait3A_117] : memref<10240x128xf32, #tpu.memory_space<hbm>> -> memref<128x128xf32, #tpu.memory_space<hbm>>
      %dma_wait3A_119 = arith.constant 0 : i32
      %dma_wait3A_120 = arith.constant 0 : i32
      %dma_wait3A_121 = tpu.memref_slice %arg2[%dma_wait3A_119, %dma_wait3A_120] : memref<10240x128xf32, #tpu.memory_space<hbm>> -> memref<128x128xf32, #tpu.memory_space<hbm>>
      tpu.wait_dma2 semaphore(%arg14 : memref<!tpu.dma_semaphore, #tpu.memory_space<semaphore_mem>>) src(%dma_wait3A_121 : memref<128x128xf32, #tpu.memory_space<hbm>>) dst(%arg12 : memref<128x128xf32, #tpu.memory_space<vmem>>)
      %dma_start3A_122 = arith.constant 0 : i32
      %dma_start3A_123 = arith.constant 0 : i32
      %dma_start3A_124 = tpu.memref_slice %arg2[%dma_start3A_122, %dma_start3A_123] : memref<10240x128xf32, #tpu.memory_space<hbm>> -> memref<10240x128xf32, #tpu.memory_space<hbm>>
      tpu.enqueue_indirect_dma source(%dma_start3A_124 : memref<10240x128xf32, #tpu.memory_space<hbm>>) target(%arg11 : memref<128x128xf32, #tpu.memory_space<vmem>>) offsets(%arg7 : memref<128xi32, #tpu.memory_space<vmem>>) semaphore(%arg13 : memref<!tpu.dma_semaphore, #tpu.memory_space<semaphore_mem>>)
      %lt3A = arith.cmpi slt, %add3A_84, %select_n3A_8 : i32
      %convert_element_type3A_125 = arith.extui %lt3A : i1 to i32
      %cond3A_126 = arith.constant 0 : i32
      %cond3A_127 = arith.cmpi ne, %convert_element_type3A_125, %cond3A_126 : i32
      scf.if %cond3A_127 {
        %add3A_136 = arith.addi %select_n3A, %add3A_84 : i32
        %mul3A_137 = arith.constant 128 : i32
        %mul3A_138 = arith.muli %add3A_136, %mul3A_137 : i32
        %dma_start3A_139 = tpu.memref_slice %arg3[%mul3A_138] : memref<323584xi32, #tpu.memory_space<hbm>> -> memref<128xi32, #tpu.memory_space<hbm>>
        %dma_start3A_140 = tpu.memref_slice %arg3[%mul3A_138] : memref<323584xi32, #tpu.memory_space<hbm>> -> memref<128xi32, #tpu.memory_space<hbm>>
        tpu.enqueue_dma source(%dma_start3A_140 : memref<128xi32, #tpu.memory_space<hbm>>) target(%arg8 : memref<128xi32, #tpu.memory_space<vmem>>) target_semaphore(%arg16 : memref<!tpu.dma_semaphore, #tpu.memory_space<semaphore_mem>>)
      } else {
      }
      %dma_wait3A_128 = arith.constant 0 : i32
      %dma_wait3A_129 = tpu.memref_slice %arg4[%dma_wait3A_128] : memref<323584xi32, #tpu.memory_space<hbm>> -> memref<128xi32, #tpu.memory_space<hbm>>
      %dma_wait3A_130 = arith.constant 0 : i32
      %dma_wait3A_131 = tpu.memref_slice %arg4[%dma_wait3A_130] : memref<323584xi32, #tpu.memory_space<hbm>> -> memref<128xi32, #tpu.memory_space<hbm>>
      tpu.wait_dma2 semaphore(%arg18 : memref<!tpu.dma_semaphore, #tpu.memory_space<semaphore_mem>>) src(%dma_wait3A_131 : memref<128xi32, #tpu.memory_space<hbm>>) dst(%arg10 : memref<128xi32, #tpu.memory_space<vmem>>)
      "tpu.region"() ({
        %run_scoped3A = tpu.sem_alloc : memref<!tpu.dma_semaphore, #tpu.memory_space<semaphore_mem>>
        %dma_start3A_136 = arith.constant 0 : i32
        %dma_start3A_137 = arith.constant 0 : i32
        %dma_start3A_138 = tpu.memref_slice %arg6[%dma_start3A_136, %dma_start3A_137] : memref<10240x128xf32, #tpu.memory_space<vmem_shared>> -> memref<10240x128xf32, #tpu.memory_space<vmem_shared>>
        tpu.enqueue_indirect_dma source(%arg12 : memref<128x128xf32, #tpu.memory_space<vmem>>) target(%dma_start3A_138 : memref<10240x128xf32, #tpu.memory_space<vmem_shared>>) offsets(%arg10 : memref<128xi32, #tpu.memory_space<vmem>>) semaphore(%run_scoped3A : memref<!tpu.dma_semaphore, #tpu.memory_space<semaphore_mem>>) {add = true}
        %dma_wait3A_139 = arith.constant 0 : i32
        %dma_wait3A_140 = arith.constant 0 : i32
        %dma_wait3A_141 = tpu.memref_slice %arg6[%dma_wait3A_139, %dma_wait3A_140] : memref<10240x128xf32, #tpu.memory_space<vmem_shared>> -> memref<10240x128xf32, #tpu.memory_space<vmem_shared>>
        tpu.wait_indirect_dma semaphore(%run_scoped3A : memref<!tpu.dma_semaphore, #tpu.memory_space<semaphore_mem>>) src(%arg12 : memref<128x128xf32, #tpu.memory_space<vmem>>) dst(%dma_wait3A_141 : memref<10240x128xf32, #tpu.memory_space<vmem_shared>>)
        tpu.yield
      }) : () -> ()
      %lt3A_132 = arith.cmpi slt, %add3A_84, %select_n3A_8 : i32
      %convert_element_type3A_133 = arith.extui %lt3A_132 : i1 to i32
      %cond3A_134 = arith.constant 0 : i32
      %cond3A_135 = arith.cmpi ne, %convert_element_type3A_133, %cond3A_134 : i32
      scf.if %cond3A_135 {
        %add3A_136 = arith.addi %select_n3A, %add3A_84 : i32
        %mul3A_137 = arith.constant 128 : i32
        %mul3A_138 = arith.muli %add3A_136, %mul3A_137 : i32
        %dma_start3A_139 = tpu.memref_slice %arg4[%mul3A_138] : memref<323584xi32, #tpu.memory_space<hbm>> -> memref<128xi32, #tpu.memory_space<hbm>>
        %dma_start3A_140 = tpu.memref_slice %arg4[%mul3A_138] : memref<323584xi32, #tpu.memory_space<hbm>> -> memref<128xi32, #tpu.memory_space<hbm>>
        tpu.enqueue_dma source(%dma_start3A_140 : memref<128xi32, #tpu.memory_space<hbm>>) target(%arg10 : memref<128xi32, #tpu.memory_space<vmem>>) target_semaphore(%arg18 : memref<!tpu.dma_semaphore, #tpu.memory_space<semaphore_mem>>)
      } else {
      }
    }
    %while3A_60 = arith.constant 1 : i32
    scf.for %while3A_76 = %while3A_58 to %while3A_54 step %while3A_60  : i32 {
      %mul3A_77 = arith.constant 2 : i32
      %mul3A_78 = arith.muli %mul3A_77, %while3A_76 : i32
      %add3A_79 = arith.constant 2 : i32
      %add3A_80 = arith.addi %mul3A_78, %add3A_79 : i32
      %mul3A_81 = arith.constant 2 : i32
      %mul3A_82 = arith.muli %mul3A_81, %while3A_76 : i32
      %add3A_83 = arith.constant 3 : i32
      %add3A_84 = arith.addi %mul3A_82, %add3A_83 : i32
      %dma_wait3A_85 = arith.constant 0 : i32
      %dma_wait3A_86 = tpu.memref_slice %arg3[%dma_wait3A_85] : memref<323584xi32, #tpu.memory_space<hbm>> -> memref<128xi32, #tpu.memory_space<hbm>>
      %dma_wait3A_87 = arith.constant 0 : i32
      %dma_wait3A_88 = tpu.memref_slice %arg3[%dma_wait3A_87] : memref<323584xi32, #tpu.memory_space<hbm>> -> memref<128xi32, #tpu.memory_space<hbm>>
      tpu.wait_dma2 semaphore(%arg16 : memref<!tpu.dma_semaphore, #tpu.memory_space<semaphore_mem>>) src(%dma_wait3A_88 : memref<128xi32, #tpu.memory_space<hbm>>) dst(%arg8 : memref<128xi32, #tpu.memory_space<vmem>>)
      %dma_wait3A_89 = arith.constant 0 : i32
      %dma_wait3A_90 = arith.constant 0 : i32
      %dma_wait3A_91 = tpu.memref_slice %arg2[%dma_wait3A_89, %dma_wait3A_90] : memref<10240x128xf32, #tpu.memory_space<hbm>> -> memref<128x128xf32, #tpu.memory_space<hbm>>
      %dma_wait3A_92 = arith.constant 0 : i32
      %dma_wait3A_93 = arith.constant 0 : i32
      %dma_wait3A_94 = tpu.memref_slice %arg2[%dma_wait3A_92, %dma_wait3A_93] : memref<10240x128xf32, #tpu.memory_space<hbm>> -> memref<128x128xf32, #tpu.memory_space<hbm>>
      tpu.wait_dma2 semaphore(%arg13 : memref<!tpu.dma_semaphore, #tpu.memory_space<semaphore_mem>>) src(%dma_wait3A_94 : memref<128x128xf32, #tpu.memory_space<hbm>>) dst(%arg11 : memref<128x128xf32, #tpu.memory_space<vmem>>)
      %dma_start3A_95 = arith.constant 0 : i32
      %dma_start3A_96 = arith.constant 0 : i32
      %dma_start3A_97 = tpu.memref_slice %arg2[%dma_start3A_95, %dma_start3A_96] : memref<10240x128xf32, #tpu.memory_space<hbm>> -> memref<10240x128xf32, #tpu.memory_space<hbm>>
      tpu.enqueue_indirect_dma source(%dma_start3A_97 : memref<10240x128xf32, #tpu.memory_space<hbm>>) target(%arg12 : memref<128x128xf32, #tpu.memory_space<vmem>>) offsets(%arg8 : memref<128xi32, #tpu.memory_space<vmem>>) semaphore(%arg14 : memref<!tpu.dma_semaphore, #tpu.memory_space<semaphore_mem>>)
      %add3A_98 = arith.addi %select_n3A, %add3A_80 : i32
      %mul3A_99 = arith.constant 128 : i32
      %mul3A_100 = arith.muli %add3A_98, %mul3A_99 : i32
      %dma_start3A_101 = tpu.memref_slice %arg3[%mul3A_100] : memref<323584xi32, #tpu.memory_space<hbm>> -> memref<128xi32, #tpu.memory_space<hbm>>
      %dma_start3A_102 = tpu.memref_slice %arg3[%mul3A_100] : memref<323584xi32, #tpu.memory_space<hbm>> -> memref<128xi32, #tpu.memory_space<hbm>>
      tpu.enqueue_dma source(%dma_start3A_102 : memref<128xi32, #tpu.memory_space<hbm>>) target(%arg7 : memref<128xi32, #tpu.memory_space<vmem>>) target_semaphore(%arg15 : memref<!tpu.dma_semaphore, #tpu.memory_space<semaphore_mem>>)
      %dma_wait3A_103 = arith.constant 0 : i32
      %dma_wait3A_104 = tpu.memref_slice %arg4[%dma_wait3A_103] : memref<323584xi32, #tpu.memory_space<hbm>> -> memref<128xi32, #tpu.memory_space<hbm>>
      %dma_wait3A_105 = arith.constant 0 : i32
      %dma_wait3A_106 = tpu.memref_slice %arg4[%dma_wait3A_105] : memref<323584xi32, #tpu.memory_space<hbm>> -> memref<128xi32, #tpu.memory_space<hbm>>
      tpu.wait_dma2 semaphore(%arg17 : memref<!tpu.dma_semaphore, #tpu.memory_space<semaphore_mem>>) src(%dma_wait3A_106 : memref<128xi32, #tpu.memory_space<hbm>>) dst(%arg9 : memref<128xi32, #tpu.memory_space<vmem>>)
      "tpu.region"() ({
        %run_scoped3A = tpu.sem_alloc : memref<!tpu.dma_semaphore, #tpu.memory_space<semaphore_mem>>
        %dma_start3A_136 = arith.constant 0 : i32
        %dma_start3A_137 = arith.constant 0 : i32
        %dma_start3A_138 = tpu.memref_slice %arg6[%dma_start3A_136, %dma_start3A_137] : memref<10240x128xf32, #tpu.memory_space<vmem_shared>> -> memref<10240x128xf32, #tpu.memory_space<vmem_shared>>
        tpu.enqueue_indirect_dma source(%arg11 : memref<128x128xf32, #tpu.memory_space<vmem>>) target(%dma_start3A_138 : memref<10240x128xf32, #tpu.memory_space<vmem_shared>>) offsets(%arg9 : memref<128xi32, #tpu.memory_space<vmem>>) semaphore(%run_scoped3A : memref<!tpu.dma_semaphore, #tpu.memory_space<semaphore_mem>>) {add = true}
        %dma_wait3A_139 = arith.constant 0 : i32
        %dma_wait3A_140 = arith.constant 0 : i32
        %dma_wait3A_141 = tpu.memref_slice %arg6[%dma_wait3A_139, %dma_wait3A_140] : memref<10240x128xf32, #tpu.memory_space<vmem_shared>> -> memref<10240x128xf32, #tpu.memory_space<vmem_shared>>
        tpu.wait_indirect_dma semaphore(%run_scoped3A : memref<!tpu.dma_semaphore, #tpu.memory_space<semaphore_mem>>) src(%arg11 : memref<128x128xf32, #tpu.memory_space<vmem>>) dst(%dma_wait3A_141 : memref<10240x128xf32, #tpu.memory_space<vmem_shared>>)
        tpu.yield
      }) : () -> ()
      %add3A_107 = arith.addi %select_n3A, %add3A_80 : i32
      %mul3A_108 = arith.constant 128 : i32
      %mul3A_109 = arith.muli %add3A_107, %mul3A_108 : i32
      %dma_start3A_110 = tpu.memref_slice %arg4[%mul3A_109] : memref<323584xi32, #tpu.memory_space<hbm>> -> memref<128xi32, #tpu.memory_space<hbm>>
      %dma_start3A_111 = tpu.memref_slice %arg4[%mul3A_109] : memref<323584xi32, #tpu.memory_space<hbm>> -> memref<128xi32, #tpu.memory_space<hbm>>
      tpu.enqueue_dma source(%dma_start3A_111 : memref<128xi32, #tpu.memory_space<hbm>>) target(%arg9 : memref<128xi32, #tpu.memory_space<vmem>>) target_semaphore(%arg17 : memref<!tpu.dma_semaphore, #tpu.memory_space<semaphore_mem>>)
      %dma_wait3A_112 = arith.constant 0 : i32
      %dma_wait3A_113 = tpu.memref_slice %arg3[%dma_wait3A_112] : memref<323584xi32, #tpu.memory_space<hbm>> -> memref<128xi32, #tpu.memory_space<hbm>>
      %dma_wait3A_114 = arith.constant 0 : i32
      %dma_wait3A_115 = tpu.memref_slice %arg3[%dma_wait3A_114] : memref<323584xi32, #tpu.memory_space<hbm>> -> memref<128xi32, #tpu.memory_space<hbm>>
      tpu.wait_dma2 semaphore(%arg15 : memref<!tpu.dma_semaphore, #tpu.memory_space<semaphore_mem>>) src(%dma_wait3A_115 : memref<128xi32, #tpu.memory_space<hbm>>) dst(%arg7 : memref<128xi32, #tpu.memory_space<vmem>>)
      %dma_wait3A_116 = arith.constant 0 : i32
      %dma_wait3A_117 = arith.constant 0 : i32
      %dma_wait3A_118 = tpu.memref_slice %arg2[%dma_wait3A_116, %dma_wait3A_117] : memref<10240x128xf32, #tpu.memory_space<hbm>> -> memref<128x128xf32, #tpu.memory_space<hbm>>
      %dma_wait3A_119 = arith.constant 0 : i32
      %dma_wait3A_120 = arith.constant 0 : i32
      %dma_wait3A_121 = tpu.memref_slice %arg2[%dma_wait3A_119, %dma_wait3A_120] : memref<10240x128xf32, #tpu.memory_space<hbm>> -> memref<128x128xf32, #tpu.memory_space<hbm>>
      tpu.wait_dma2 semaphore(%arg14 : memref<!tpu.dma_semaphore, #tpu.memory_space<semaphore_mem>>) src(%dma_wait3A_121 : memref<128x128xf32, #tpu.memory_space<hbm>>) dst(%arg12 : memref<128x128xf32, #tpu.memory_space<vmem>>)
      %dma_start3A_122 = arith.constant 0 : i32
      %dma_start3A_123 = arith.constant 0 : i32
      %dma_start3A_124 = tpu.memref_slice %arg2[%dma_start3A_122, %dma_start3A_123] : memref<10240x128xf32, #tpu.memory_space<hbm>> -> memref<10240x128xf32, #tpu.memory_space<hbm>>
      tpu.enqueue_indirect_dma source(%dma_start3A_124 : memref<10240x128xf32, #tpu.memory_space<hbm>>) target(%arg11 : memref<128x128xf32, #tpu.memory_space<vmem>>) offsets(%arg7 : memref<128xi32, #tpu.memory_space<vmem>>) semaphore(%arg13 : memref<!tpu.dma_semaphore, #tpu.memory_space<semaphore_mem>>)
      %lt3A = arith.cmpi slt, %add3A_84, %select_n3A_8 : i32
      %convert_element_type3A_125 = arith.extui %lt3A : i1 to i32
      %cond3A_126 = arith.constant 0 : i32
      %cond3A_127 = arith.cmpi ne, %convert_element_type3A_125, %cond3A_126 : i32
      scf.if %cond3A_127 {
        %add3A_136 = arith.addi %select_n3A, %add3A_84 : i32
        %mul3A_137 = arith.constant 128 : i32
        %mul3A_138 = arith.muli %add3A_136, %mul3A_137 : i32
        %dma_start3A_139 = tpu.memref_slice %arg3[%mul3A_138] : memref<323584xi32, #tpu.memory_space<hbm>> -> memref<128xi32, #tpu.memory_space<hbm>>
        %dma_start3A_140 = tpu.memref_slice %arg3[%mul3A_138] : memref<323584xi32, #tpu.memory_space<hbm>> -> memref<128xi32, #tpu.memory_space<hbm>>
        tpu.enqueue_dma source(%dma_start3A_140 : memref<128xi32, #tpu.memory_space<hbm>>) target(%arg8 : memref<128xi32, #tpu.memory_space<vmem>>) target_semaphore(%arg16 : memref<!tpu.dma_semaphore, #tpu.memory_space<semaphore_mem>>)
      } else {
      }
      %dma_wait3A_128 = arith.constant 0 : i32
      %dma_wait3A_129 = tpu.memref_slice %arg4[%dma_wait3A_128] : memref<323584xi32, #tpu.memory_space<hbm>> -> memref<128xi32, #tpu.memory_space<hbm>>
      %dma_wait3A_130 = arith.constant 0 : i32
      %dma_wait3A_131 = tpu.memref_slice %arg4[%dma_wait3A_130] : memref<323584xi32, #tpu.memory_space<hbm>> -> memref<128xi32, #tpu.memory_space<hbm>>
      tpu.wait_dma2 semaphore(%arg18 : memref<!tpu.dma_semaphore, #tpu.memory_space<semaphore_mem>>) src(%dma_wait3A_131 : memref<128xi32, #tpu.memory_space<hbm>>) dst(%arg10 : memref<128xi32, #tpu.memory_space<vmem>>)
      "tpu.region"() ({
        %run_scoped3A = tpu.sem_alloc : memref<!tpu.dma_semaphore, #tpu.memory_space<semaphore_mem>>
        %dma_start3A_136 = arith.constant 0 : i32
        %dma_start3A_137 = arith.constant 0 : i32
        %dma_start3A_138 = tpu.memref_slice %arg6[%dma_start3A_136, %dma_start3A_137] : memref<10240x128xf32, #tpu.memory_space<vmem_shared>> -> memref<10240x128xf32, #tpu.memory_space<vmem_shared>>
        tpu.enqueue_indirect_dma source(%arg12 : memref<128x128xf32, #tpu.memory_space<vmem>>) target(%dma_start3A_138 : memref<10240x128xf32, #tpu.memory_space<vmem_shared>>) offsets(%arg10 : memref<128xi32, #tpu.memory_space<vmem>>) semaphore(%run_scoped3A : memref<!tpu.dma_semaphore, #tpu.memory_space<semaphore_mem>>) {add = true}
        %dma_wait3A_139 = arith.constant 0 : i32
        %dma_wait3A_140 = arith.constant 0 : i32
        %dma_wait3A_141 = tpu.memref_slice %arg6[%dma_wait3A_139, %dma_wait3A_140] : memref<10240x128xf32, #tpu.memory_space<vmem_shared>> -> memref<10240x128xf32, #tpu.memory_space<vmem_shared>>
        tpu.wait_indirect_dma semaphore(%run_scoped3A : memref<!tpu.dma_semaphore, #tpu.memory_space<semaphore_mem>>) src(%arg12 : memref<128x128xf32, #tpu.memory_space<vmem>>) dst(%dma_wait3A_141 : memref<10240x128xf32, #tpu.memory_space<vmem_shared>>)
        tpu.yield
      }) : () -> ()
      %lt3A_132 = arith.cmpi slt, %add3A_84, %select_n3A_8 : i32
      %convert_element_type3A_133 = arith.extui %lt3A_132 : i1 to i32
      %cond3A_134 = arith.constant 0 : i32
      %cond3A_135 = arith.cmpi ne, %convert_element_type3A_133, %cond3A_134 : i32
      scf.if %cond3A_135 {
        %add3A_136 = arith.addi %select_n3A, %add3A_84 : i32
        %mul3A_137 = arith.constant 128 : i32
        %mul3A_138 = arith.muli %add3A_136, %mul3A_137 : i32
        %dma_start3A_139 = tpu.memref_slice %arg4[%mul3A_138] : memref<323584xi32, #tpu.memory_space<hbm>> -> memref<128xi32, #tpu.memory_space<hbm>>
        %dma_start3A_140 = tpu.memref_slice %arg4[%mul3A_138] : memref<323584xi32, #tpu.memory_space<hbm>> -> memref<128xi32, #tpu.memory_space<hbm>>
        tpu.enqueue_dma source(%dma_start3A_140 : memref<128xi32, #tpu.memory_space<hbm>>) target(%arg10 : memref<128xi32, #tpu.memory_space<vmem>>) target_semaphore(%arg18 : memref<!tpu.dma_semaphore, #tpu.memory_space<semaphore_mem>>)
      } else {
      }
    }
    %dma_wait3A_61 = arith.constant 0 : i32
    %dma_wait3A_62 = arith.constant 0 : i32
    %dma_wait3A_63 = tpu.memref_slice %arg2[%dma_wait3A_61, %dma_wait3A_62] : memref<10240x128xf32, #tpu.memory_space<hbm>> -> memref<128x128xf32, #tpu.memory_space<hbm>>
    %dma_wait3A_64 = arith.constant 0 : i32
    %dma_wait3A_65 = arith.constant 0 : i32
    %dma_wait3A_66 = tpu.memref_slice %arg2[%dma_wait3A_64, %dma_wait3A_65] : memref<10240x128xf32, #tpu.memory_space<hbm>> -> memref<128x128xf32, #tpu.memory_space<hbm>>
    tpu.wait_dma2 semaphore(%arg13 : memref<!tpu.dma_semaphore, #tpu.memory_space<semaphore_mem>>) src(%dma_wait3A_66 : memref<128x128xf32, #tpu.memory_space<hbm>>) dst(%arg11 : memref<128x128xf32, #tpu.memory_space<vmem>>)
    %dma_wait3A_67 = arith.constant 0 : i32
    %dma_wait3A_68 = tpu.memref_slice %arg4[%dma_wait3A_67] : memref<323584xi32, #tpu.memory_space<hbm>> -> memref<128xi32, #tpu.memory_space<hbm>>
    %dma_wait3A_69 = arith.constant 0 : i32
    %dma_wait3A_70 = tpu.memref_slice %arg4[%dma_wait3A_69] : memref<323584xi32, #tpu.memory_space<hbm>> -> memref<128xi32, #tpu.memory_space<hbm>>
    tpu.wait_dma2 semaphore(%arg17 : memref<!tpu.dma_semaphore, #tpu.memory_space<semaphore_mem>>) src(%dma_wait3A_70 : memref<128xi32, #tpu.memory_space<hbm>>) dst(%arg9 : memref<128xi32, #tpu.memory_space<vmem>>)
    "tpu.region"() ({
      %run_scoped3A = tpu.sem_alloc : memref<!tpu.dma_semaphore, #tpu.memory_space<semaphore_mem>>
      %dma_start3A_76 = arith.constant 0 : i32
      %dma_start3A_77 = arith.constant 0 : i32
      %dma_start3A_78 = tpu.memref_slice %arg6[%dma_start3A_76, %dma_start3A_77] : memref<10240x128xf32, #tpu.memory_space<vmem_shared>> -> memref<10240x128xf32, #tpu.memory_space<vmem_shared>>
      tpu.enqueue_indirect_dma source(%arg11 : memref<128x128xf32, #tpu.memory_space<vmem>>) target(%dma_start3A_78 : memref<10240x128xf32, #tpu.memory_space<vmem_shared>>) offsets(%arg9 : memref<128xi32, #tpu.memory_space<vmem>>) semaphore(%run_scoped3A : memref<!tpu.dma_semaphore, #tpu.memory_space<semaphore_mem>>) {add = true}
      %dma_wait3A_79 = arith.constant 0 : i32
      %dma_wait3A_80 = arith.constant 0 : i32
      %dma_wait3A_81 = tpu.memref_slice %arg6[%dma_wait3A_79, %dma_wait3A_80] : memref<10240x128xf32, #tpu.memory_space<vmem_shared>> -> memref<10240x128xf32, #tpu.memory_space<vmem_shared>>
      tpu.wait_indirect_dma semaphore(%run_scoped3A : memref<!tpu.dma_semaphore, #tpu.memory_space<semaphore_mem>>) src(%arg11 : memref<128x128xf32, #tpu.memory_space<vmem>>) dst(%dma_wait3A_81 : memref<10240x128xf32, #tpu.memory_space<vmem_shared>>)
      tpu.yield
    }) : () -> ()
    %barrier3A_71 = arith.constant 0 : index
    tpu.barrier barrier_id(%barrier3A_71)
    %mul3A_72 = arith.constant 640 : i32
    %mul3A_73 = arith.muli %arg1, %mul3A_72 : i32
    %mul3A_74 = arith.constant 640 : i32
    %mul3A_75 = arith.muli %arg1, %mul3A_74 : i32
    "tpu.region"() ({
      %run_scoped3A = tpu.sem_alloc : memref<!tpu.dma_semaphore, #tpu.memory_space<semaphore_mem>>
      %dma_start3A_76 = arith.constant 0 : i32
      %dma_start3A_77 = tpu.memref_slice %arg5[%arg0, %mul3A_75, %dma_start3A_76] : memref<2x10240x128xf32, #tpu.memory_space<hbm>> -> memref<1x640x128xf32, #tpu.memory_space<hbm>>
      %dma_start3A_78 = tpu.memref_squeeze %dma_start3A_77 : memref<1x640x128xf32, #tpu.memory_space<hbm>> -> memref<640x128xf32, #tpu.memory_space<hbm>>
      %dma_start3A_79 = arith.constant 0 : i32
      %dma_start3A_80 = tpu.memref_slice %arg6[%mul3A_73, %dma_start3A_79] : memref<10240x128xf32, #tpu.memory_space<vmem_shared>> -> memref<640x128xf32, #tpu.memory_space<vmem_shared>>
      tpu.enqueue_dma source(%dma_start3A_80 : memref<640x128xf32, #tpu.memory_space<vmem_shared>>) target(%dma_start3A_78 : memref<640x128xf32, #tpu.memory_space<hbm>>) target_semaphore(%run_scoped3A : memref<!tpu.dma_semaphore, #tpu.memory_space<semaphore_mem>>)
      %dma_wait3A_81 = arith.constant 0 : i32
      %dma_wait3A_82 = tpu.memref_slice %arg5[%arg0, %mul3A_75, %dma_wait3A_81] : memref<2x10240x128xf32, #tpu.memory_space<hbm>> -> memref<1x640x128xf32, #tpu.memory_space<hbm>>
      %dma_wait3A_83 = tpu.memref_squeeze %dma_wait3A_82 : memref<1x640x128xf32, #tpu.memory_space<hbm>> -> memref<640x128xf32, #tpu.memory_space<hbm>>
      %dma_wait3A_84 = arith.constant 0 : i32
      %dma_wait3A_85 = tpu.memref_slice %arg6[%mul3A_73, %dma_wait3A_84] : memref<10240x128xf32, #tpu.memory_space<vmem_shared>> -> memref<640x128xf32, #tpu.memory_space<vmem_shared>>
      tpu.wait_dma2 semaphore(%run_scoped3A : memref<!tpu.dma_semaphore, #tpu.memory_space<semaphore_mem>>) src(%dma_wait3A_85 : memref<640x128xf32, #tpu.memory_space<vmem_shared>>) dst(%dma_wait3A_83 : memref<640x128xf32, #tpu.memory_space<hbm>>)
      tpu.yield
    }) : () -> ()
    return
  }
}

module attributes {stable_mosaic.version = 14 : i64} {
  func.func @_g0_body(%arg0: memref<10240x128xf32, #tpu.memory_space<vmem>>, %arg1: memref<128x128xf32, #tpu.memory_space<vmem>>, %arg2: memref<2x10240x16xf32, #tpu.memory_space<vmem>>, %arg3: memref<10240x128xf32, #tpu.memory_space<vmem>>) attributes {dimension_semantics = [], scalar_prefetch = 0 : i64, scratch_operands = 0 : i64, tpu.core_type = #tpu.core_type<tc>} {
    %get3A = arith.constant 0 : index
    %get3A_0 = arith.constant 0 : index
    %get3A_1 = arith.constant 0 : index
    %get3A_2 = vector.load %arg2[%get3A, %get3A_0, %get3A_1] : memref<2x10240x16xf32, #tpu.memory_space<vmem>>, vector<1x10240x16xf32>
    %get3A_3 = vector.shape_cast %get3A_2 : vector<1x10240x16xf32> to vector<10240x16xf32>
    %get3A_4 = arith.constant 1 : index
    %get3A_5 = arith.constant 0 : index
    %get3A_6 = arith.constant 0 : index
    %get3A_7 = vector.load %arg2[%get3A_4, %get3A_5, %get3A_6] : memref<2x10240x16xf32, #tpu.memory_space<vmem>>, vector<1x10240x16xf32>
    %get3A_8 = vector.shape_cast %get3A_7 : vector<1x10240x16xf32> to vector<10240x16xf32>
    %add3A = arith.addf %get3A_3, %get3A_8 : vector<10240x16xf32>
    %slice3A = vector.extract_strided_slice %add3A {offsets = [0, 0], sizes = [10240, 1], strides = [1, 1]} : vector<10240x16xf32> to vector<10240x1xf32>
    %add3A_9 = arith.constant 1.000000e+00 : f32
    %add3A_10 = vector.broadcast %add3A_9 : f32 to vector<10240x1xf32>
    %add3A_11 = arith.addf %slice3A, %add3A_10 : vector<10240x1xf32>
    %rsqrt3A = math.rsqrt %add3A_11 : vector<10240x1xf32>
    %get3A_12 = arith.constant 0 : index
    %get3A_13 = arith.constant 0 : index
    %get3A_14 = vector.load %arg0[%get3A_12, %get3A_13] : memref<10240x128xf32, #tpu.memory_space<vmem>>, vector<10240x128xf32>
    %get3A_15 = arith.constant 0 : index
    %get3A_16 = arith.constant 0 : index
    %get3A_17 = vector.load %arg1[%get3A_15, %get3A_16] : memref<128x128xf32, #tpu.memory_space<vmem>>, vector<128x128xf32>
    %dot_general3A = arith.constant dense<0.000000e+00> : vector<10240x128xf32>
    %dot_general3A_18 = tpu.matmul %get3A_14, %get3A_17, %dot_general3A {dimension_numbers = #tpu.dot_dimension_numbers<[1], [1], [0], [0], [0, 0, 1, 0], [], []>, transpose_lhs_hint = false} : vector<10240x128xf32>, vector<128x128xf32>, vector<10240x128xf32> -> vector<10240x128xf32>
    %mul3A = vector.broadcast %rsqrt3A : vector<10240x1xf32> to vector<10240x128xf32>
    %mul3A_19 = arith.mulf %mul3A, %dot_general3A_18 : vector<10240x128xf32>
    %swap3A = arith.constant 0 : index
    %swap3A_20 = arith.constant 0 : index
    %swap3A_21 = vector.load %arg3[%swap3A, %swap3A_20] : memref<10240x128xf32, #tpu.memory_space<vmem>>, vector<10240x128xf32>
    tpu.vector_store %arg3[%swap3A, %swap3A_20], %mul3A_19 {strides = array<i32>} : memref<10240x128xf32, #tpu.memory_space<vmem>>, vector<10240x128xf32>,
    return
  }
}

module attributes {stable_mosaic.version = 14 : i64} {
  func.func @_layer_body(%arg0: memref<2x10240x128xf32, #tpu.memory_space<vmem>>, %arg1: memref<10240x128xf32, #tpu.memory_space<vmem>>, %arg2: memref<1x128xf32, #tpu.memory_space<vmem>>, %arg3: memref<2x10240x16xf32, #tpu.memory_space<vmem>>, %arg4: memref<128x128xf32, #tpu.memory_space<vmem>>, %arg5: memref<10240x128xf32, #tpu.memory_space<vmem>>) attributes {dimension_semantics = [], scalar_prefetch = 0 : i64, scratch_operands = 0 : i64, tpu.core_type = #tpu.core_type<tc>} {
    %get3A = arith.constant 0 : index
    %get3A_0 = arith.constant 0 : index
    %get3A_1 = arith.constant 0 : index
    %get3A_2 = vector.load %arg3[%get3A, %get3A_0, %get3A_1] : memref<2x10240x16xf32, #tpu.memory_space<vmem>>, vector<1x10240x16xf32>
    %get3A_3 = vector.shape_cast %get3A_2 : vector<1x10240x16xf32> to vector<10240x16xf32>
    %get3A_4 = arith.constant 1 : index
    %get3A_5 = arith.constant 0 : index
    %get3A_6 = arith.constant 0 : index
    %get3A_7 = vector.load %arg3[%get3A_4, %get3A_5, %get3A_6] : memref<2x10240x16xf32, #tpu.memory_space<vmem>>, vector<1x10240x16xf32>
    %get3A_8 = vector.shape_cast %get3A_7 : vector<1x10240x16xf32> to vector<10240x16xf32>
    %add3A = arith.addf %get3A_3, %get3A_8 : vector<10240x16xf32>
    %slice3A = vector.extract_strided_slice %add3A {offsets = [0, 0], sizes = [10240, 1], strides = [1, 1]} : vector<10240x16xf32> to vector<10240x1xf32>
    %add3A_9 = arith.constant 1.000000e+00 : f32
    %add3A_10 = vector.broadcast %add3A_9 : f32 to vector<10240x1xf32>
    %add3A_11 = arith.addf %slice3A, %add3A_10 : vector<10240x1xf32>
    %rsqrt3A = math.rsqrt %add3A_11 : vector<10240x1xf32>
    %get3A_12 = arith.constant 0 : index
    %get3A_13 = arith.constant 0 : index
    %get3A_14 = arith.constant 0 : index
    %get3A_15 = vector.load %arg0[%get3A_12, %get3A_13, %get3A_14] : memref<2x10240x128xf32, #tpu.memory_space<vmem>>, vector<1x10240x128xf32>
    %get3A_16 = vector.shape_cast %get3A_15 : vector<1x10240x128xf32> to vector<10240x128xf32>
    %get3A_17 = arith.constant 1 : index
    %get3A_18 = arith.constant 0 : index
    %get3A_19 = arith.constant 0 : index
    %get3A_20 = vector.load %arg0[%get3A_17, %get3A_18, %get3A_19] : memref<2x10240x128xf32, #tpu.memory_space<vmem>>, vector<1x10240x128xf32>
    %get3A_21 = vector.shape_cast %get3A_20 : vector<1x10240x128xf32> to vector<10240x128xf32>
    %add3A_22 = arith.addf %get3A_16, %get3A_21 : vector<10240x128xf32>
    %get3A_23 = arith.constant 0 : index
    %get3A_24 = arith.constant 0 : index
    %get3A_25 = vector.load %arg1[%get3A_23, %get3A_24] : memref<10240x128xf32, #tpu.memory_space<vmem>>, vector<10240x128xf32>
    %sub3A = arith.subf %add3A_22, %get3A_25 : vector<10240x128xf32>
    %mul3A = vector.broadcast %rsqrt3A : vector<10240x1xf32> to vector<10240x128xf32>
    %mul3A_26 = arith.mulf %mul3A, %sub3A : vector<10240x128xf32>
    %get3A_27 = arith.constant 0 : index
    %get3A_28 = arith.constant 0 : index
    %get3A_29 = vector.load %arg2[%get3A_27, %get3A_28] : memref<1x128xf32, #tpu.memory_space<vmem>>, vector<1x128xf32>
    %add3A_30 = vector.broadcast %get3A_29 : vector<1x128xf32> to vector<10240x128xf32>
    %add3A_31 = arith.addf %mul3A_26, %add3A_30 : vector<10240x128xf32>
    %iota3A = tpu.iota {dimensions = array<i32: 0>} : vector<10240x1xi32>
    %lt3A = arith.constant 10000 : i32
    %lt3A_32 = vector.broadcast %lt3A : i32 to vector<10240x1xi32>
    %lt3A_33 = arith.cmpi slt, %iota3A, %lt3A_32 : vector<10240x1xi32>
    %jit3A = arith.constant 0.000000e+00 : f32
    %broadcast_in_dim3A = vector.shape_cast %lt3A_33 : vector<10240x1xi1> to vector<10240x1xi1>
    %broadcast_in_dim3A_34 = vector.broadcast %broadcast_in_dim3A : vector<10240x1xi1> to vector<10240x128xi1>
    %broadcast_in_dim3A_35 = vector.broadcast %jit3A : f32 to vector<10240x128xf32>
    %select_n3A = arith.select %broadcast_in_dim3A_34, %add3A_31, %broadcast_in_dim3A_35 : vector<10240x128xi1>, vector<10240x128xf32>
    %max3A = arith.constant 0.000000e+00 : f32
    %max3A_36 = vector.broadcast %max3A : f32 to vector<10240x128xf32>
    %max3A_37 = arith.maximumf %select_n3A, %max3A_36 : vector<10240x128xf32>
    %reduce_sum3A = arith.constant dense<0.000000e+00> : vector<128xf32>
    %reduce_sum3A_38 = vector.multi_reduction <add>, %max3A_37, %reduce_sum3A [0] : vector<10240x128xf32> to vector<128xf32>
    %broadcast_in_dim3A_39 = vector.shape_cast %reduce_sum3A_38 : vector<128xf32> to vector<1x128xf32>
    %div3A = arith.constant 1.000000e+04 : f32
    %div3A_40 = vector.broadcast %div3A : f32 to vector<1x128xf32>
    %div3A_41 = arith.divf %broadcast_in_dim3A_39, %div3A_40 : vector<1x128xf32>
    %mul3A_42 = arith.mulf %max3A_37, %max3A_37 : vector<10240x128xf32>
    %reduce_sum3A_43 = arith.constant dense<0.000000e+00> : vector<128xf32>
    %reduce_sum3A_44 = vector.multi_reduction <add>, %mul3A_42, %reduce_sum3A_43 [0] : vector<10240x128xf32> to vector<128xf32>
    %broadcast_in_dim3A_45 = vector.shape_cast %reduce_sum3A_44 : vector<128xf32> to vector<1x128xf32>
    %div3A_46 = arith.constant 1.000000e+04 : f32
    %div3A_47 = vector.broadcast %div3A_46 : f32 to vector<1x128xf32>
    %div3A_48 = arith.divf %broadcast_in_dim3A_45, %div3A_47 : vector<1x128xf32>
    %mul3A_49 = arith.mulf %div3A_41, %div3A_41 : vector<1x128xf32>
    %sub3A_50 = arith.subf %div3A_48, %mul3A_49 : vector<1x128xf32>
    %sub3A_51 = vector.broadcast %div3A_41 : vector<1x128xf32> to vector<10240x128xf32>
    %sub3A_52 = arith.subf %max3A_37, %sub3A_51 : vector<10240x128xf32>
    %add3A_53 = arith.constant 9.99999974E-6 : f32
    %add3A_54 = vector.broadcast %add3A_53 : f32 to vector<1x128xf32>
    %add3A_55 = arith.addf %sub3A_50, %add3A_54 : vector<1x128xf32>
    %rsqrt3A_56 = math.rsqrt %add3A_55 : vector<1x128xf32>
    %mul3A_57 = vector.broadcast %rsqrt3A_56 : vector<1x128xf32> to vector<10240x128xf32>
    %mul3A_58 = arith.mulf %sub3A_52, %mul3A_57 : vector<10240x128xf32>
    %get3A_59 = arith.constant 0 : index
    %get3A_60 = arith.constant 0 : index
    %get3A_61 = vector.load %arg4[%get3A_59, %get3A_60] : memref<128x128xf32, #tpu.memory_space<vmem>>, vector<128x128xf32>
    %dot_general3A = arith.constant dense<0.000000e+00> : vector<10240x128xf32>
    %dot_general3A_62 = tpu.matmul %mul3A_58, %get3A_61, %dot_general3A {dimension_numbers = #tpu.dot_dimension_numbers<[1], [1], [0], [0], [0, 0, 1, 0], [], []>, transpose_lhs_hint = false} : vector<10240x128xf32>, vector<128x128xf32>, vector<10240x128xf32> -> vector<10240x128xf32>
    %mul3A_63 = vector.broadcast %rsqrt3A : vector<10240x1xf32> to vector<10240x128xf32>
    %mul3A_64 = arith.mulf %mul3A_63, %dot_general3A_62 : vector<10240x128xf32>
    %jit3A_65 = arith.constant 0.000000e+00 : f32
    %broadcast_in_dim3A_66 = vector.shape_cast %lt3A_33 : vector<10240x1xi1> to vector<10240x1xi1>
    %broadcast_in_dim3A_67 = vector.broadcast %broadcast_in_dim3A_66 : vector<10240x1xi1> to vector<10240x128xi1>
    %broadcast_in_dim3A_68 = vector.broadcast %jit3A_65 : f32 to vector<10240x128xf32>
    %select_n3A_69 = arith.select %broadcast_in_dim3A_67, %mul3A_64, %broadcast_in_dim3A_68 : vector<10240x128xi1>, vector<10240x128xf32>
    %swap3A = arith.constant 0 : index
    %swap3A_70 = arith.constant 0 : index
    %swap3A_71 = vector.load %arg5[%swap3A, %swap3A_70] : memref<10240x128xf32, #tpu.memory_space<vmem>>, vector<10240x128xf32>
    tpu.vector_store %arg5[%swap3A, %swap3A_70], %select_n3A_69 {strides = array<i32>} : memref<10240x128xf32, #tpu.memory_space<vmem>>, vector<10240x128xf32>,
    return
  }
}

module attributes {stable_mosaic.version = 14 : i64} {
  func.func @_final_body(%arg0: memref<2x10240x128xf32, #tpu.memory_space<vmem>>, %arg1: memref<10240x128xf32, #tpu.memory_space<vmem>>, %arg2: memref<1x128xf32, #tpu.memory_space<vmem>>, %arg3: memref<2x10240x16xf32, #tpu.memory_space<vmem>>, %arg4: memref<10x128xf32, #tpu.memory_space<vmem>>, %arg5: memref<1x10xf32, #tpu.memory_space<vmem>>, %arg6: memref<1x10xf32, #tpu.memory_space<vmem>>) attributes {dimension_semantics = [], scalar_prefetch = 0 : i64, scratch_operands = 0 : i64, tpu.core_type = #tpu.core_type<tc>} {
    %get3A = arith.constant 0 : index
    %get3A_0 = arith.constant 0 : index
    %get3A_1 = arith.constant 0 : index
    %get3A_2 = vector.load %arg3[%get3A, %get3A_0, %get3A_1] : memref<2x10240x16xf32, #tpu.memory_space<vmem>>, vector<1x10240x16xf32>
    %get3A_3 = vector.shape_cast %get3A_2 : vector<1x10240x16xf32> to vector<10240x16xf32>
    %get3A_4 = arith.constant 1 : index
    %get3A_5 = arith.constant 0 : index
    %get3A_6 = arith.constant 0 : index
    %get3A_7 = vector.load %arg3[%get3A_4, %get3A_5, %get3A_6] : memref<2x10240x16xf32, #tpu.memory_space<vmem>>, vector<1x10240x16xf32>
    %get3A_8 = vector.shape_cast %get3A_7 : vector<1x10240x16xf32> to vector<10240x16xf32>
    %add3A = arith.addf %get3A_3, %get3A_8 : vector<10240x16xf32>
    %slice3A = vector.extract_strided_slice %add3A {offsets = [0, 0], sizes = [10240, 1], strides = [1, 1]} : vector<10240x16xf32> to vector<10240x1xf32>
    %add3A_9 = arith.constant 1.000000e+00 : f32
    %add3A_10 = vector.broadcast %add3A_9 : f32 to vector<10240x1xf32>
    %add3A_11 = arith.addf %slice3A, %add3A_10 : vector<10240x1xf32>
    %rsqrt3A = math.rsqrt %add3A_11 : vector<10240x1xf32>
    %get3A_12 = arith.constant 0 : index
    %get3A_13 = arith.constant 0 : index
    %get3A_14 = arith.constant 0 : index
    %get3A_15 = vector.load %arg0[%get3A_12, %get3A_13, %get3A_14] : memref<2x10240x128xf32, #tpu.memory_space<vmem>>, vector<1x10240x128xf32>
    %get3A_16 = vector.shape_cast %get3A_15 : vector<1x10240x128xf32> to vector<10240x128xf32>
    %get3A_17 = arith.constant 1 : index
    %get3A_18 = arith.constant 0 : index
    %get3A_19 = arith.constant 0 : index
    %get3A_20 = vector.load %arg0[%get3A_17, %get3A_18, %get3A_19] : memref<2x10240x128xf32, #tpu.memory_space<vmem>>, vector<1x10240x128xf32>
    %get3A_21 = vector.shape_cast %get3A_20 : vector<1x10240x128xf32> to vector<10240x128xf32>
    %add3A_22 = arith.addf %get3A_16, %get3A_21 : vector<10240x128xf32>
    %get3A_23 = arith.constant 0 : index
    %get3A_24 = arith.constant 0 : index
    %get3A_25 = vector.load %arg1[%get3A_23, %get3A_24] : memref<10240x128xf32, #tpu.memory_space<vmem>>, vector<10240x128xf32>
    %sub3A = arith.subf %add3A_22, %get3A_25 : vector<10240x128xf32>
    %mul3A = vector.broadcast %rsqrt3A : vector<10240x1xf32> to vector<10240x128xf32>
    %mul3A_26 = arith.mulf %mul3A, %sub3A : vector<10240x128xf32>
    %get3A_27 = arith.constant 0 : index
    %get3A_28 = arith.constant 0 : index
    %get3A_29 = vector.load %arg2[%get3A_27, %get3A_28] : memref<1x128xf32, #tpu.memory_space<vmem>>, vector<1x128xf32>
    %add3A_30 = vector.broadcast %get3A_29 : vector<1x128xf32> to vector<10240x128xf32>
    %add3A_31 = arith.addf %mul3A_26, %add3A_30 : vector<10240x128xf32>
    %iota3A = tpu.iota {dimensions = array<i32: 0>} : vector<10240x1xi32>
    %lt3A = arith.constant 10000 : i32
    %lt3A_32 = vector.broadcast %lt3A : i32 to vector<10240x1xi32>
    %lt3A_33 = arith.cmpi slt, %iota3A, %lt3A_32 : vector<10240x1xi32>
    %jit3A = arith.constant 0.000000e+00 : f32
    %broadcast_in_dim3A = vector.shape_cast %lt3A_33 : vector<10240x1xi1> to vector<10240x1xi1>
    %broadcast_in_dim3A_34 = vector.broadcast %broadcast_in_dim3A : vector<10240x1xi1> to vector<10240x128xi1>
    %broadcast_in_dim3A_35 = vector.broadcast %jit3A : f32 to vector<10240x128xf32>
    %select_n3A = arith.select %broadcast_in_dim3A_34, %add3A_31, %broadcast_in_dim3A_35 : vector<10240x128xi1>, vector<10240x128xf32>
    %reduce_sum3A = arith.constant dense<0.000000e+00> : vector<128xf32>
    %reduce_sum3A_36 = vector.multi_reduction <add>, %select_n3A, %reduce_sum3A [0] : vector<10240x128xf32> to vector<128xf32>
    %broadcast_in_dim3A_37 = vector.shape_cast %reduce_sum3A_36 : vector<128xf32> to vector<1x128xf32>
    %div3A = arith.constant 1.000000e+04 : f32
    %div3A_38 = vector.broadcast %div3A : f32 to vector<1x128xf32>
    %div3A_39 = arith.divf %broadcast_in_dim3A_37, %div3A_38 : vector<1x128xf32>
    %mul3A_40 = arith.mulf %select_n3A, %select_n3A : vector<10240x128xf32>
    %reduce_sum3A_41 = arith.constant dense<0.000000e+00> : vector<128xf32>
    %reduce_sum3A_42 = vector.multi_reduction <add>, %mul3A_40, %reduce_sum3A_41 [0] : vector<10240x128xf32> to vector<128xf32>
    %broadcast_in_dim3A_43 = vector.shape_cast %reduce_sum3A_42 : vector<128xf32> to vector<1x128xf32>
    %div3A_44 = arith.constant 1.000000e+04 : f32
    %div3A_45 = vector.broadcast %div3A_44 : f32 to vector<1x128xf32>
    %div3A_46 = arith.divf %broadcast_in_dim3A_43, %div3A_45 : vector<1x128xf32>
    %mul3A_47 = arith.mulf %div3A_39, %div3A_39 : vector<1x128xf32>
    %sub3A_48 = arith.subf %div3A_46, %mul3A_47 : vector<1x128xf32>
    %sub3A_49 = vector.broadcast %div3A_39 : vector<1x128xf32> to vector<10240x128xf32>
    %sub3A_50 = arith.subf %select_n3A, %sub3A_49 : vector<10240x128xf32>
    %add3A_51 = arith.constant 9.99999974E-6 : f32
    %add3A_52 = vector.broadcast %add3A_51 : f32 to vector<1x128xf32>
    %add3A_53 = arith.addf %sub3A_48, %add3A_52 : vector<1x128xf32>
    %rsqrt3A_54 = math.rsqrt %add3A_53 : vector<1x128xf32>
    %mul3A_55 = vector.broadcast %rsqrt3A_54 : vector<1x128xf32> to vector<10240x128xf32>
    %mul3A_56 = arith.mulf %sub3A_50, %mul3A_55 : vector<10240x128xf32>
    %jit3A_57 = arith.constant 0.000000e+00 : f32
    %broadcast_in_dim3A_58 = vector.shape_cast %lt3A_33 : vector<10240x1xi1> to vector<10240x1xi1>
    %broadcast_in_dim3A_59 = vector.broadcast %broadcast_in_dim3A_58 : vector<10240x1xi1> to vector<10240x128xi1>
    %broadcast_in_dim3A_60 = vector.broadcast %jit3A_57 : f32 to vector<10240x128xf32>
    %select_n3A_61 = arith.select %broadcast_in_dim3A_59, %mul3A_56, %broadcast_in_dim3A_60 : vector<10240x128xi1>, vector<10240x128xf32>
    %reduce_sum3A_62 = arith.constant dense<0.000000e+00> : vector<128xf32>
    %reduce_sum3A_63 = vector.multi_reduction <add>, %select_n3A_61, %reduce_sum3A_62 [0] : vector<10240x128xf32> to vector<128xf32>
    %broadcast_in_dim3A_64 = vector.shape_cast %reduce_sum3A_63 : vector<128xf32> to vector<1x128xf32>
    %div3A_65 = arith.constant 1.000000e+04 : f32
    %div3A_66 = vector.broadcast %div3A_65 : f32 to vector<1x128xf32>
    %div3A_67 = arith.divf %broadcast_in_dim3A_64, %div3A_66 : vector<1x128xf32>
    %get3A_68 = arith.constant 0 : index
    %get3A_69 = arith.constant 0 : index
    %get3A_70 = vector.load %arg4[%get3A_68, %get3A_69] : memref<10x128xf32, #tpu.memory_space<vmem>>, vector<10x128xf32>
    %dot_general3A = arith.constant dense<0.000000e+00> : vector<1x10xf32>
    %dot_general3A_71 = tpu.matmul %div3A_67, %get3A_70, %dot_general3A {dimension_numbers = #tpu.dot_dimension_numbers<[1], [1], [0], [0], [0, 0, 1, 0], [], []>, transpose_lhs_hint = false} : vector<1x128xf32>, vector<10x128xf32>, vector<1x10xf32> -> vector<1x10xf32>
    %get3A_72 = arith.constant 0 : index
    %get3A_73 = arith.constant 0 : index
    %get3A_74 = vector.load %arg5[%get3A_72, %get3A_73] : memref<1x10xf32, #tpu.memory_space<vmem>>, vector<1x10xf32>
    %add3A_75 = arith.addf %dot_general3A_71, %get3A_74 : vector<1x10xf32>
    %reduce_max3A = arith.constant dense<0xFF800000> : vector<1xf32>
    %reduce_max3A_76 = vector.multi_reduction <maximumf>, %add3A_75, %reduce_max3A [1] : vector<1x10xf32> to vector<1xf32>
    %broadcast_in_dim3A_77 = vector.shape_cast %reduce_max3A_76 : vector<1xf32> to vector<1x1xf32>
    %sub3A_78 = vector.broadcast %broadcast_in_dim3A_77 : vector<1x1xf32> to vector<1x10xf32>
    %sub3A_79 = arith.subf %add3A_75, %sub3A_78 : vector<1x10xf32>
    %exp3A = math.exp %sub3A_79 : vector<1x10xf32>
    %reduce_sum3A_80 = arith.constant dense<0.000000e+00> : vector<1xf32>
    %reduce_sum3A_81 = vector.multi_reduction <add>, %exp3A, %reduce_sum3A_80 [1] : vector<1x10xf32> to vector<1xf32>
    %broadcast_in_dim3A_82 = vector.shape_cast %reduce_sum3A_81 : vector<1xf32> to vector<1x1xf32>
    %div3A_83 = vector.broadcast %broadcast_in_dim3A_82 : vector<1x1xf32> to vector<1x10xf32>
    %div3A_84 = arith.divf %exp3A, %div3A_83 : vector<1x10xf32>
    %swap3A = arith.constant 0 : index
    %swap3A_85 = arith.constant 0 : index
    %swap3A_86 = vector.load %arg6[%swap3A, %swap3A_85] : memref<1x10xf32, #tpu.memory_space<vmem>>, vector<1x10xf32>
    tpu.vector_store %arg6[%swap3A, %swap3A_85], %div3A_84 {strides = array<i32>} : memref<1x10xf32, #tpu.memory_space<vmem>>, vector<1x10xf32>,
    return
  }
}

</mosaic_0001>

<sc_bundles>
// kernel: kernel.10.cloned.1.call-start
scs
__scs_entry_jumppad:
0x0: {  	(pc) =	sbr.rel $0x88, $3  }
0x1: {  	(tag) =	ssettag $0x0;
	lr =	simm.s32 $0x1  }
0x2: {  	[smem:$0x3F97] =	sst lr;
	_ =	strace $0xD0000000  }
0x3: {  	_ = 	snop  }
0x4: {  	_ = 	snop  }
0x5: {  	_ = 	snop  }
0x6: {  	_ = 	snop  }
0x7: {  	_ = 	snop  }
__scs_overlays_trampoline_lowered:
0x8: {  	[smem:$0x3FA6] =	sst s0  }
0x9: {  	[smem:$0x3FA7] =	sst s1  }
0xa: {  	[smem:$0x3FA8] =	sst s2  }
0xb: {  	[smem:$0x3FA9] =	sst s3  }
0xc: {  	[smem:$0x3FAA] =	sst s4  }
0xd: {  	[smem:$0x3FAB] =	sst s5  }
0xe: {  	[smem:$0x3FAC] =	sst s6  }
0xf: {  	[smem:$0x3FAD] =	sst s7  }
0x10: {  	[smem:$0x3FAE] =	sst s8  }
0x11: {  	[smem:$0x3FAF] =	sst s9;
	s0 =	simm.s32 @!p0 $0x0  }
0x12: {  	s1 =	sld [smem:$0x3F95];
	s0 =	simm.s32 @p0 $0x1  }
0x13: {  	[smem:$0x3FB0] =	sst s0;
	s0 =	simm.s32 @!p1 $0x0  }
0x14: {  	s2 =	sld [smem:$0x3F94];
	s0 =	simm.s32 @p1 $0x1  }
0x15: {  	[smem:$0x3FB1] =	sst s0;
	s0 =	simm.s32 @!p2 $0x0  }
0x16: {  	s3 =	sld [smem:$0x3FDB];
	s0 =	simm.s32 @p2 $0x1  }
0x17: {  	s4 =	simm.s32 $0x1BF5;
	[smem:$0x3FB3] =	sst s0  }
0x18: {  	s0 =	sld [smem:$0x3F96];
	_ =	swait.ge [sflag:s4], $0x0  }
0x19: {  	s7 =	sld [smem:$0x3F97]  }
0x1a: {  	s8 =	sadd.s32 $0xFFFFE003, lr  }
0x1b: {  	s9 =	sadd.s32 $0xFFFFFEF7, lr;
	s5 =	simm.s32 $0xFFFFFFFF;
	p2 =	slt.u32 s8, $0xFFFFF086  }
0x1c: {  	p1 =	slt.u32 s9, $0xF7A;
	s5 =	simm.s32 @!p2 $0x0  }
0x1d: {  	s5 =	simm.s32 @p1 $0x1;
	p0 =	seq.s32 s7, s2  }
0x1e: {  	s7 =	smul.u32 @!p0 $0xF7A, s2;
	p2 =	seq.s32 @!p0 s5, $0x0  }
0x1f: {  	s9 =	smul.u32 $0xF7A, s1;
	s8 =	simm.s32 @!p0 $0x1BF5;
	p2 =	por !p2, p0  }
0x20: {  	[sflag:s8] =	ssyncset.s32 @!p0 $0xFFFFF086;
	s6 =	sadd.s32 @!p0 s3, s7;
	s7 =	simm.s32 @!p0 $0x108  }
0x21: {  	s3 =	sadd.s32 s3, s9;
	s6 =	sadd.s32 @!p0 $0x88, s6;
	s7 =	simm.s32 @p2 $0x1082  }
0x22: {  	[simem:s7], [sflag:s8] =	dma.local @!p0 [hbm:s6], $0xF7A  }
0x23: {  	s9 =	sor.u32 $0xD0000000, s2;
	s6 =	simm.s32 $0x108;
	_ =	swait.ge @!p0 [sflag:s8], $0x0  }
0x24: {  	s3 =	sadd.s32 $0x88, s3;
	s6 =	simm.s32 @!p1 $0x1082;
	[sflag:s4] =	ssyncset.s32 $0xFFFFF086  }
0x25: {  	[simem:s6], [sflag:s4] =	dma.local [hbm:s3], $0xF7A  }
0x26: {  	[smem:$0x3F97] =	sst s1;
	(tag) =	ssettag s2;
	_ =	strace s9  }
0x27: {  	s1 =	sld [smem:$0x3FA7]  }
0x28: {  	s2 =	sld [smem:$0x3FA8]  }
0x29: {  	s4 =	sld [smem:$0x3FAA]  }
0x2a: {  	p0 =	seq.s32 s5, $0x0;
	s5 =	sld [smem:$0x3FAB]  }
0x2b: {  	s6 =	sld [smem:$0x3FAC]  }
0x2c: {  	s7 =	sld [smem:$0x3FAD]  }
0x2d: {  	s3 =	simm.s32 $0x108;
	s8 =	sld [smem:$0x3FAE]  }
0x2e: {  	s3 =	simm.s32 @!p0 $0x1082;
	s9 =	sld [smem:$0x3FAF]  }
0x2f: {  	lr =	sadd.s32 s0, s3;
	s0 =	sld [smem:$0x3FA6]  }
0x30: {  	s3 =	sld [smem:$0x3FA9]  }
0x31: {  	[smem:$0x3FB2] =	sst s10  }
0x32: {  	s10 =	sld [smem:$0x3FB0];
	_ =	sdelay $0x3  }
0x33: {  	p0 =	seq.s32 s10, $0x1;
	s10 =	sld [smem:$0x3FB2];
	_ =	sdelay $0x3  }
0x34: {  	[smem:$0x3FB2] =	sst s10  }
0x35: {  	s10 =	sld [smem:$0x3FB1];
	_ =	sdelay $0x3  }
0x36: {  	p1 =	seq.s32 s10, $0x1;
	s10 =	sld [smem:$0x3FB2];
	_ =	sdelay $0x3  }
0x37: {  	[smem:$0x3FB2] =	sst s10  }
0x38: {  	s10 =	sld [smem:$0x3FB3]  }
0x39: {  	_ = 	snop;
	(pc) =	sbr.ind lr, $3  }
0x3a: {  	_ = 	snop  }
0x3b: {  	_ = 	snop  }
0x3c: {  	p2 =	seq.s32 s10, $0x1;
	s10 =	sld [smem:$0x3FB2]  }
0x3d: {  	_ =	shalt  }
0x3e: {  	_ =	shalt  }
0x3f: {  	_ =	shalt  }
0x40: {  	_ =	shalt  }
0x41: {  	_ =	shalt  }
0x42: {  	_ =	shalt  }
0x43: {  	_ =	shalt  }
0x44: {  	_ =	shalt  }
0x45: {  	_ =	shalt  }
0x46: {  	_ =	shalt  }
0x47: {  	_ =	shalt  }
0x48: {  	_ =	shalt  }
0x49: {  	_ =	shalt  }
0x4a: {  	_ =	shalt  }
0x4b: {  	_ =	shalt  }
0x4c: {  	_ =	shalt  }
0x4d: {  	_ =	shalt  }
0x4e: {  	_ =	shalt  }
0x4f: {  	_ =	shalt  }
0x50: {  	_ =	shalt  }
0x51: {  	_ =	shalt  }
0x52: {  	_ =	shalt  }
0x53: {  	_ =	shalt  }
0x54: {  	_ =	shalt  }
0x55: {  	_ =	shalt  }
0x56: {  	_ =	shalt  }
0x57: {  	_ =	shalt  }
0x58: {  	_ =	shalt  }
0x59: {  	_ =	shalt  }
0x5a: {  	_ =	shalt  }
0x5b: {  	_ =	shalt  }
0x5c: {  	_ =	shalt  }
0x5d: {  	_ =	shalt  }
0x5e: {  	_ =	shalt  }
0x5f: {  	_ =	shalt  }
0x60: {  	_ =	shalt  }
0x61: {  	_ =	shalt  }
0x62: {  	_ =	shalt  }
0x63: {  	_ =	shalt  }
0x64: {  	_ =	shalt  }
0x65: {  	_ =	shalt  }
0x66: {  	_ =	shalt  }
0x67: {  	_ =	shalt  }
0x68: {  	_ =	shalt  }
0x69: {  	_ =	shalt  }
0x6a: {  	_ =	shalt  }
0x6b: {  	_ =	shalt  }
0x6c: {  	_ =	shalt  }
0x6d: {  	_ =	shalt  }
0x6e: {  	_ =	shalt  }
0x6f: {  	_ =	shalt  }
0x70: {  	_ =	shalt  }
0x71: {  	_ =	shalt  }
0x72: {  	_ =	shalt  }
0x73: {  	_ =	shalt  }
0x74: {  	_ =	shalt  }
0x75: {  	_ =	shalt  }
0x76: {  	_ =	shalt  }
0x77: {  	_ =	shalt  }
0x78: {  	_ =	shalt  }
0x79: {  	_ =	shalt  }
0x7a: {  	_ =	shalt  }
0x7b: {  	_ =	shalt  }
0x7c: {  	_ =	shalt  }
0x7d: {  	_ =	shalt  }
0x7e: {  	_ =	shalt  }
0x7f: {  	_ =	shalt  }
0x80: {  	_ =	shalt  }
0x81: {  	_ =	shalt  }
0x82: {  	_ =	shalt  }
0x83: {  	_ =	shalt  }
0x84: {  	_ =	shalt  }
0x85: {  	_ =	shalt  }
0x86: {  	_ =	shalt  }
0x87: {  	_ =	shalt  }
.Lfunc_end0:
.L_simem_size_0:
called_computation_lowered:
.L_overlay_start_0:
0x88: {  	s2 =	sld [smem:$0x3FD9]  }
0x89: {  	s3 =	sld [smem:$0x3FFE];
	_ =	sdelay $0x1  }
0x8a: {  	s1 =	srdreg.scid  }
0x8b: {  	s0 =	sand.u32 $0x1, s1  }
0x8c: {  	s16 =	sshll.u32 s0, $0xA;
	s2 =	sadd.s32 s3, s2  }
0x8d: {  	s2 =	sadd.s32 s2, s16  }
0x8e: {  	[smem:$0x3FBE] =	sst s2  }
0x8f: {  	_ = 	snop  }
0x90: {  	(tm) =	ssettm $0x1  }
0x91: {  	s17 =	sld [smem:$0x3FFB];
	_ =	sdelay $0x3  }
0x92: {  	_ =	strace s17  }
0x93: {  	s2 =	sld [smem:$0x3FFC];
	_ =	sdelay $0x3  }
0x94: {  	_ =	strace s2  }
0x95: {  	s2 =	sld [smem:$0x3FFD];
	_ =	sdelay $0x3  }
0x96: {  	_ =	strace s2  }
0x97: {  	_ =	strace $0x8FFFFFFF  }
0x98: {  	s18 =	sld [smem:$0x3FDB];
	_ =	sdelay $0x1  }
0x99: {  	s19 =	simm.s32 $_scs_section_size  }
0x9a: {  	s4 =	simm.s32 $_size__tile_overlayer_lowered;
	s5 =	simm.s32 $_tile_overlayer_lowered  }
0x9b: {  	s22 =	simm.s32 $0x1BFF;
	s21 =	sshll.u32 s5, $0x1;
	s2 =	sadd.s32 s19, s18  }
0x9c: {  	s6 =	simm.s32 $0x0;
	s20 =	sshll.u32 s4, $0x1;
	s4 =	sadd.s32 s21, s2  }
0x9d: {  	[timem:s6], [sflag:s22] =	dma.local [hbm:s4], s20  }
0x9e: {  	_ =	swait.ge [sflag:s22], s20  }
0x9f: {  	s3 =	ssub.s32 $0x0, s20;
	[sflag:s22] =	ssyncset.done $0x0  }
0xa0: {  	[sflag:s22] =	ssyncadd.s32 s3;
	_ =	sdelay $0x1  }
0xa1: {  	s23 =	simm.s32 $0x1B8B  }
0xa2: {  	_ =	swait.ge [sflag:s23], $0x1  }
0xa3: {  	[sflag:s23] =	ssyncset.done $0x0  }
0xa4: {  	s25 =	simm.s32 $0x1B8E;
	s24 =	sld [smem:$0x3FFE];
	[sflag:s23] =	ssyncadd.s32 $0xFFFFFFFF  }
0xa5: {  	s26 =	simm.s32 $execute0_lowered;
	[smem:$0x3FD2] =	sst s25  }
0xa6: {  	s4 =	sshll.u32 s26, $0x1;
	_ =	strace $0x80000046;
	[dreg:$0x1] =	wrdreg $0xFFFFFFFF  }
0xa7: {  	s28 =	simm.s32 $_size_execute0_lowered;
	s2 =	sadd.s32 s2, s4;
	[dreg:$0x0] =	wrdreg $0x0  }
0xa8: {  	s4 =	sshll.u32 s28, $0x1;
	[dreg:$0x2] =	wrdreg s2  }
0xa9: {  	[dreg:$0x3] =	wrdreg s4  }
0xaa: {  	[dreg:$0x4] =	wrdreg $0xC0  }
0xab: {  	_ =	task [dreg:s6], $0x5FFFF  }
0xac: {  	[dreg:$0x1] =	wrdreg $0xFFFFFFFF  }
0xad: {  	[dreg:$0x0] =	wrdreg $0x60  }
0xae: {  	[dreg:$0x2] =	wrdreg s24  }
0xaf: {  	[dreg:$0x3] =	wrdreg $0x0  }
0xb0: {  	[dreg:$0x4] =	wrdreg $0x9  }
0xb1: {  	_ =	task.clear_ibuf [dreg:s6], $0x5FFFF;
	_ =	strace $0x90000046  }
0xb2: {  	s29 =	simm.s32 $0x9;
	_ =	strace $0x80000048  }
0xb3: {  	_ =	swait.ge [sflag:s29], $0x1  }
0xb4: {  	[sflag:s29] =	ssyncadd.s32 $0xFFFFFFFF  }
0xb5: {  	_ =	strace $0x90000048  }
0xb6: {  	_ =	sfence  }
0xb7: {  	s30 =	sld [smem:$0x0];
	_ =	sdelay $0x2  }
0xb8: {  	s31 =	sshll.u32 s1, $0xD;
	s1 =	sshrl.u32 s1, $0x2  }
0xb9: {  	s3 =	sand.u32 $0x4000, s31;
	s1 =	sadd.s32 s1, s30  }
0xba: {  	s0 =	sor.u32 s3, s0;
	s1 =	sshll.u32 s1, $0x11  }
0xbb: {  	s0 =	sor.u32 s1, s0  }
0xbc: {  	s0 =	sadd.s32 $0x8F2B, s0  }
0xbd: {  	[sflag:s0] =	ssyncadd.remote.s32 $0x1  }
0xbe: {  	_ =	sfence.sel $0xFFFF  }
0xbf: {  	[dreg:$0x0] =	wrdreg $0xFFFFFFFF;
	(pc) =	sbr.abs _section_cstart, $3  }
0xc0: {  	[dreg:$0x1] =	wrdreg $0xFFFFFFFF  }
0xc1: {  	_ =	task.clear_ibuf [dreg:s6], $0x2FFFF;
	_ =	strace $0x9FFFFFFF  }
0xc2: {  	(tm) =	ssettm $0x7FFFFFFF  }
0xc3: {  	_ =	shalt  }
tec
execute0_lowered:
.L_overlay_start_1:
0x0: {  	(tag) =	ssettag $0x1  }
0x1: {  	s1 =	srdreg.scid  }
0x2: {  	s0 =	stileid.u32;
	s6 =	rddreg [dreg:$0x0]  }
0x3: {  	s2 =	rddreg [dreg:$0x1];
	s3 =	simm.s32 $0x0;
	s14 =	simm.s32 $0x80  }
0x4: {  	s15 =	simm.s32 $0x0;
	s5 =	sand.u32 $0x1, s1;
	s7 =	smul.u32 $0x14000, s0  }
0x5: {  	s26 =	sshll.u32 s0, $0x1;
	[smem:$0x7FF] =	sst s3;
	s28 =	smul.u32 $0x50000, s0  }
0x6: {  	s31 =	sshll.u32 s0, $0x6;
	s1 =	sor.u32 s5, s26;
	s8 =	smul.u32 $0x140000, s5  }
0x7: {  	s5 =	ssub.s32 $0x2, s5;
	s4 =	smul.u32 $0x500, s1;
	s1 =	rddreg [dreg:$0x2]  }
0x8: {  	_ =	strace $0x80000047;
	s10 =	sshrl.u32 s7, $0x3;
	s29 =	sshrl.u32 s5, $0x1  }
0x9: {  	s30 =	sshrl.u32 s28, $0x2;
	s7 =	sadd.s32 s7, s8;
	s10 =	sadd.s32 s10, s6  }
0xa: {  	s12 =	ssub.s32 s5, s29;
	s13 =	sadd.s32 s30, s2;
	s9 =	sadd.s32 s4, s6  }
0xb: {  	s4 =	sadd.s32 $0x17400, s6;
	s7 =	sshrl.u32 s7, $0x3;
	s5 =	sadd.s32 $0x17C00, s10  }
0xc: {  	s10 =	sshrl.u32 s13, $0x3;
	s13 =	simm.s32 $0x5000;
	s11 =	sadd.s32 s7, s6  }
0xd: {  	s6 =	sor.u32 $0x1C01, s31;
	s7 =	sadd.s32 $0xD400, s9;
	s9 =	smax.u32 s12, $0x1  }
0xe: {  	s12 =	simm.s32 $0x2800;
	s8 =	sadd.s32 $0x3FC00, s11;
	s11 =	simm.s32 $0x1  }
.LBB2_1:
0xf: {  	[spmem:s10], [sflag:s6] =	dma.local [hbm:s5], $0x2800  }
0x10: {  	_ =	swait.ge [sflag:s11], $0x2800  }
0x11: {  	[sflag:s11] =	ssyncset.done $0x0  }
0x12: {  	[sflag:s11] =	ssyncadd.s32 $0xFFFFD800  }
0x13: {  	[tilespmem:s12], [sflag:$0x1] =	stream.linear.gather [hbm4b:s7+s3], $0x2780, $0x38;
	[tilespmem:$0x9000] =	vst v63  }
0x14: {  	_ =	swait.ge [sflag:s11], $0x2780  }
0x15: {  	[sflag:s11] =	ssyncset.done $0x0  }
0x16: {  	[sflag:s11] =	ssyncadd.s32 $0xFFFFD880  }
0x17: {  	[tilespmem:s13], [sflag:$0x1] =	stream.linear.gather [hbm4b:s4+s3], $0x4000, $0x38;
	[tilespmem:$0x9000] =	vst v63  }
0x18: {  	_ =	swait.ge [sflag:s11], $0x4000  }
0x19: {  	[sflag:s11] =	ssyncset.done $0x0  }
0x1a: {  	[sflag:s11] =	ssyncadd.s32 $0xFFFFC000  }
0x1b: {  	s16 =	simm.s32 $0x2800;
	[bflag:$0x0] =	sbarrier.arrive $0xFFFF  }
0x1c: {  	[spmem:s2] =	stream.indirect.scatter.add.f32 [tilespmem:s13], [sflag:$0x1], $0x10, s16, s14, $0xb8;
	[tilespmem:$0x9000] =	vst v63  }
0x1d: {  	s16 =	simm.s32 $0x200;
	_ =	swait.ge [sflag:s11], $0x800  }
.LBB2_2:
0x1e: {  	s17 =	sshra.s32 s16, $0x2;
	[sflag:s11] =	ssyncset.done $0x0;
	p0 =	sne.s32 s16, $0x9C00  }
.Ltmp0:
0x1f: {  	s17 =	sadd.s32 $0x2800, s17;
	[sflag:s11] =	ssyncadd.s32 $0xFFFFF800;
	(pc) =	sbr.rel @p0 .LBB2_2-.Ltmp0, $3  }
0x20: {  	[spmem:s2] =	stream.indirect.scatter.add.f32 [tilespmem:s13], [sflag:$0x1], $0x10, s17, s14, $0xb8;
	[tilespmem:$0x9000] =	vst v63  }
0x21: {  	s16 =	sadd.s32 $0x200, s16;
	_ =	sdelay $0x1  }
0x22: {  	_ =	swait.ge [sflag:s11], $0x800  }
0x23: {  	[sflag:s11] =	ssyncset.done $0x0;
	s15 =	sadd.s32 $0x1, s15  }
0x24: {  	[sflag:s11] =	ssyncadd.s32 $0xFFFFF800;
	p0 =	sne.s32 s15, s9  }
.Ltmp1:
0x25: {  	[bflag:$0x0] =	sbarrier.arrive $0xFFFF;
	(pc) =	sbr.rel @p0 .LBB2_1-.Ltmp1, $4  }
0x26: {  	[hbm:s8], [sflag:s6] =	dma.local [spmem:s10], $0x2800  }
0x27: {  	_ =	swait.ge [sflag:s11], $0x2800  }
0x28: {  	[sflag:s11] =	ssyncset.done $0x0  }
0x29: {  	[sflag:s11] =	ssyncadd.s32 $0xFFFFD800  }
0x2a: {  	_ =	sfence.sel $0x180000  }
0x2b: {  	[bflag:$0x0] =	sbarrier.arrive $0xFFFF  }
0x2c: {  	p0 =	sne.s32 s0, $0x0;
	_ =	strace $0x90000047  }
0x2d: {  	s0 =	sadd.s32 @!p0 $0x100000, s1;
	[bflag:$0x2] =	sbarrier.arrive $0xFFFF  }
0x2e: {  	[sflag:s0] =	ssyncadd.tile.s32 @!p0 $0x1;
	_ =	shalt  }
.Lfunc_end2:
_tile_overlayer_lowered:
.L_overlay_start_2:
0x2f: {  	(tag) =	ssettag $0x2  }
0x30: {  	s0 =	rddreg [dreg:$0x0];
	s2 =	stileid.u32  }
0x31: {  	s1 =	rddreg [dreg:$0x1];
	p0 =	sne.s32 s2, $0x0  }
0x32: {  	s3 =	rddreg [dreg:$0x2];
	[bflag:$0x3] =	sbarrier.arrive $0xFFFF;
	s2 =	simm.s32 @!p0 $0x1C01  }
0x33: {  	[timem:s3], [sflag:s2] =	dma.local @!p0 [hbm:s0], s1  }
0x34: {  	s0 =	simm.s32 @!p0 $0x1  }
0x35: {  	_ =	swait.ge @!p0 [sflag:s0], s1  }
0x36: {  	s1 =	ssub.s32 @!p0 $0x0, s1;
	[sflag:s0] =	ssyncset.done @!p0 $0x0  }
0x37: {  	[sflag:s0] =	ssyncadd.s32 @!p0 s1  }
0x38: {  	[bflag:$0x3] =	sbarrier.arrive $0xFFFF  }
0x39: {  	_ =	shalt  }

// kernel: kernel.13.cloned.1.call-start
scs
__scs_entry_jumppad:
0x0: {  	(pc) =	sbr.rel $0x88, $3  }
0x1: {  	(tag) =	ssettag $0x0;
	lr =	simm.s32 $0x1  }
0x2: {  	[smem:$0x3F97] =	sst lr;
	_ =	strace $0xD0000000  }
0x3: {  	_ = 	snop  }
0x4: {  	_ = 	snop  }
0x5: {  	_ = 	snop  }
0x6: {  	_ = 	snop  }
0x7: {  	_ = 	snop  }
__scs_overlays_trampoline_lowered:
0x8: {  	[smem:$0x3FA6] =	sst s0  }
0x9: {  	[smem:$0x3FA7] =	sst s1  }
0xa: {  	[smem:$0x3FA8] =	sst s2  }
0xb: {  	[smem:$0x3FA9] =	sst s3  }
0xc: {  	[smem:$0x3FAA] =	sst s4  }
0xd: {  	[smem:$0x3FAB] =	sst s5  }
0xe: {  	[smem:$0x3FAC] =	sst s6  }
0xf: {  	[smem:$0x3FAD] =	sst s7  }
0x10: {  	[smem:$0x3FAE] =	sst s8  }
0x11: {  	[smem:$0x3FAF] =	sst s9;
	s0 =	simm.s32 @!p0 $0x0  }
0x12: {  	s1 =	sld [smem:$0x3F95];
	s0 =	simm.s32 @p0 $0x1  }
0x13: {  	[smem:$0x3FB0] =	sst s0;
	s0 =	simm.s32 @!p1 $0x0  }
0x14: {  	s2 =	sld [smem:$0x3F94];
	s0 =	simm.s32 @p1 $0x1  }
0x15: {  	[smem:$0x3FB1] =	sst s0;
	s0 =	simm.s32 @!p2 $0x0  }
0x16: {  	s3 =	sld [smem:$0x3FDB];
	s0 =	simm.s32 @p2 $0x1  }
0x17: {  	s4 =	simm.s32 $0x1BF5;
	[smem:$0x3FB3] =	sst s0  }
0x18: {  	s0 =	sld [smem:$0x3F96];
	_ =	swait.ge [sflag:s4], $0x0  }
0x19: {  	s7 =	sld [smem:$0x3F97]  }
0x1a: {  	s8 =	sadd.s32 $0xFFFFE003, lr  }
0x1b: {  	s9 =	sadd.s32 $0xFFFFFEF7, lr;
	s5 =	simm.s32 $0xFFFFFFFF;
	p2 =	slt.u32 s8, $0xFFFFF086  }
0x1c: {  	p1 =	slt.u32 s9, $0xF7A;
	s5 =	simm.s32 @!p2 $0x0  }
0x1d: {  	s5 =	simm.s32 @p1 $0x1;
	p0 =	seq.s32 s7, s2  }
0x1e: {  	s7 =	smul.u32 @!p0 $0xF7A, s2;
	p2 =	seq.s32 @!p0 s5, $0x0  }
0x1f: {  	s9 =	smul.u32 $0xF7A, s1;
	s8 =	simm.s32 @!p0 $0x1BF5;
	p2 =	por !p2, p0  }
0x20: {  	[sflag:s8] =	ssyncset.s32 @!p0 $0xFFFFF086;
	s6 =	sadd.s32 @!p0 s3, s7;
	s7 =	simm.s32 @!p0 $0x108  }
0x21: {  	s3 =	sadd.s32 s3, s9;
	s6 =	sadd.s32 @!p0 $0x88, s6;
	s7 =	simm.s32 @p2 $0x1082  }
0x22: {  	[simem:s7], [sflag:s8] =	dma.local @!p0 [hbm:s6], $0xF7A  }
0x23: {  	s9 =	sor.u32 $0xD0000000, s2;
	s6 =	simm.s32 $0x108;
	_ =	swait.ge @!p0 [sflag:s8], $0x0  }
0x24: {  	s3 =	sadd.s32 $0x88, s3;
	s6 =	simm.s32 @!p1 $0x1082;
	[sflag:s4] =	ssyncset.s32 $0xFFFFF086  }
0x25: {  	[simem:s6], [sflag:s4] =	dma.local [hbm:s3], $0xF7A  }
0x26: {  	[smem:$0x3F97] =	sst s1;
	(tag) =	ssettag s2;
	_ =	strace s9  }
0x27: {  	s1 =	sld [smem:$0x3FA7]  }
0x28: {  	s2 =	sld [smem:$0x3FA8]  }
0x29: {  	s4 =	sld [smem:$0x3FAA]  }
0x2a: {  	p0 =	seq.s32 s5, $0x0;
	s5 =	sld [smem:$0x3FAB]  }
0x2b: {  	s6 =	sld [smem:$0x3FAC]  }
0x2c: {  	s7 =	sld [smem:$0x3FAD]  }
0x2d: {  	s3 =	simm.s32 $0x108;
	s8 =	sld [smem:$0x3FAE]  }
0x2e: {  	s3 =	simm.s32 @!p0 $0x1082;
	s9 =	sld [smem:$0x3FAF]  }
0x2f: {  	lr =	sadd.s32 s0, s3;
	s0 =	sld [smem:$0x3FA6]  }
0x30: {  	s3 =	sld [smem:$0x3FA9]  }
0x31: {  	[smem:$0x3FB2] =	sst s10  }
0x32: {  	s10 =	sld [smem:$0x3FB0];
	_ =	sdelay $0x3  }
0x33: {  	p0 =	seq.s32 s10, $0x1;
	s10 =	sld [smem:$0x3FB2];
	_ =	sdelay $0x3  }
0x34: {  	[smem:$0x3FB2] =	sst s10  }
0x35: {  	s10 =	sld [smem:$0x3FB1];
	_ =	sdelay $0x3  }
0x36: {  	p1 =	seq.s32 s10, $0x1;
	s10 =	sld [smem:$0x3FB2];
	_ =	sdelay $0x3  }
0x37: {  	[smem:$0x3FB2] =	sst s10  }
0x38: {  	s10 =	sld [smem:$0x3FB3]  }
0x39: {  	_ = 	snop;
	(pc) =	sbr.ind lr, $3  }
0x3a: {  	_ = 	snop  }
0x3b: {  	_ = 	snop  }
0x3c: {  	p2 =	seq.s32 s10, $0x1;
	s10 =	sld [smem:$0x3FB2]  }
0x3d: {  	_ =	shalt  }
0x3e: {  	_ =	shalt  }
0x3f: {  	_ =	shalt  }
0x40: {  	_ =	shalt  }
0x41: {  	_ =	shalt  }
0x42: {  	_ =	shalt  }
0x43: {  	_ =	shalt  }
0x44: {  	_ =	shalt  }
0x45: {  	_ =	shalt  }
0x46: {  	_ =	shalt  }
0x47: {  	_ =	shalt  }
0x48: {  	_ =	shalt  }
0x49: {  	_ =	shalt  }
0x4a: {  	_ =	shalt  }
0x4b: {  	_ =	shalt  }
0x4c: {  	_ =	shalt  }
0x4d: {  	_ =	shalt  }
0x4e: {  	_ =	shalt  }
0x4f: {  	_ =	shalt  }
0x50: {  	_ =	shalt  }
0x51: {  	_ =	shalt  }
0x52: {  	_ =	shalt  }
0x53: {  	_ =	shalt  }
0x54: {  	_ =	shalt  }
0x55: {  	_ =	shalt  }
0x56: {  	_ =	shalt  }
0x57: {  	_ =	shalt  }
0x58: {  	_ =	shalt  }
0x59: {  	_ =	shalt  }
0x5a: {  	_ =	shalt  }
0x5b: {  	_ =	shalt  }
0x5c: {  	_ =	shalt  }
0x5d: {  	_ =	shalt  }
0x5e: {  	_ =	shalt  }
0x5f: {  	_ =	shalt  }
0x60: {  	_ =	shalt  }
0x61: {  	_ =	shalt  }
0x62: {  	_ =	shalt  }
0x63: {  	_ =	shalt  }
0x64: {  	_ =	shalt  }
0x65: {  	_ =	shalt  }
0x66: {  	_ =	shalt  }
0x67: {  	_ =	shalt  }
0x68: {  	_ =	shalt  }
0x69: {  	_ =	shalt  }
0x6a: {  	_ =	shalt  }
0x6b: {  	_ =	shalt  }
0x6c: {  	_ =	shalt  }
0x6d: {  	_ =	shalt  }
0x6e: {  	_ =	shalt  }
0x6f: {  	_ =	shalt  }
0x70: {  	_ =	shalt  }
0x71: {  	_ =	shalt  }
0x72: {  	_ =	shalt  }
0x73: {  	_ =	shalt  }
0x74: {  	_ =	shalt  }
0x75: {  	_ =	shalt  }
0x76: {  	_ =	shalt  }
0x77: {  	_ =	shalt  }
0x78: {  	_ =	shalt  }
0x79: {  	_ =	shalt  }
0x7a: {  	_ =	shalt  }
0x7b: {  	_ =	shalt  }
0x7c: {  	_ =	shalt  }
0x7d: {  	_ =	shalt  }
0x7e: {  	_ =	shalt  }
0x7f: {  	_ =	shalt  }
0x80: {  	_ =	shalt  }
0x81: {  	_ =	shalt  }
0x82: {  	_ =	shalt  }
0x83: {  	_ =	shalt  }
0x84: {  	_ =	shalt  }
0x85: {  	_ =	shalt  }
0x86: {  	_ =	shalt  }
0x87: {  	_ =	shalt  }
.Lfunc_end0:
.L_simem_size_0:
called_computation.1_lowered:
.L_overlay_start_0:
0x88: {  	s2 =	sld [smem:$0x3FD9]  }
0x89: {  	s3 =	sld [smem:$0x3FFE];
	_ =	sdelay $0x1  }
0x8a: {  	s1 =	srdreg.scid  }
0x8b: {  	s0 =	sand.u32 $0x1, s1  }
0x8c: {  	s16 =	sshll.u32 s0, $0xA;
	s2 =	sadd.s32 s3, s2  }
0x8d: {  	s2 =	sadd.s32 s2, s16  }
0x8e: {  	[smem:$0x3FBE] =	sst s2  }
0x8f: {  	_ = 	snop  }
0x90: {  	(tm) =	ssettm $0x1  }
0x91: {  	s17 =	sld [smem:$0x3FFB];
	_ =	sdelay $0x3  }
0x92: {  	_ =	strace s17  }
0x93: {  	s2 =	sld [smem:$0x3FFC];
	_ =	sdelay $0x3  }
0x94: {  	_ =	strace s2  }
0x95: {  	s2 =	sld [smem:$0x3FFD];
	_ =	sdelay $0x3  }
0x96: {  	_ =	strace s2  }
0x97: {  	_ =	strace $0x8FFFFFFF  }
0x98: {  	s18 =	sld [smem:$0x3FDB];
	_ =	sdelay $0x1  }
0x99: {  	s19 =	simm.s32 $_scs_section_size  }
0x9a: {  	s4 =	simm.s32 $_size__tile_overlayer_lowered;
	s5 =	simm.s32 $_tile_overlayer_lowered  }
0x9b: {  	s22 =	simm.s32 $0x1BFF;
	s21 =	sshll.u32 s5, $0x1;
	s2 =	sadd.s32 s19, s18  }
0x9c: {  	s6 =	simm.s32 $0x0;
	s20 =	sshll.u32 s4, $0x1;
	s4 =	sadd.s32 s21, s2  }
0x9d: {  	[timem:s6], [sflag:s22] =	dma.local [hbm:s4], s20  }
0x9e: {  	_ =	swait.ge [sflag:s22], s20  }
0x9f: {  	s3 =	ssub.s32 $0x0, s20;
	[sflag:s22] =	ssyncset.done $0x0  }
0xa0: {  	[sflag:s22] =	ssyncadd.s32 s3;
	_ =	sdelay $0x1  }
0xa1: {  	s23 =	simm.s32 $0x1B8B  }
0xa2: {  	_ =	swait.ge [sflag:s23], $0x1  }
0xa3: {  	[sflag:s23] =	ssyncset.done $0x0  }
0xa4: {  	s25 =	simm.s32 $0x1B8E;
	s24 =	sld [smem:$0x3FFE];
	[sflag:s23] =	ssyncadd.s32 $0xFFFFFFFF  }
0xa5: {  	s26 =	simm.s32 $execute0_lowered;
	[smem:$0x3FD2] =	sst s25  }
0xa6: {  	s4 =	sshll.u32 s26, $0x1;
	_ =	strace $0x80000049;
	[dreg:$0x1] =	wrdreg $0xFFFFFFFF  }
0xa7: {  	s28 =	simm.s32 $_size_execute0_lowered;
	s2 =	sadd.s32 s2, s4;
	[dreg:$0x0] =	wrdreg $0x0  }
0xa8: {  	s4 =	sshll.u32 s28, $0x1;
	[dreg:$0x2] =	wrdreg s2  }
0xa9: {  	[dreg:$0x3] =	wrdreg s4  }
0xaa: {  	[dreg:$0x4] =	wrdreg $0xC0  }
0xab: {  	_ =	task [dreg:s6], $0x5FFFF  }
0xac: {  	[dreg:$0x1] =	wrdreg $0xFFFFFFFF  }
0xad: {  	[dreg:$0x0] =	wrdreg $0x60  }
0xae: {  	[dreg:$0x2] =	wrdreg s24  }
0xaf: {  	[dreg:$0x3] =	wrdreg $0x0  }
0xb0: {  	[dreg:$0x4] =	wrdreg $0x9  }
0xb1: {  	_ =	task.clear_ibuf [dreg:s6], $0x5FFFF;
	_ =	strace $0x90000049  }
0xb2: {  	s29 =	simm.s32 $0x9;
	_ =	strace $0x8000004B  }
0xb3: {  	_ =	swait.ge [sflag:s29], $0x1  }
0xb4: {  	[sflag:s29] =	ssyncadd.s32 $0xFFFFFFFF  }
0xb5: {  	_ =	strace $0x9000004B  }
0xb6: {  	_ =	sfence  }
0xb7: {  	s30 =	sld [smem:$0x0];
	_ =	sdelay $0x2  }
0xb8: {  	s31 =	sshll.u32 s1, $0xD;
	s1 =	sshrl.u32 s1, $0x2  }
0xb9: {  	s3 =	sand.u32 $0x4000, s31;
	s1 =	sadd.s32 s1, s30  }
0xba: {  	s0 =	sor.u32 s3, s0;
	s1 =	sshll.u32 s1, $0x11  }
0xbb: {  	s0 =	sor.u32 s1, s0  }
0xbc: {  	s0 =	sadd.s32 $0x8F2B, s0  }
0xbd: {  	[sflag:s0] =	ssyncadd.remote.s32 $0x1  }
0xbe: {  	_ =	sfence.sel $0xFFFF  }
0xbf: {  	[dreg:$0x0] =	wrdreg $0xFFFFFFFF;
	(pc) =	sbr.abs _section_cstart, $3  }
0xc0: {  	[dreg:$0x1] =	wrdreg $0xFFFFFFFF  }
0xc1: {  	_ =	task.clear_ibuf [dreg:s6], $0x2FFFF;
	_ =	strace $0x9FFFFFFF  }
0xc2: {  	(tm) =	ssettm $0x7FFFFFFF  }
0xc3: {  	_ =	shalt  }
tec
execute0_lowered:
.L_overlay_start_1:
0x0: {  	(tag) =	ssettag $0x1  }
0x1: {  	s0 =	rddreg [dreg:$0x0]  }
0x2: {  	s2 =	rddreg [dreg:$0x1]  }
0x3: {  	s3 =	simm.s32 $0x0;
	s1 =	srdreg.scid;
	s14 =	stileid.u32  }
0x4: {  	s26 =	simm.s32 $0x18200;
	s28 =	simm.s32 $0x5;
	s29 =	simm.s32 $0x3  }
0x5: {  	s30 =	simm.s32 $0x2;
	s31 =	simm.s32 $0x0;
	s6 =	smul.u32 $0x14000, s14  }
0x6: {  	[smem:$0x7FF] =	sst s3;
	s1 =	sand.u32 $0x1, s1;
	s8 =	smul.u32 $0x89, s14  }
0x7: {  	s4 =	sadd.s32 $0xD400, s0;
	s10 =	sadd.s32 $0x8FC00, s0;
	s12 =	smul.u32 $0x15, s14  }
0x8: {  	s11 =	sadd.s32 $0x3600, s0;
	s18 =	smul.u32 $0x50000, s14;
	s20 =	sshll.u32 s14, $0x6  }
0x9: {  	_ =	strace $0x8000004A;
	s5 =	smul.u32 $0x140000, s1;
	s7 =	ssub.s32 $0x2, s1  }
0xa: {  	p0 =	seq.s32 s1, $0x0;
	[dreg:$0x3] =	wrdreg s26;
	s26 =	simm.s32 $0x1  }
0xb: {  	s9 =	sshrl.u32 s7, $0x1;
	s1 =	sadd.s32 $0x890, s12;
	s5 =	sadd.s32 s6, s5  }
0xc: {  	s13 =	ssub.s32 s7, s9;
	s1 =	smov.u32 @p0 s8;
	s7 =	sshrl.u32 s18, $0x2  }
0xd: {  	s6 =	sshrl.u32 s6, $0x3;
	s18 =	simm.s32 $0x7;
	s5 =	sshrl.u32 s5, $0x3  }
0xe: {  	s19 =	sadd.s32 s7, s2;
	s6 =	sadd.s32 s4, s6;
	s7 =	sor.u32 $0x1C07, s20  }
0xf: {  	s1 =	sshll.u32 s1, $0x4;
	s25 =	smax.u32 s13, $0x1;
	s20 =	simm.s32 $0x14100  }
0x10: {  	s0 =	sadd.s32 s5, s0;
	s5 =	simm.s32 $0x89;
	[dreg:$0x4] =	wrdreg s6  }
0x11: {  	s21 =	sadd.s32 s10, s1;
	s22 =	sadd.s32 s11, s1;
	s1 =	sadd.s32 $0x10, s1  }
0x12: {  	[dreg:$0xa] =	wrdreg s25;
	s17 =	sshrl.u32 s19, $0x3;
	s19 =	simm.s32 $0x14000  }
0x13: {  	s25 =	simm.s32 $0x4;
	s5 =	simm.s32 @!p0 $0x15;
	s23 =	sadd.s32 s10, s1  }
0x14: {  	s1 =	sadd.s32 s11, s1;
	s0 =	sadd.s32 $0x99A00, s0;
	[dreg:$0x5] =	wrdreg s22  }
0x15: {  	s6 =	sadd.s32 $0x20, s22;
	s9 =	smov.u32 s21;
	[dreg:$0x6] =	wrdreg s23  }
0x16: {  	s16 =	sadd.s32 $0x20, s21;
	[dreg:$0x7] =	wrdreg s1;
	s24 =	sadd.s32 $0xFFFFFFFF, s5  }
0x17: {  	s21 =	simm.s32 $0x80;
	[dreg:$0x9] =	wrdreg s0;
	s1 =	sshrl.u32 s24, $0x1  }
0x18: {  	s22 =	simm.s32 $0x14200;
	s23 =	simm.s32 $0x14080;
	[dreg:$0x8] =	wrdreg s1  }
.LBB2_1:
0x19: {  	s0 =	rddreg [dreg:$0x4]  }
0x1a: {  	[spmem:s17], [sflag:s7] =	dma.local [hbm:s0], $0x2800  }
0x1b: {  	_ =	swait.ge [sflag:s18], $0x2800  }
0x1c: {  	[sflag:s18] =	ssyncset.done $0x0  }
0x1d: {  	[sflag:s18] =	ssyncadd.s32 $0xFFFFD800  }
0x1e: {  	[tilespmem:s19], [sflag:$0x3] =	stream.linear.gather [hbm4b:s9+s3], $0x80, $0x38;
	[tilespmem:$0x1C200] =	vst v63  }
0x1f: {  	s12 =	rddreg [dreg:$0x5]  }
0x20: {  	[tilespmem:s20], [sflag:$0x5] =	stream.linear.gather [hbm4b:s12+s3], $0x80, $0x38;
	[tilespmem:$0x1C200] =	vst v63  }
0x21: {  	[bflag:$0x0] =	sbarrier.arrive $0xFFFF  }
0x22: {  	_ =	swait.ge [sflag:s29], $0x80  }
0x23: {  	[sflag:s29] =	ssyncset.done $0x0  }
0x24: {  	[sflag:s29] =	ssyncadd.s32 $0xFFFFFF80  }
0x25: {  	[tilespmem:s22], [sflag:$0x1] =	stream.indirect.gather [hbm4b:s4+s21], $0x80, s19, s21, $0xb8;
	[tilespmem:$0x1C200] =	vst v63  }
0x26: {  	s13 =	rddreg [dreg:$0x6]  }
0x27: {  	[tilespmem:s23], [sflag:$0x4] =	stream.linear.gather [hbm4b:s13+s3], $0x80, $0x38;
	[tilespmem:$0x1C200] =	vst v63  }
0x28: {  	s1 =	simm.s32 $0x14180;
	s14 =	rddreg [dreg:$0x7]  }
0x29: {  	[tilespmem:s1], [sflag:$0x6] =	stream.linear.gather [hbm4b:s14+s3], $0x80, $0x38;
	[tilespmem:$0x1C200] =	vst v63  }
0x2a: {  	_ =	swait.ge [sflag:s25], $0x80  }
0x2b: {  	[sflag:s25] =	ssyncset.done $0x0  }
0x2c: {  	[sflag:s25] =	ssyncadd.s32 $0xFFFFFF80  }
0x2d: {  	_ =	swait.ge [sflag:s26], $0x4000  }
0x2e: {  	[sflag:s26] =	ssyncset.done $0x0  }
0x2f: {  	s15 =	rddreg [dreg:$0x3];
	[sflag:s26] =	ssyncadd.s32 $0xFFFFC000  }
0x30: {  	[tilespmem:s15], [sflag:$0x2] =	stream.indirect.gather [hbm4b:s4+s21], $0x80, s23, s21, $0xb8;
	[tilespmem:$0x1C200] =	vst v63  }
0x31: {  	_ = 	snop  }
0x32: {  	[tilespmem:s19], [sflag:$0x3] =	stream.linear.gather [hbm4b:s16+s3], $0x80, $0x38;
	[tilespmem:$0x1C200] =	vst v63  }
0x33: {  	_ =	swait.ge [sflag:s28], $0x80  }
0x34: {  	[sflag:s28] =	ssyncset.done $0x0  }
0x35: {  	[sflag:s28] =	ssyncadd.s32 $0xFFFFFF80  }
0x36: {  	[spmem:s2] =	stream.indirect.scatter.add.f32 [tilespmem:s22], [sflag:$0x7], $0x80, s20, s21, $0xb8;
	[tilespmem:$0x1C200] =	vst v63  }
0x37: {  	_ =	swait.ge [sflag:s18], $0x4000  }
0x38: {  	[sflag:s18] =	ssyncset.done $0x0  }
0x39: {  	[sflag:s18] =	ssyncadd.s32 $0xFFFFC000  }
0x3a: {  	[tilespmem:s20], [sflag:$0x5] =	stream.linear.gather [hbm4b:s6+s3], $0x80, $0x38;
	[tilespmem:$0x1C200] =	vst v63  }
0x3b: {  	_ =	swait.ge [sflag:s29], $0x80  }
0x3c: {  	[sflag:s29] =	ssyncset.done $0x0  }
0x3d: {  	[sflag:s29] =	ssyncadd.s32 $0xFFFFFF80  }
0x3e: {  	_ =	swait.ge [sflag:s30], $0x4000  }
0x3f: {  	p0 =	sle.u32 s5, $0x3;
	[sflag:s30] =	ssyncset.done $0x0  }
0x40: {  	s0 =	simm.s32 @p0 $0x6;
	[sflag:s30] =	ssyncadd.s32 $0xFFFFC000  }
0x41: {  	[tilespmem:s22], [sflag:$0x1] =	stream.indirect.gather [hbm4b:s4+s21], $0x80, s19, s21, $0xb8;
	[tilespmem:$0x1C200] =	vst v63  }
0x42: {  	_ =	swait.ge @p0 [sflag:s0], $0x80  }
0x43: {  	s10 =	simm.s32 @p0 $0x80;
	s11 =	simm.s32 @p0 $0x14180;
	[sflag:s0] =	ssyncset.done @p0 $0x0  }
0x44: {  	s1 =	simm.s32 @p0 $0x18200;
	[sflag:s0] =	ssyncadd.s32 @p0 $0xFFFFFF80;
	s0 =	simm.s32 @p0 $0x7  }
0x45: {  	[spmem:s2] =	stream.indirect.scatter.add.f32 @p0 [tilespmem:s1], [sflag:$0x7], $0x80, s11, s10, $0xb8;
	[tilespmem:$0x1C200] =	vst v63  }
0x46: {  	s12 =	simm.s32 @!p0 $0x6;
	s1 =	simm.s32 @!p0 $0x14080;
	_ =	swait.ge @p0 [sflag:s0], $0x4000  }
0x47: {  	s11 =	sadd.s32 @!p0 $0x10, s16;
	[sflag:s0] =	ssyncset.done @p0 $0x0;
	s24 =	rddreg [dreg:$0x8]  }
0x48: {  	s10 =	simm.s32 @!p0 $0x0;
	[sflag:s0] =	ssyncadd.s32 @p0 $0xFFFFC000;
	s0 =	sadd.s32 $0xFFFFFFFF, s24  }
0x49: {  	[tilespmem:s1], [sflag:$0x4] =	stream.linear.gather @!p0 [hbm4b:s11+s10], $0x80, $0x38;
	[tilespmem:$0x1C200] =	vst v63  }
0x4a: {  	s13 =	simm.s32 @!p0 $0x80;
	p1 =	sne.s32 s0, $0x0;
	_ =	swait.ge @!p0 [sflag:s12], $0x80  }
.Ltmp0:
0x4b: {  	s11 =	simm.s32 @!p0 $0x14180;
	[sflag:s12] =	ssyncset.done @!p0 $0x0;
	(pc) =	sbr.rel @!p1 .LBB2_3-.Ltmp0, $4  }
0x4c: {  	s1 =	simm.s32 @!p0 $0x18200;
	[sflag:s12] =	ssyncadd.s32 @!p0 $0xFFFFFF80;
	s12 =	simm.s32 @!p0 $0x7  }
0x4d: {  	[spmem:s2] =	stream.indirect.scatter.add.f32 @!p0 [tilespmem:s1], [sflag:$0x7], $0x80, s11, s13, $0xb8;
	[tilespmem:$0x1C200] =	vst v63  }
0x4e: {  	s15 =	smov.u32 s6;
	s24 =	sadd.s32 $0x20, s16;
	_ =	swait.ge @!p0 [sflag:s12], $0x4000  }
0x4f: {  	s1 =	simm.s32 $0x5;
	s13 =	sadd.s32 @!p0 $0x10, s6;
	[sflag:s12] =	ssyncset.done @!p0 $0x0  }
.LBB2_2:
0x50: {  	[sflag:s12] =	ssyncadd.s32 @!p0 $0xFFFFC000  }
0x51: {  	[tilespmem:s11], [sflag:$0x6] =	stream.linear.gather @!p0 [hbm4b:s13+s10], $0x80, $0x38;
	[tilespmem:$0x1C200] =	vst v63  }
0x52: {  	_ =	swait.ge [sflag:s25], $0x80  }
0x53: {  	[sflag:s25] =	ssyncset.done $0x0  }
0x54: {  	[sflag:s25] =	ssyncadd.s32 $0xFFFFFF80  }
0x55: {  	_ =	swait.ge [sflag:s26], $0x4000  }
0x56: {  	[sflag:s26] =	ssyncset.done $0x0  }
0x57: {  	s14 =	rddreg [dreg:$0x3];
	[sflag:s26] =	ssyncadd.s32 $0xFFFFC000  }
0x58: {  	[tilespmem:s14], [sflag:$0x2] =	stream.indirect.gather [hbm4b:s4+s21], $0x80, s23, s21, $0xb8;
	[tilespmem:$0x1C200] =	vst v63  }
0x59: {  	_ = 	snop  }
0x5a: {  	[tilespmem:s19], [sflag:$0x3] =	stream.linear.gather [hbm4b:s24+s3], $0x80, $0x38;
	[tilespmem:$0x1C200] =	vst v63  }
0x5b: {  	_ =	swait.ge [sflag:s28], $0x80  }
0x5c: {  	[sflag:s28] =	ssyncset.done $0x0  }
0x5d: {  	[sflag:s28] =	ssyncadd.s32 $0xFFFFFF80  }
0x5e: {  	[spmem:s2] =	stream.indirect.scatter.add.f32 [tilespmem:s22], [sflag:$0x7], $0x80, s20, s21, $0xb8;
	[tilespmem:$0x1C200] =	vst v63  }
0x5f: {  	_ =	swait.ge [sflag:s18], $0x4000  }
0x60: {  	[sflag:s18] =	ssyncset.done $0x0  }
0x61: {  	s15 =	sadd.s32 $0x20, s15;
	[sflag:s18] =	ssyncadd.s32 $0xFFFFC000  }
0x62: {  	[tilespmem:s20], [sflag:$0x5] =	stream.linear.gather [hbm4b:s15+s3], $0x80, $0x38;
	[tilespmem:$0x1C200] =	vst v63  }
0x63: {  	_ =	swait.ge [sflag:s29], $0x80  }
0x64: {  	[sflag:s29] =	ssyncset.done $0x0  }
0x65: {  	[sflag:s29] =	ssyncadd.s32 $0xFFFFFF80  }
0x66: {  	_ =	swait.ge [sflag:s30], $0x4000  }
0x67: {  	p0 =	sge.u32 s1, s5;
	[sflag:s30] =	ssyncset.done $0x0  }
0x68: {  	s10 =	simm.s32 @p0 $0x6;
	[sflag:s30] =	ssyncadd.s32 $0xFFFFC000  }
0x69: {  	[tilespmem:s22], [sflag:$0x1] =	stream.indirect.gather [hbm4b:s4+s21], $0x80, s19, s21, $0xb8;
	[tilespmem:$0x1C200] =	vst v63  }
0x6a: {  	_ =	swait.ge @p0 [sflag:s10], $0x80  }
0x6b: {  	s11 =	simm.s32 @p0 $0x18200;
	s12 =	simm.s32 @p0 $0x80;
	[sflag:s10] =	ssyncset.done @p0 $0x0  }
0x6c: {  	s13 =	simm.s32 @p0 $0x14180;
	s8 =	simm.s32 @p0 $0x7;
	[sflag:s10] =	ssyncadd.s32 @p0 $0xFFFFFF80  }
0x6d: {  	[spmem:s2] =	stream.indirect.scatter.add.f32 @p0 [tilespmem:s11], [sflag:$0x7], $0x80, s13, s12, $0xb8;
	[tilespmem:$0x1C200] =	vst v63  }
0x6e: {  	s0 =	sadd.s32 $0xFFFFFFFF, s0;
	_ =	swait.ge @p0 [sflag:s8], $0x4000  }
0x6f: {  	s10 =	simm.s32 @!p0 $0x0;
	s11 =	simm.s32 @!p0 $0x14080;
	[sflag:s8] =	ssyncset.done @p0 $0x0  }
0x70: {  	s12 =	sadd.s32 @!p0 $0x10, s24;
	[sflag:s8] =	ssyncadd.s32 @p0 $0xFFFFC000;
	s8 =	simm.s32 @!p0 $0x6  }
0x71: {  	[tilespmem:s11], [sflag:$0x4] =	stream.linear.gather @!p0 [hbm4b:s12+s10], $0x80, $0x38;
	[tilespmem:$0x1C200] =	vst v63  }
0x72: {  	p1 =	sne.s32 s0, $0x0;
	s14 =	simm.s32 @!p0 $0x80;
	_ =	swait.ge @!p0 [sflag:s8], $0x80  }
.Ltmp1:
0x73: {  	s13 =	simm.s32 @!p0 $0x18200;
	[sflag:s8] =	ssyncset.done @!p0 $0x0;
	(pc) =	sbr.rel @p1 .LBB2_2-.Ltmp1, $4  }
0x74: {  	s11 =	simm.s32 @!p0 $0x14180;
	s12 =	simm.s32 @!p0 $0x7;
	[sflag:s8] =	ssyncadd.s32 @!p0 $0xFFFFFF80  }
0x75: {  	[spmem:s2] =	stream.indirect.scatter.add.f32 @!p0 [tilespmem:s13], [sflag:$0x7], $0x80, s11, s14, $0xb8;
	[tilespmem:$0x1C200] =	vst v63  }
0x76: {  	s1 =	sadd.s32 $0x2, s1;
	_ =	swait.ge @!p0 [sflag:s12], $0x4000  }
0x77: {  	s24 =	sadd.s32 $0x20, s24;
	s13 =	sadd.s32 @!p0 $0x10, s15;
	[sflag:s12] =	ssyncset.done @!p0 $0x0  }
.LBB2_3:
0x78: {  	[sflag:s12] =	ssyncadd.s32 @!p0 $0xFFFFC000  }
0x79: {  	[tilespmem:s11], [sflag:$0x6] =	stream.linear.gather @!p0 [hbm4b:s13+s10], $0x80, $0x38;
	[tilespmem:$0x1C200] =	vst v63  }
0x7a: {  	_ =	swait.ge [sflag:s26], $0x4000  }
0x7b: {  	[sflag:s26] =	ssyncset.done $0x0  }
0x7c: {  	[sflag:s26] =	ssyncadd.s32 $0xFFFFC000  }
0x7d: {  	_ =	swait.ge [sflag:s28], $0x80  }
0x7e: {  	[sflag:s28] =	ssyncset.done $0x0  }
0x7f: {  	[sflag:s28] =	ssyncadd.s32 $0xFFFFFF80  }
0x80: {  	[spmem:s2] =	stream.indirect.scatter.add.f32 [tilespmem:s22], [sflag:$0x7], $0x80, s20, s21, $0xb8;
	[tilespmem:$0x1C200] =	vst v63  }
0x81: {  	_ =	swait.ge [sflag:s18], $0x4000  }
0x82: {  	[sflag:s18] =	ssyncset.done $0x0  }
0x83: {  	[sflag:s18] =	ssyncadd.s32 $0xFFFFC000  }
0x84: {  	[bflag:$0x0] =	sbarrier.arrive $0xFFFF  }
0x85: {  	s0 =	rddreg [dreg:$0x9]  }
0x86: {  	[hbm:s0], [sflag:s7] =	dma.local [spmem:s17], $0x2800  }
0x87: {  	_ =	swait.ge [sflag:s18], $0x2800  }
0x88: {  	s31 =	sadd.s32 $0x1, s31;
	s24 =	rddreg [dreg:$0xa]  }
0x89: {  	p0 =	sne.s32 s31, s24  }
.Ltmp2:
0x8a: {  	_ = 	snop;
	(pc) =	sbr.rel @p0 .LBB2_1-.Ltmp2, $3  }
0x8b: {  	_ =	sdelay $0x1  }
0x8c: {  	[sflag:s18] =	ssyncset.done $0x0  }
0x8d: {  	[sflag:s18] =	ssyncadd.s32 $0xFFFFD800  }
0x8e: {  	_ =	sfence.sel $0x180000  }
0x8f: {  	[bflag:$0x0] =	sbarrier.arrive $0xFFFF  }
0x90: {  	_ =	strace $0x9000004A  }
0x91: {  	s0 =	stileid.u32;
	[bflag:$0x2] =	sbarrier.arrive $0xFFFF  }
0x92: {  	p0 =	sne.s32 s0, $0x0;
	s0 =	rddreg [dreg:$0x2]  }
0x93: {  	s0 =	sadd.s32 @!p0 $0x100000, s0  }
0x94: {  	[sflag:s0] =	ssyncadd.tile.s32 @!p0 $0x1;
	_ =	shalt  }
.Lfunc_end2:
_tile_overlayer_lowered:
.L_overlay_start_2:
0x95: {  	(tag) =	ssettag $0x2  }
0x96: {  	s0 =	rddreg [dreg:$0x0];
	s2 =	stileid.u32  }
0x97: {  	s1 =	rddreg [dreg:$0x1];
	p0 =	sne.s32 s2, $0x0  }
0x98: {  	s3 =	rddreg [dreg:$0x2];
	[bflag:$0x3] =	sbarrier.arrive $0xFFFF;
	s2 =	simm.s32 @!p0 $0x1C07  }
0x99: {  	[timem:s3], [sflag:s2] =	dma.local @!p0 [hbm:s0], s1  }
0x9a: {  	s0 =	simm.s32 @!p0 $0x7  }
0x9b: {  	_ =	swait.ge @!p0 [sflag:s0], s1  }
0x9c: {  	s1 =	ssub.s32 @!p0 $0x0, s1;
	[sflag:s0] =	ssyncset.done @!p0 $0x0  }
0x9d: {  	[sflag:s0] =	ssyncadd.s32 @!p0 s1  }
0x9e: {  	[bflag:$0x3] =	sbarrier.arrive $0xFFFF  }
0x9f: {  	_ =	shalt  }

// kernel: kernel.16.cloned.1.call-start
scs
__scs_entry_jumppad:
0x0: {  	(pc) =	sbr.rel $0x88, $3  }
0x1: {  	(tag) =	ssettag $0x0;
	lr =	simm.s32 $0x1  }
0x2: {  	[smem:$0x3F97] =	sst lr;
	_ =	strace $0xD0000000  }
0x3: {  	_ = 	snop  }
0x4: {  	_ = 	snop  }
0x5: {  	_ = 	snop  }
0x6: {  	_ = 	snop  }
0x7: {  	_ = 	snop  }
__scs_overlays_trampoline_lowered:
0x8: {  	[smem:$0x3FA6] =	sst s0  }
0x9: {  	[smem:$0x3FA7] =	sst s1  }
0xa: {  	[smem:$0x3FA8] =	sst s2  }
0xb: {  	[smem:$0x3FA9] =	sst s3  }
0xc: {  	[smem:$0x3FAA] =	sst s4  }
0xd: {  	[smem:$0x3FAB] =	sst s5  }
0xe: {  	[smem:$0x3FAC] =	sst s6  }
0xf: {  	[smem:$0x3FAD] =	sst s7  }
0x10: {  	[smem:$0x3FAE] =	sst s8  }
0x11: {  	[smem:$0x3FAF] =	sst s9;
	s0 =	simm.s32 @!p0 $0x0  }
0x12: {  	s1 =	sld [smem:$0x3F95];
	s0 =	simm.s32 @p0 $0x1  }
0x13: {  	[smem:$0x3FB0] =	sst s0;
	s0 =	simm.s32 @!p1 $0x0  }
0x14: {  	s2 =	sld [smem:$0x3F94];
	s0 =	simm.s32 @p1 $0x1  }
0x15: {  	[smem:$0x3FB1] =	sst s0;
	s0 =	simm.s32 @!p2 $0x0  }
0x16: {  	s3 =	sld [smem:$0x3FDB];
	s0 =	simm.s32 @p2 $0x1  }
0x17: {  	s4 =	simm.s32 $0x1BF5;
	[smem:$0x3FB3] =	sst s0  }
0x18: {  	s0 =	sld [smem:$0x3F96];
	_ =	swait.ge [sflag:s4], $0x0  }
0x19: {  	s7 =	sld [smem:$0x3F97]  }
0x1a: {  	s8 =	sadd.s32 $0xFFFFE003, lr  }
0x1b: {  	s9 =	sadd.s32 $0xFFFFFEF7, lr;
	s5 =	simm.s32 $0xFFFFFFFF;
	p2 =	slt.u32 s8, $0xFFFFF086  }
0x1c: {  	p1 =	slt.u32 s9, $0xF7A;
	s5 =	simm.s32 @!p2 $0x0  }
0x1d: {  	s5 =	simm.s32 @p1 $0x1;
	p0 =	seq.s32 s7, s2  }
0x1e: {  	s7 =	smul.u32 @!p0 $0xF7A, s2;
	p2 =	seq.s32 @!p0 s5, $0x0  }
0x1f: {  	s9 =	smul.u32 $0xF7A, s1;
	s8 =	simm.s32 @!p0 $0x1BF5;
	p2 =	por !p2, p0  }
0x20: {  	[sflag:s8] =	ssyncset.s32 @!p0 $0xFFFFF086;
	s6 =	sadd.s32 @!p0 s3, s7;
	s7 =	simm.s32 @!p0 $0x108  }
0x21: {  	s3 =	sadd.s32 s3, s9;
	s6 =	sadd.s32 @!p0 $0x88, s6;
	s7 =	simm.s32 @p2 $0x1082  }
0x22: {  	[simem:s7], [sflag:s8] =	dma.local @!p0 [hbm:s6], $0xF7A  }
0x23: {  	s9 =	sor.u32 $0xD0000000, s2;
	s6 =	simm.s32 $0x108;
	_ =	swait.ge @!p0 [sflag:s8], $0x0  }
0x24: {  	s3 =	sadd.s32 $0x88, s3;
	s6 =	simm.s32 @!p1 $0x1082;
	[sflag:s4] =	ssyncset.s32 $0xFFFFF086  }
0x25: {  	[simem:s6], [sflag:s4] =	dma.local [hbm:s3], $0xF7A  }
0x26: {  	[smem:$0x3F97] =	sst s1;
	(tag) =	ssettag s2;
	_ =	strace s9  }
0x27: {  	s1 =	sld [smem:$0x3FA7]  }
0x28: {  	s2 =	sld [smem:$0x3FA8]  }
0x29: {  	s4 =	sld [smem:$0x3FAA]  }
0x2a: {  	p0 =	seq.s32 s5, $0x0;
	s5 =	sld [smem:$0x3FAB]  }
0x2b: {  	s6 =	sld [smem:$0x3FAC]  }
0x2c: {  	s7 =	sld [smem:$0x3FAD]  }
0x2d: {  	s3 =	simm.s32 $0x108;
	s8 =	sld [smem:$0x3FAE]  }
0x2e: {  	s3 =	simm.s32 @!p0 $0x1082;
	s9 =	sld [smem:$0x3FAF]  }
0x2f: {  	lr =	sadd.s32 s0, s3;
	s0 =	sld [smem:$0x3FA6]  }
0x30: {  	s3 =	sld [smem:$0x3FA9]  }
0x31: {  	[smem:$0x3FB2] =	sst s10  }
0x32: {  	s10 =	sld [smem:$0x3FB0];
	_ =	sdelay $0x3  }
0x33: {  	p0 =	seq.s32 s10, $0x1;
	s10 =	sld [smem:$0x3FB2];
	_ =	sdelay $0x3  }
0x34: {  	[smem:$0x3FB2] =	sst s10  }
0x35: {  	s10 =	sld [smem:$0x3FB1];
	_ =	sdelay $0x3  }
0x36: {  	p1 =	seq.s32 s10, $0x1;
	s10 =	sld [smem:$0x3FB2];
	_ =	sdelay $0x3  }
0x37: {  	[smem:$0x3FB2] =	sst s10  }
0x38: {  	s10 =	sld [smem:$0x3FB3]  }
0x39: {  	_ = 	snop;
	(pc) =	sbr.ind lr, $3  }
0x3a: {  	_ = 	snop  }
0x3b: {  	_ = 	snop  }
0x3c: {  	p2 =	seq.s32 s10, $0x1;
	s10 =	sld [smem:$0x3FB2]  }
0x3d: {  	_ =	shalt  }
0x3e: {  	_ =	shalt  }
0x3f: {  	_ =	shalt  }
0x40: {  	_ =	shalt  }
0x41: {  	_ =	shalt  }
0x42: {  	_ =	shalt  }
0x43: {  	_ =	shalt  }
0x44: {  	_ =	shalt  }
0x45: {  	_ =	shalt  }
0x46: {  	_ =	shalt  }
0x47: {  	_ =	shalt  }
0x48: {  	_ =	shalt  }
0x49: {  	_ =	shalt  }
0x4a: {  	_ =	shalt  }
0x4b: {  	_ =	shalt  }
0x4c: {  	_ =	shalt  }
0x4d: {  	_ =	shalt  }
0x4e: {  	_ =	shalt  }
0x4f: {  	_ =	shalt  }
0x50: {  	_ =	shalt  }
0x51: {  	_ =	shalt  }
0x52: {  	_ =	shalt  }
0x53: {  	_ =	shalt  }
0x54: {  	_ =	shalt  }
0x55: {  	_ =	shalt  }
0x56: {  	_ =	shalt  }
0x57: {  	_ =	shalt  }
0x58: {  	_ =	shalt  }
0x59: {  	_ =	shalt  }
0x5a: {  	_ =	shalt  }
0x5b: {  	_ =	shalt  }
0x5c: {  	_ =	shalt  }
0x5d: {  	_ =	shalt  }
0x5e: {  	_ =	shalt  }
0x5f: {  	_ =	shalt  }
0x60: {  	_ =	shalt  }
0x61: {  	_ =	shalt  }
0x62: {  	_ =	shalt  }
0x63: {  	_ =	shalt  }
0x64: {  	_ =	shalt  }
0x65: {  	_ =	shalt  }
0x66: {  	_ =	shalt  }
0x67: {  	_ =	shalt  }
0x68: {  	_ =	shalt  }
0x69: {  	_ =	shalt  }
0x6a: {  	_ =	shalt  }
0x6b: {  	_ =	shalt  }
0x6c: {  	_ =	shalt  }
0x6d: {  	_ =	shalt  }
0x6e: {  	_ =	shalt  }
0x6f: {  	_ =	shalt  }
0x70: {  	_ =	shalt  }
0x71: {  	_ =	shalt  }
0x72: {  	_ =	shalt  }
0x73: {  	_ =	shalt  }
0x74: {  	_ =	shalt  }
0x75: {  	_ =	shalt  }
0x76: {  	_ =	shalt  }
0x77: {  	_ =	shalt  }
0x78: {  	_ =	shalt  }
0x79: {  	_ =	shalt  }
0x7a: {  	_ =	shalt  }
0x7b: {  	_ =	shalt  }
0x7c: {  	_ =	shalt  }
0x7d: {  	_ =	shalt  }
0x7e: {  	_ =	shalt  }
0x7f: {  	_ =	shalt  }
0x80: {  	_ =	shalt  }
0x81: {  	_ =	shalt  }
0x82: {  	_ =	shalt  }
0x83: {  	_ =	shalt  }
0x84: {  	_ =	shalt  }
0x85: {  	_ =	shalt  }
0x86: {  	_ =	shalt  }
0x87: {  	_ =	shalt  }
.Lfunc_end0:
.L_simem_size_0:
called_computation.2_lowered:
.L_overlay_start_0:
0x88: {  	s2 =	sld [smem:$0x3FD9]  }
0x89: {  	s3 =	sld [smem:$0x3FFE];
	_ =	sdelay $0x1  }
0x8a: {  	s1 =	srdreg.scid  }
0x8b: {  	s0 =	sand.u32 $0x1, s1  }
0x8c: {  	s16 =	sshll.u32 s0, $0xA;
	s2 =	sadd.s32 s3, s2  }
0x8d: {  	s2 =	sadd.s32 s2, s16  }
0x8e: {  	[smem:$0x3FBE] =	sst s2  }
0x8f: {  	_ = 	snop  }
0x90: {  	(tm) =	ssettm $0x1  }
0x91: {  	s17 =	sld [smem:$0x3FFB];
	_ =	sdelay $0x3  }
0x92: {  	_ =	strace s17  }
0x93: {  	s2 =	sld [smem:$0x3FFC];
	_ =	sdelay $0x3  }
0x94: {  	_ =	strace s2  }
0x95: {  	s2 =	sld [smem:$0x3FFD];
	_ =	sdelay $0x3  }
0x96: {  	_ =	strace s2  }
0x97: {  	_ =	strace $0x8FFFFFFF  }
0x98: {  	s18 =	sld [smem:$0x3FDB];
	_ =	sdelay $0x1  }
0x99: {  	s19 =	simm.s32 $_scs_section_size  }
0x9a: {  	s4 =	simm.s32 $_size__tile_overlayer_lowered;
	s5 =	simm.s32 $_tile_overlayer_lowered  }
0x9b: {  	s22 =	simm.s32 $0x1BFF;
	s21 =	sshll.u32 s5, $0x1;
	s2 =	sadd.s32 s19, s18  }
0x9c: {  	s6 =	simm.s32 $0x0;
	s20 =	sshll.u32 s4, $0x1;
	s4 =	sadd.s32 s21, s2  }
0x9d: {  	[timem:s6], [sflag:s22] =	dma.local [hbm:s4], s20  }
0x9e: {  	_ =	swait.ge [sflag:s22], s20  }
0x9f: {  	s3 =	ssub.s32 $0x0, s20;
	[sflag:s22] =	ssyncset.done $0x0  }
0xa0: {  	[sflag:s22] =	ssyncadd.s32 s3;
	_ =	sdelay $0x1  }
0xa1: {  	s23 =	simm.s32 $0x1B8B  }
0xa2: {  	_ =	swait.ge [sflag:s23], $0x1  }
0xa3: {  	[sflag:s23] =	ssyncset.done $0x0  }
0xa4: {  	s25 =	simm.s32 $0x1B8E;
	s24 =	sld [smem:$0x3FFE];
	[sflag:s23] =	ssyncadd.s32 $0xFFFFFFFF  }
0xa5: {  	s26 =	simm.s32 $execute0_lowered;
	[smem:$0x3FD2] =	sst s25  }
0xa6: {  	s4 =	sshll.u32 s26, $0x1;
	_ =	strace $0x8000004C;
	[dreg:$0x1] =	wrdreg $0xFFFFFFFF  }
0xa7: {  	s28 =	simm.s32 $_size_execute0_lowered;
	s2 =	sadd.s32 s2, s4;
	[dreg:$0x0] =	wrdreg $0x0  }
0xa8: {  	s4 =	sshll.u32 s28, $0x1;
	[dreg:$0x2] =	wrdreg s2  }
0xa9: {  	[dreg:$0x3] =	wrdreg s4  }
0xaa: {  	[dreg:$0x4] =	wrdreg $0xC0  }
0xab: {  	_ =	task [dreg:s6], $0x5FFFF  }
0xac: {  	[dreg:$0x1] =	wrdreg $0xFFFFFFFF  }
0xad: {  	[dreg:$0x0] =	wrdreg $0x60  }
0xae: {  	[dreg:$0x2] =	wrdreg s24  }
0xaf: {  	[dreg:$0x3] =	wrdreg $0x0  }
0xb0: {  	[dreg:$0x4] =	wrdreg $0x9  }
0xb1: {  	_ =	task.clear_ibuf [dreg:s6], $0x5FFFF;
	_ =	strace $0x9000004C  }
0xb2: {  	s29 =	simm.s32 $0x9;
	_ =	strace $0x8000004E  }
0xb3: {  	_ =	swait.ge [sflag:s29], $0x1  }
0xb4: {  	[sflag:s29] =	ssyncadd.s32 $0xFFFFFFFF  }
0xb5: {  	_ =	strace $0x9000004E  }
0xb6: {  	_ =	sfence  }
0xb7: {  	s30 =	sld [smem:$0x0];
	_ =	sdelay $0x2  }
0xb8: {  	s31 =	sshll.u32 s1, $0xD;
	s1 =	sshrl.u32 s1, $0x2  }
0xb9: {  	s3 =	sand.u32 $0x4000, s31;
	s1 =	sadd.s32 s1, s30  }
0xba: {  	s0 =	sor.u32 s3, s0;
	s1 =	sshll.u32 s1, $0x11  }
0xbb: {  	s0 =	sor.u32 s1, s0  }
0xbc: {  	s0 =	sadd.s32 $0x8F2B, s0  }
0xbd: {  	[sflag:s0] =	ssyncadd.remote.s32 $0x1  }
0xbe: {  	_ =	sfence.sel $0xFFFF  }
0xbf: {  	[dreg:$0x0] =	wrdreg $0xFFFFFFFF;
	(pc) =	sbr.abs _section_cstart, $3  }
0xc0: {  	[dreg:$0x1] =	wrdreg $0xFFFFFFFF  }
0xc1: {  	_ =	task.clear_ibuf [dreg:s6], $0x2FFFF;
	_ =	strace $0x9FFFFFFF  }
0xc2: {  	(tm) =	ssettm $0x7FFFFFFF  }
0xc3: {  	_ =	shalt  }
tec
execute0_lowered:
.L_overlay_start_1:
0x0: {  	(tag) =	ssettag $0x1  }
0x1: {  	s0 =	rddreg [dreg:$0x0]  }
0x2: {  	s2 =	rddreg [dreg:$0x1]  }
0x3: {  	s3 =	simm.s32 $0x0;
	s1 =	srdreg.scid;
	s14 =	stileid.u32  }
0x4: {  	s26 =	simm.s32 $0x18200;
	s28 =	simm.s32 $0x5;
	s29 =	simm.s32 $0x3  }
0x5: {  	s30 =	simm.s32 $0x2;
	s31 =	simm.s32 $0x0;
	s6 =	smul.u32 $0x14000, s14  }
0x6: {  	[smem:$0x7FF] =	sst s3;
	s1 =	sand.u32 $0x1, s1;
	s8 =	smul.u32 $0x89, s14  }
0x7: {  	s4 =	sadd.s32 $0xD400, s0;
	s10 =	sadd.s32 $0x8FC00, s0;
	s12 =	smul.u32 $0x15, s14  }
0x8: {  	s11 =	sadd.s32 $0x3600, s0;
	s18 =	smul.u32 $0x50000, s14;
	s20 =	sshll.u32 s14, $0x6  }
0x9: {  	_ =	strace $0x8000004D;
	s5 =	smul.u32 $0x140000, s1;
	s7 =	ssub.s32 $0x2, s1  }
0xa: {  	p0 =	seq.s32 s1, $0x0;
	[dreg:$0x3] =	wrdreg s26;
	s26 =	simm.s32 $0x1  }
0xb: {  	s9 =	sshrl.u32 s7, $0x1;
	s1 =	sadd.s32 $0x890, s12;
	s5 =	sadd.s32 s6, s5  }
0xc: {  	s13 =	ssub.s32 s7, s9;
	s1 =	smov.u32 @p0 s8;
	s7 =	sshrl.u32 s18, $0x2  }
0xd: {  	s6 =	sshrl.u32 s6, $0x3;
	s18 =	simm.s32 $0x7;
	s5 =	sshrl.u32 s5, $0x3  }
0xe: {  	s19 =	sadd.s32 s7, s2;
	s6 =	sadd.s32 s4, s6;
	s7 =	sor.u32 $0x1C07, s20  }
0xf: {  	s1 =	sshll.u32 s1, $0x4;
	s25 =	smax.u32 s13, $0x1;
	s20 =	simm.s32 $0x14100  }
0x10: {  	s0 =	sadd.s32 s5, s0;
	s5 =	simm.s32 $0x89;
	[dreg:$0x4] =	wrdreg s6  }
0x11: {  	s21 =	sadd.s32 s10, s1;
	s22 =	sadd.s32 s11, s1;
	s1 =	sadd.s32 $0x10, s1  }
0x12: {  	[dreg:$0xa] =	wrdreg s25;
	s17 =	sshrl.u32 s19, $0x3;
	s19 =	simm.s32 $0x14000  }
0x13: {  	s25 =	simm.s32 $0x4;
	s5 =	simm.s32 @!p0 $0x15;
	s23 =	sadd.s32 s10, s1  }
0x14: {  	s1 =	sadd.s32 s11, s1;
	s0 =	sadd.s32 $0x99A00, s0;
	[dreg:$0x5] =	wrdreg s22  }
0x15: {  	s6 =	sadd.s32 $0x20, s22;
	s9 =	smov.u32 s21;
	[dreg:$0x6] =	wrdreg s23  }
0x16: {  	s16 =	sadd.s32 $0x20, s21;
	[dreg:$0x7] =	wrdreg s1;
	s24 =	sadd.s32 $0xFFFFFFFF, s5  }
0x17: {  	s21 =	simm.s32 $0x80;
	[dreg:$0x9] =	wrdreg s0;
	s1 =	sshrl.u32 s24, $0x1  }
0x18: {  	s22 =	simm.s32 $0x14200;
	s23 =	simm.s32 $0x14080;
	[dreg:$0x8] =	wrdreg s1  }
.LBB2_1:
0x19: {  	s0 =	rddreg [dreg:$0x4]  }
0x1a: {  	[spmem:s17], [sflag:s7] =	dma.local [hbm:s0], $0x2800  }
0x1b: {  	_ =	swait.ge [sflag:s18], $0x2800  }
0x1c: {  	[sflag:s18] =	ssyncset.done $0x0  }
0x1d: {  	[sflag:s18] =	ssyncadd.s32 $0xFFFFD800  }
0x1e: {  	[tilespmem:s19], [sflag:$0x3] =	stream.linear.gather [hbm4b:s9+s3], $0x80, $0x38;
	[tilespmem:$0x1C200] =	vst v63  }
0x1f: {  	s12 =	rddreg [dreg:$0x5]  }
0x20: {  	[tilespmem:s20], [sflag:$0x5] =	stream.linear.gather [hbm4b:s12+s3], $0x80, $0x38;
	[tilespmem:$0x1C200] =	vst v63  }
0x21: {  	[bflag:$0x0] =	sbarrier.arrive $0xFFFF  }
0x22: {  	_ =	swait.ge [sflag:s29], $0x80  }
0x23: {  	[sflag:s29] =	ssyncset.done $0x0  }
0x24: {  	[sflag:s29] =	ssyncadd.s32 $0xFFFFFF80  }
0x25: {  	[tilespmem:s22], [sflag:$0x1] =	stream.indirect.gather [hbm4b:s4+s21], $0x80, s19, s21, $0xb8;
	[tilespmem:$0x1C200] =	vst v63  }
0x26: {  	s13 =	rddreg [dreg:$0x6]  }
0x27: {  	[tilespmem:s23], [sflag:$0x4] =	stream.linear.gather [hbm4b:s13+s3], $0x80, $0x38;
	[tilespmem:$0x1C200] =	vst v63  }
0x28: {  	s1 =	simm.s32 $0x14180;
	s14 =	rddreg [dreg:$0x7]  }
0x29: {  	[tilespmem:s1], [sflag:$0x6] =	stream.linear.gather [hbm4b:s14+s3], $0x80, $0x38;
	[tilespmem:$0x1C200] =	vst v63  }
0x2a: {  	_ =	swait.ge [sflag:s25], $0x80  }
0x2b: {  	[sflag:s25] =	ssyncset.done $0x0  }
0x2c: {  	[sflag:s25] =	ssyncadd.s32 $0xFFFFFF80  }
0x2d: {  	_ =	swait.ge [sflag:s26], $0x4000  }
0x2e: {  	[sflag:s26] =	ssyncset.done $0x0  }
0x2f: {  	s15 =	rddreg [dreg:$0x3];
	[sflag:s26] =	ssyncadd.s32 $0xFFFFC000  }
0x30: {  	[tilespmem:s15], [sflag:$0x2] =	stream.indirect.gather [hbm4b:s4+s21], $0x80, s23, s21, $0xb8;
	[tilespmem:$0x1C200] =	vst v63  }
0x31: {  	_ = 	snop  }
0x32: {  	[tilespmem:s19], [sflag:$0x3] =	stream.linear.gather [hbm4b:s16+s3], $0x80, $0x38;
	[tilespmem:$0x1C200] =	vst v63  }
0x33: {  	_ =	swait.ge [sflag:s28], $0x80  }
0x34: {  	[sflag:s28] =	ssyncset.done $0x0  }
0x35: {  	[sflag:s28] =	ssyncadd.s32 $0xFFFFFF80  }
0x36: {  	[spmem:s2] =	stream.indirect.scatter.add.f32 [tilespmem:s22], [sflag:$0x7], $0x80, s20, s21, $0xb8;
	[tilespmem:$0x1C200] =	vst v63  }
0x37: {  	_ =	swait.ge [sflag:s18], $0x4000  }
0x38: {  	[sflag:s18] =	ssyncset.done $0x0  }
0x39: {  	[sflag:s18] =	ssyncadd.s32 $0xFFFFC000  }
0x3a: {  	[tilespmem:s20], [sflag:$0x5] =	stream.linear.gather [hbm4b:s6+s3], $0x80, $0x38;
	[tilespmem:$0x1C200] =	vst v63  }
0x3b: {  	_ =	swait.ge [sflag:s29], $0x80  }
0x3c: {  	[sflag:s29] =	ssyncset.done $0x0  }
0x3d: {  	[sflag:s29] =	ssyncadd.s32 $0xFFFFFF80  }
0x3e: {  	_ =	swait.ge [sflag:s30], $0x4000  }
0x3f: {  	p0 =	sle.u32 s5, $0x3;
	[sflag:s30] =	ssyncset.done $0x0  }
0x40: {  	s0 =	simm.s32 @p0 $0x6;
	[sflag:s30] =	ssyncadd.s32 $0xFFFFC000  }
0x41: {  	[tilespmem:s22], [sflag:$0x1] =	stream.indirect.gather [hbm4b:s4+s21], $0x80, s19, s21, $0xb8;
	[tilespmem:$0x1C200] =	vst v63  }
0x42: {  	_ =	swait.ge @p0 [sflag:s0], $0x80  }
0x43: {  	s10 =	simm.s32 @p0 $0x80;
	s11 =	simm.s32 @p0 $0x14180;
	[sflag:s0] =	ssyncset.done @p0 $0x0  }
0x44: {  	s1 =	simm.s32 @p0 $0x18200;
	[sflag:s0] =	ssyncadd.s32 @p0 $0xFFFFFF80;
	s0 =	simm.s32 @p0 $0x7  }
0x45: {  	[spmem:s2] =	stream.indirect.scatter.add.f32 @p0 [tilespmem:s1], [sflag:$0x7], $0x80, s11, s10, $0xb8;
	[tilespmem:$0x1C200] =	vst v63  }
0x46: {  	s12 =	simm.s32 @!p0 $0x6;
	s1 =	simm.s32 @!p0 $0x14080;
	_ =	swait.ge @p0 [sflag:s0], $0x4000  }
0x47: {  	s11 =	sadd.s32 @!p0 $0x10, s16;
	[sflag:s0] =	ssyncset.done @p0 $0x0;
	s24 =	rddreg [dreg:$0x8]  }
0x48: {  	s10 =	simm.s32 @!p0 $0x0;
	[sflag:s0] =	ssyncadd.s32 @p0 $0xFFFFC000;
	s0 =	sadd.s32 $0xFFFFFFFF, s24  }
0x49: {  	[tilespmem:s1], [sflag:$0x4] =	stream.linear.gather @!p0 [hbm4b:s11+s10], $0x80, $0x38;
	[tilespmem:$0x1C200] =	vst v63  }
0x4a: {  	s13 =	simm.s32 @!p0 $0x80;
	p1 =	sne.s32 s0, $0x0;
	_ =	swait.ge @!p0 [sflag:s12], $0x80  }
.Ltmp0:
0x4b: {  	s11 =	simm.s32 @!p0 $0x14180;
	[sflag:s12] =	ssyncset.done @!p0 $0x0;
	(pc) =	sbr.rel @!p1 .LBB2_3-.Ltmp0, $4  }
0x4c: {  	s1 =	simm.s32 @!p0 $0x18200;
	[sflag:s12] =	ssyncadd.s32 @!p0 $0xFFFFFF80;
	s12 =	simm.s32 @!p0 $0x7  }
0x4d: {  	[spmem:s2] =	stream.indirect.scatter.add.f32 @!p0 [tilespmem:s1], [sflag:$0x7], $0x80, s11, s13, $0xb8;
	[tilespmem:$0x1C200] =	vst v63  }
0x4e: {  	s15 =	smov.u32 s6;
	s24 =	sadd.s32 $0x20, s16;
	_ =	swait.ge @!p0 [sflag:s12], $0x4000  }
0x4f: {  	s1 =	simm.s32 $0x5;
	s13 =	sadd.s32 @!p0 $0x10, s6;
	[sflag:s12] =	ssyncset.done @!p0 $0x0  }
.LBB2_2:
0x50: {  	[sflag:s12] =	ssyncadd.s32 @!p0 $0xFFFFC000  }
0x51: {  	[tilespmem:s11], [sflag:$0x6] =	stream.linear.gather @!p0 [hbm4b:s13+s10], $0x80, $0x38;
	[tilespmem:$0x1C200] =	vst v63  }
0x52: {  	_ =	swait.ge [sflag:s25], $0x80  }
0x53: {  	[sflag:s25] =	ssyncset.done $0x0  }
0x54: {  	[sflag:s25] =	ssyncadd.s32 $0xFFFFFF80  }
0x55: {  	_ =	swait.ge [sflag:s26], $0x4000  }
0x56: {  	[sflag:s26] =	ssyncset.done $0x0  }
0x57: {  	s14 =	rddreg [dreg:$0x3];
	[sflag:s26] =	ssyncadd.s32 $0xFFFFC000  }
0x58: {  	[tilespmem:s14], [sflag:$0x2] =	stream.indirect.gather [hbm4b:s4+s21], $0x80, s23, s21, $0xb8;
	[tilespmem:$0x1C200] =	vst v63  }
0x59: {  	_ = 	snop  }
0x5a: {  	[tilespmem:s19], [sflag:$0x3] =	stream.linear.gather [hbm4b:s24+s3], $0x80, $0x38;
	[tilespmem:$0x1C200] =	vst v63  }
0x5b: {  	_ =	swait.ge [sflag:s28], $0x80  }
0x5c: {  	[sflag:s28] =	ssyncset.done $0x0  }
0x5d: {  	[sflag:s28] =	ssyncadd.s32 $0xFFFFFF80  }
0x5e: {  	[spmem:s2] =	stream.indirect.scatter.add.f32 [tilespmem:s22], [sflag:$0x7], $0x80, s20, s21, $0xb8;
	[tilespmem:$0x1C200] =	vst v63  }
0x5f: {  	_ =	swait.ge [sflag:s18], $0x4000  }
0x60: {  	[sflag:s18] =	ssyncset.done $0x0  }
0x61: {  	s15 =	sadd.s32 $0x20, s15;
	[sflag:s18] =	ssyncadd.s32 $0xFFFFC000  }
0x62: {  	[tilespmem:s20], [sflag:$0x5] =	stream.linear.gather [hbm4b:s15+s3], $0x80, $0x38;
	[tilespmem:$0x1C200] =	vst v63  }
0x63: {  	_ =	swait.ge [sflag:s29], $0x80  }
0x64: {  	[sflag:s29] =	ssyncset.done $0x0  }
0x65: {  	[sflag:s29] =	ssyncadd.s32 $0xFFFFFF80  }
0x66: {  	_ =	swait.ge [sflag:s30], $0x4000  }
0x67: {  	p0 =	sge.u32 s1, s5;
	[sflag:s30] =	ssyncset.done $0x0  }
0x68: {  	s10 =	simm.s32 @p0 $0x6;
	[sflag:s30] =	ssyncadd.s32 $0xFFFFC000  }
0x69: {  	[tilespmem:s22], [sflag:$0x1] =	stream.indirect.gather [hbm4b:s4+s21], $0x80, s19, s21, $0xb8;
	[tilespmem:$0x1C200] =	vst v63  }
0x6a: {  	_ =	swait.ge @p0 [sflag:s10], $0x80  }
0x6b: {  	s11 =	simm.s32 @p0 $0x18200;
	s12 =	simm.s32 @p0 $0x80;
	[sflag:s10] =	ssyncset.done @p0 $0x0  }
0x6c: {  	s13 =	simm.s32 @p0 $0x14180;
	s8 =	simm.s32 @p0 $0x7;
	[sflag:s10] =	ssyncadd.s32 @p0 $0xFFFFFF80  }
0x6d: {  	[spmem:s2] =	stream.indirect.scatter.add.f32 @p0 [tilespmem:s11], [sflag:$0x7], $0x80, s13, s12, $0xb8;
	[tilespmem:$0x1C200] =	vst v63  }
0x6e: {  	s0 =	sadd.s32 $0xFFFFFFFF, s0;
	_ =	swait.ge @p0 [sflag:s8], $0x4000  }
0x6f: {  	s10 =	simm.s32 @!p0 $0x0;
	s11 =	simm.s32 @!p0 $0x14080;
	[sflag:s8] =	ssyncset.done @p0 $0x0  }
0x70: {  	s12 =	sadd.s32 @!p0 $0x10, s24;
	[sflag:s8] =	ssyncadd.s32 @p0 $0xFFFFC000;
	s8 =	simm.s32 @!p0 $0x6  }
0x71: {  	[tilespmem:s11], [sflag:$0x4] =	stream.linear.gather @!p0 [hbm4b:s12+s10], $0x80, $0x38;
	[tilespmem:$0x1C200] =	vst v63  }
0x72: {  	p1 =	sne.s32 s0, $0x0;
	s14 =	simm.s32 @!p0 $0x80;
	_ =	swait.ge @!p0 [sflag:s8], $0x80  }
.Ltmp1:
0x73: {  	s13 =	simm.s32 @!p0 $0x18200;
	[sflag:s8] =	ssyncset.done @!p0 $0x0;
	(pc) =	sbr.rel @p1 .LBB2_2-.Ltmp1, $4  }
0x74: {  	s11 =	simm.s32 @!p0 $0x14180;
	s12 =	simm.s32 @!p0 $0x7;
	[sflag:s8] =	ssyncadd.s32 @!p0 $0xFFFFFF80  }
0x75: {  	[spmem:s2] =	stream.indirect.scatter.add.f32 @!p0 [tilespmem:s13], [sflag:$0x7], $0x80, s11, s14, $0xb8;
	[tilespmem:$0x1C200] =	vst v63  }
0x76: {  	s1 =	sadd.s32 $0x2, s1;
	_ =	swait.ge @!p0 [sflag:s12], $0x4000  }
0x77: {  	s24 =	sadd.s32 $0x20, s24;
	s13 =	sadd.s32 @!p0 $0x10, s15;
	[sflag:s12] =	ssyncset.done @!p0 $0x0  }
.LBB2_3:
0x78: {  	[sflag:s12] =	ssyncadd.s32 @!p0 $0xFFFFC000  }
0x79: {  	[tilespmem:s11], [sflag:$0x6] =	stream.linear.gather @!p0 [hbm4b:s13+s10], $0x80, $0x38;
	[tilespmem:$0x1C200] =	vst v63  }
0x7a: {  	_ =	swait.ge [sflag:s26], $0x4000  }
0x7b: {  	[sflag:s26] =	ssyncset.done $0x0  }
0x7c: {  	[sflag:s26] =	ssyncadd.s32 $0xFFFFC000  }
0x7d: {  	_ =	swait.ge [sflag:s28], $0x80  }
0x7e: {  	[sflag:s28] =	ssyncset.done $0x0  }
0x7f: {  	[sflag:s28] =	ssyncadd.s32 $0xFFFFFF80  }
0x80: {  	[spmem:s2] =	stream.indirect.scatter.add.f32 [tilespmem:s22], [sflag:$0x7], $0x80, s20, s21, $0xb8;
	[tilespmem:$0x1C200] =	vst v63  }
0x81: {  	_ =	swait.ge [sflag:s18], $0x4000  }
0x82: {  	[sflag:s18] =	ssyncset.done $0x0  }
0x83: {  	[sflag:s18] =	ssyncadd.s32 $0xFFFFC000  }
0x84: {  	[bflag:$0x0] =	sbarrier.arrive $0xFFFF  }
0x85: {  	s0 =	rddreg [dreg:$0x9]  }
0x86: {  	[hbm:s0], [sflag:s7] =	dma.local [spmem:s17], $0x2800  }
0x87: {  	_ =	swait.ge [sflag:s18], $0x2800  }
0x88: {  	s31 =	sadd.s32 $0x1, s31;
	s24 =	rddreg [dreg:$0xa]  }
0x89: {  	p0 =	sne.s32 s31, s24  }
.Ltmp2:
0x8a: {  	_ = 	snop;
	(pc) =	sbr.rel @p0 .LBB2_1-.Ltmp2, $3  }
0x8b: {  	_ =	sdelay $0x1  }
0x8c: {  	[sflag:s18] =	ssyncset.done $0x0  }
0x8d: {  	[sflag:s18] =	ssyncadd.s32 $0xFFFFD800  }
0x8e: {  	_ =	sfence.sel $0x180000  }
0x8f: {  	[bflag:$0x0] =	sbarrier.arrive $0xFFFF  }
0x90: {  	_ =	strace $0x9000004D  }
0x91: {  	s0 =	stileid.u32;
	[bflag:$0x2] =	sbarrier.arrive $0xFFFF  }
0x92: {  	p0 =	sne.s32 s0, $0x0;
	s0 =	rddreg [dreg:$0x2]  }
0x93: {  	s0 =	sadd.s32 @!p0 $0x100000, s0  }
0x94: {  	[sflag:s0] =	ssyncadd.tile.s32 @!p0 $0x1;
	_ =	shalt  }
.Lfunc_end2:
_tile_overlayer_lowered:
.L_overlay_start_2:
0x95: {  	(tag) =	ssettag $0x2  }
0x96: {  	s0 =	rddreg [dreg:$0x0];
	s2 =	stileid.u32  }
0x97: {  	s1 =	rddreg [dreg:$0x1];
	p0 =	sne.s32 s2, $0x0  }
0x98: {  	s3 =	rddreg [dreg:$0x2];
	[bflag:$0x3] =	sbarrier.arrive $0xFFFF;
	s2 =	simm.s32 @!p0 $0x1C07  }
0x99: {  	[timem:s3], [sflag:s2] =	dma.local @!p0 [hbm:s0], s1  }
0x9a: {  	s0 =	simm.s32 @!p0 $0x7  }
0x9b: {  	_ =	swait.ge @!p0 [sflag:s0], s1  }
0x9c: {  	s1 =	ssub.s32 @!p0 $0x0, s1;
	[sflag:s0] =	ssyncset.done @!p0 $0x0  }
0x9d: {  	[sflag:s0] =	ssyncadd.s32 @!p0 s1  }
0x9e: {  	[bflag:$0x3] =	sbarrier.arrive $0xFFFF  }
0x9f: {  	_ =	shalt  }

// kernel: kernel.19.cloned.1.call-start
scs
__scs_entry_jumppad:
0x0: {  	(pc) =	sbr.rel $0x88, $3  }
0x1: {  	(tag) =	ssettag $0x0;
	lr =	simm.s32 $0x1  }
0x2: {  	[smem:$0x3F97] =	sst lr;
	_ =	strace $0xD0000000  }
0x3: {  	_ = 	snop  }
0x4: {  	_ = 	snop  }
0x5: {  	_ = 	snop  }
0x6: {  	_ = 	snop  }
0x7: {  	_ = 	snop  }
__scs_overlays_trampoline_lowered:
0x8: {  	[smem:$0x3FA6] =	sst s0  }
0x9: {  	[smem:$0x3FA7] =	sst s1  }
0xa: {  	[smem:$0x3FA8] =	sst s2  }
0xb: {  	[smem:$0x3FA9] =	sst s3  }
0xc: {  	[smem:$0x3FAA] =	sst s4  }
0xd: {  	[smem:$0x3FAB] =	sst s5  }
0xe: {  	[smem:$0x3FAC] =	sst s6  }
0xf: {  	[smem:$0x3FAD] =	sst s7  }
0x10: {  	[smem:$0x3FAE] =	sst s8  }
0x11: {  	[smem:$0x3FAF] =	sst s9;
	s0 =	simm.s32 @!p0 $0x0  }
0x12: {  	s1 =	sld [smem:$0x3F95];
	s0 =	simm.s32 @p0 $0x1  }
0x13: {  	[smem:$0x3FB0] =	sst s0;
	s0 =	simm.s32 @!p1 $0x0  }
0x14: {  	s2 =	sld [smem:$0x3F94];
	s0 =	simm.s32 @p1 $0x1  }
0x15: {  	[smem:$0x3FB1] =	sst s0;
	s0 =	simm.s32 @!p2 $0x0  }
0x16: {  	s3 =	sld [smem:$0x3FDB];
	s0 =	simm.s32 @p2 $0x1  }
0x17: {  	s4 =	simm.s32 $0x1BF5;
	[smem:$0x3FB3] =	sst s0  }
0x18: {  	s0 =	sld [smem:$0x3F96];
	_ =	swait.ge [sflag:s4], $0x0  }
0x19: {  	s7 =	sld [smem:$0x3F97]  }
0x1a: {  	s8 =	sadd.s32 $0xFFFFE003, lr  }
0x1b: {  	s9 =	sadd.s32 $0xFFFFFEF7, lr;
	s5 =	simm.s32 $0xFFFFFFFF;
	p2 =	slt.u32 s8, $0xFFFFF086  }
0x1c: {  	p1 =	slt.u32 s9, $0xF7A;
	s5 =	simm.s32 @!p2 $0x0  }
0x1d: {  	s5 =	simm.s32 @p1 $0x1;
	p0 =	seq.s32 s7, s2  }
0x1e: {  	s7 =	smul.u32 @!p0 $0xF7A, s2;
	p2 =	seq.s32 @!p0 s5, $0x0  }
0x1f: {  	s9 =	smul.u32 $0xF7A, s1;
	s8 =	simm.s32 @!p0 $0x1BF5;
	p2 =	por !p2, p0  }
0x20: {  	[sflag:s8] =	ssyncset.s32 @!p0 $0xFFFFF086;
	s6 =	sadd.s32 @!p0 s3, s7;
	s7 =	simm.s32 @!p0 $0x108  }
0x21: {  	s3 =	sadd.s32 s3, s9;
	s6 =	sadd.s32 @!p0 $0x88, s6;
	s7 =	simm.s32 @p2 $0x1082  }
0x22: {  	[simem:s7], [sflag:s8] =	dma.local @!p0 [hbm:s6], $0xF7A  }
0x23: {  	s9 =	sor.u32 $0xD0000000, s2;
	s6 =	simm.s32 $0x108;
	_ =	swait.ge @!p0 [sflag:s8], $0x0  }
0x24: {  	s3 =	sadd.s32 $0x88, s3;
	s6 =	simm.s32 @!p1 $0x1082;
	[sflag:s4] =	ssyncset.s32 $0xFFFFF086  }
0x25: {  	[simem:s6], [sflag:s4] =	dma.local [hbm:s3], $0xF7A  }
0x26: {  	[smem:$0x3F97] =	sst s1;
	(tag) =	ssettag s2;
	_ =	strace s9  }
0x27: {  	s1 =	sld [smem:$0x3FA7]  }
0x28: {  	s2 =	sld [smem:$0x3FA8]  }
0x29: {  	s4 =	sld [smem:$0x3FAA]  }
0x2a: {  	p0 =	seq.s32 s5, $0x0;
	s5 =	sld [smem:$0x3FAB]  }
0x2b: {  	s6 =	sld [smem:$0x3FAC]  }
0x2c: {  	s7 =	sld [smem:$0x3FAD]  }
0x2d: {  	s3 =	simm.s32 $0x108;
	s8 =	sld [smem:$0x3FAE]  }
0x2e: {  	s3 =	simm.s32 @!p0 $0x1082;
	s9 =	sld [smem:$0x3FAF]  }
0x2f: {  	lr =	sadd.s32 s0, s3;
	s0 =	sld [smem:$0x3FA6]  }
0x30: {  	s3 =	sld [smem:$0x3FA9]  }
0x31: {  	[smem:$0x3FB2] =	sst s10  }
0x32: {  	s10 =	sld [smem:$0x3FB0];
	_ =	sdelay $0x3  }
0x33: {  	p0 =	seq.s32 s10, $0x1;
	s10 =	sld [smem:$0x3FB2];
	_ =	sdelay $0x3  }
0x34: {  	[smem:$0x3FB2] =	sst s10  }
0x35: {  	s10 =	sld [smem:$0x3FB1];
	_ =	sdelay $0x3  }
0x36: {  	p1 =	seq.s32 s10, $0x1;
	s10 =	sld [smem:$0x3FB2];
	_ =	sdelay $0x3  }
0x37: {  	[smem:$0x3FB2] =	sst s10  }
0x38: {  	s10 =	sld [smem:$0x3FB3]  }
0x39: {  	_ = 	snop;
	(pc) =	sbr.ind lr, $3  }
0x3a: {  	_ = 	snop  }
0x3b: {  	_ = 	snop  }
0x3c: {  	p2 =	seq.s32 s10, $0x1;
	s10 =	sld [smem:$0x3FB2]  }
0x3d: {  	_ =	shalt  }
0x3e: {  	_ =	shalt  }
0x3f: {  	_ =	shalt  }
0x40: {  	_ =	shalt  }
0x41: {  	_ =	shalt  }
0x42: {  	_ =	shalt  }
0x43: {  	_ =	shalt  }
0x44: {  	_ =	shalt  }
0x45: {  	_ =	shalt  }
0x46: {  	_ =	shalt  }
0x47: {  	_ =	shalt  }
0x48: {  	_ =	shalt  }
0x49: {  	_ =	shalt  }
0x4a: {  	_ =	shalt  }
0x4b: {  	_ =	shalt  }
0x4c: {  	_ =	shalt  }
0x4d: {  	_ =	shalt  }
0x4e: {  	_ =	shalt  }
0x4f: {  	_ =	shalt  }
0x50: {  	_ =	shalt  }
0x51: {  	_ =	shalt  }
0x52: {  	_ =	shalt  }
0x53: {  	_ =	shalt  }
0x54: {  	_ =	shalt  }
0x55: {  	_ =	shalt  }
0x56: {  	_ =	shalt  }
0x57: {  	_ =	shalt  }
0x58: {  	_ =	shalt  }
0x59: {  	_ =	shalt  }
0x5a: {  	_ =	shalt  }
0x5b: {  	_ =	shalt  }
0x5c: {  	_ =	shalt  }
0x5d: {  	_ =	shalt  }
0x5e: {  	_ =	shalt  }
0x5f: {  	_ =	shalt  }
0x60: {  	_ =	shalt  }
0x61: {  	_ =	shalt  }
0x62: {  	_ =	shalt  }
0x63: {  	_ =	shalt  }
0x64: {  	_ =	shalt  }
0x65: {  	_ =	shalt  }
0x66: {  	_ =	shalt  }
0x67: {  	_ =	shalt  }
0x68: {  	_ =	shalt  }
0x69: {  	_ =	shalt  }
0x6a: {  	_ =	shalt  }
0x6b: {  	_ =	shalt  }
0x6c: {  	_ =	shalt  }
0x6d: {  	_ =	shalt  }
0x6e: {  	_ =	shalt  }
0x6f: {  	_ =	shalt  }
0x70: {  	_ =	shalt  }
0x71: {  	_ =	shalt  }
0x72: {  	_ =	shalt  }
0x73: {  	_ =	shalt  }
0x74: {  	_ =	shalt  }
0x75: {  	_ =	shalt  }
0x76: {  	_ =	shalt  }
0x77: {  	_ =	shalt  }
0x78: {  	_ =	shalt  }
0x79: {  	_ =	shalt  }
0x7a: {  	_ =	shalt  }
0x7b: {  	_ =	shalt  }
0x7c: {  	_ =	shalt  }
0x7d: {  	_ =	shalt  }
0x7e: {  	_ =	shalt  }
0x7f: {  	_ =	shalt  }
0x80: {  	_ =	shalt  }
0x81: {  	_ =	shalt  }
0x82: {  	_ =	shalt  }
0x83: {  	_ =	shalt  }
0x84: {  	_ =	shalt  }
0x85: {  	_ =	shalt  }
0x86: {  	_ =	shalt  }
0x87: {  	_ =	shalt  }
.Lfunc_end0:
.L_simem_size_0:
called_computation.3_lowered:
.L_overlay_start_0:
0x88: {  	s2 =	sld [smem:$0x3FD9]  }
0x89: {  	s3 =	sld [smem:$0x3FFE];
	_ =	sdelay $0x1  }
0x8a: {  	s1 =	srdreg.scid  }
0x8b: {  	s0 =	sand.u32 $0x1, s1  }
0x8c: {  	s16 =	sshll.u32 s0, $0xA;
	s2 =	sadd.s32 s3, s2  }
0x8d: {  	s2 =	sadd.s32 s2, s16  }
0x8e: {  	[smem:$0x3FBE] =	sst s2  }
0x8f: {  	_ = 	snop  }
0x90: {  	(tm) =	ssettm $0x1  }
0x91: {  	s17 =	sld [smem:$0x3FFB];
	_ =	sdelay $0x3  }
0x92: {  	_ =	strace s17  }
0x93: {  	s2 =	sld [smem:$0x3FFC];
	_ =	sdelay $0x3  }
0x94: {  	_ =	strace s2  }
0x95: {  	s2 =	sld [smem:$0x3FFD];
	_ =	sdelay $0x3  }
0x96: {  	_ =	strace s2  }
0x97: {  	_ =	strace $0x8FFFFFFF  }
0x98: {  	s18 =	sld [smem:$0x3FDB];
	_ =	sdelay $0x1  }
0x99: {  	s19 =	simm.s32 $_scs_section_size  }
0x9a: {  	s4 =	simm.s32 $_size__tile_overlayer_lowered;
	s5 =	simm.s32 $_tile_overlayer_lowered  }
0x9b: {  	s22 =	simm.s32 $0x1BFF;
	s21 =	sshll.u32 s5, $0x1;
	s2 =	sadd.s32 s19, s18  }
0x9c: {  	s6 =	simm.s32 $0x0;
	s20 =	sshll.u32 s4, $0x1;
	s4 =	sadd.s32 s21, s2  }
0x9d: {  	[timem:s6], [sflag:s22] =	dma.local [hbm:s4], s20  }
0x9e: {  	_ =	swait.ge [sflag:s22], s20  }
0x9f: {  	s3 =	ssub.s32 $0x0, s20;
	[sflag:s22] =	ssyncset.done $0x0  }
0xa0: {  	[sflag:s22] =	ssyncadd.s32 s3;
	_ =	sdelay $0x1  }
0xa1: {  	s23 =	simm.s32 $0x1B8B  }
0xa2: {  	_ =	swait.ge [sflag:s23], $0x1  }
0xa3: {  	[sflag:s23] =	ssyncset.done $0x0  }
0xa4: {  	s25 =	simm.s32 $0x1B8E;
	s24 =	sld [smem:$0x3FFE];
	[sflag:s23] =	ssyncadd.s32 $0xFFFFFFFF  }
0xa5: {  	s26 =	simm.s32 $execute0_lowered;
	[smem:$0x3FD2] =	sst s25  }
0xa6: {  	s4 =	sshll.u32 s26, $0x1;
	_ =	strace $0x8000004F;
	[dreg:$0x1] =	wrdreg $0xFFFFFFFF  }
0xa7: {  	s28 =	simm.s32 $_size_execute0_lowered;
	s2 =	sadd.s32 s2, s4;
	[dreg:$0x0] =	wrdreg $0x0  }
0xa8: {  	s4 =	sshll.u32 s28, $0x1;
	[dreg:$0x2] =	wrdreg s2  }
0xa9: {  	[dreg:$0x3] =	wrdreg s4  }
0xaa: {  	[dreg:$0x4] =	wrdreg $0xC0  }
0xab: {  	_ =	task [dreg:s6], $0x5FFFF  }
0xac: {  	[dreg:$0x1] =	wrdreg $0xFFFFFFFF  }
0xad: {  	[dreg:$0x0] =	wrdreg $0x60  }
0xae: {  	[dreg:$0x2] =	wrdreg s24  }
0xaf: {  	[dreg:$0x3] =	wrdreg $0x0  }
0xb0: {  	[dreg:$0x4] =	wrdreg $0x9  }
0xb1: {  	_ =	task.clear_ibuf [dreg:s6], $0x5FFFF;
	_ =	strace $0x9000004F  }
0xb2: {  	s29 =	simm.s32 $0x9;
	_ =	strace $0x80000051  }
0xb3: {  	_ =	swait.ge [sflag:s29], $0x1  }
0xb4: {  	[sflag:s29] =	ssyncadd.s32 $0xFFFFFFFF  }
0xb5: {  	_ =	strace $0x90000051  }
0xb6: {  	_ =	sfence  }
0xb7: {  	s30 =	sld [smem:$0x0];
	_ =	sdelay $0x2  }
0xb8: {  	s31 =	sshll.u32 s1, $0xD;
	s1 =	sshrl.u32 s1, $0x2  }
0xb9: {  	s3 =	sand.u32 $0x4000, s31;
	s1 =	sadd.s32 s1, s30  }
0xba: {  	s0 =	sor.u32 s3, s0;
	s1 =	sshll.u32 s1, $0x11  }
0xbb: {  	s0 =	sor.u32 s1, s0  }
0xbc: {  	s0 =	sadd.s32 $0x8F2B, s0  }
0xbd: {  	[sflag:s0] =	ssyncadd.remote.s32 $0x1  }
0xbe: {  	_ =	sfence.sel $0xFFFF  }
0xbf: {  	[dreg:$0x0] =	wrdreg $0xFFFFFFFF;
	(pc) =	sbr.abs _section_cstart, $3  }
0xc0: {  	[dreg:$0x1] =	wrdreg $0xFFFFFFFF  }
0xc1: {  	_ =	task.clear_ibuf [dreg:s6], $0x2FFFF;
	_ =	strace $0x9FFFFFFF  }
0xc2: {  	(tm) =	ssettm $0x7FFFFFFF  }
0xc3: {  	_ =	shalt  }
tec
execute0_lowered:
.L_overlay_start_1:
0x0: {  	(tag) =	ssettag $0x1  }
0x1: {  	s0 =	rddreg [dreg:$0x0]  }
0x2: {  	s2 =	rddreg [dreg:$0x1]  }
0x3: {  	s3 =	simm.s32 $0x0;
	s1 =	srdreg.scid;
	s14 =	stileid.u32  }
0x4: {  	s26 =	simm.s32 $0x18200;
	s28 =	simm.s32 $0x5;
	s29 =	simm.s32 $0x3  }
0x5: {  	s30 =	simm.s32 $0x2;
	s31 =	simm.s32 $0x0;
	s6 =	smul.u32 $0x14000, s14  }
0x6: {  	[smem:$0x7FF] =	sst s3;
	s1 =	sand.u32 $0x1, s1;
	s8 =	smul.u32 $0x89, s14  }
0x7: {  	s4 =	sadd.s32 $0xD400, s0;
	s10 =	sadd.s32 $0x8FC00, s0;
	s12 =	smul.u32 $0x15, s14  }
0x8: {  	s11 =	sadd.s32 $0x3600, s0;
	s18 =	smul.u32 $0x50000, s14;
	s20 =	sshll.u32 s14, $0x6  }
0x9: {  	_ =	strace $0x80000050;
	s5 =	smul.u32 $0x140000, s1;
	s7 =	ssub.s32 $0x2, s1  }
0xa: {  	p0 =	seq.s32 s1, $0x0;
	[dreg:$0x3] =	wrdreg s26;
	s26 =	simm.s32 $0x1  }
0xb: {  	s9 =	sshrl.u32 s7, $0x1;
	s1 =	sadd.s32 $0x890, s12;
	s5 =	sadd.s32 s6, s5  }
0xc: {  	s13 =	ssub.s32 s7, s9;
	s1 =	smov.u32 @p0 s8;
	s7 =	sshrl.u32 s18, $0x2  }
0xd: {  	s6 =	sshrl.u32 s6, $0x3;
	s18 =	simm.s32 $0x7;
	s5 =	sshrl.u32 s5, $0x3  }
0xe: {  	s19 =	sadd.s32 s7, s2;
	s6 =	sadd.s32 s4, s6;
	s7 =	sor.u32 $0x1C07, s20  }
0xf: {  	s1 =	sshll.u32 s1, $0x4;
	s25 =	smax.u32 s13, $0x1;
	s20 =	simm.s32 $0x14100  }
0x10: {  	s0 =	sadd.s32 s5, s0;
	s5 =	simm.s32 $0x89;
	[dreg:$0x4] =	wrdreg s6  }
0x11: {  	s21 =	sadd.s32 s10, s1;
	s22 =	sadd.s32 s11, s1;
	s1 =	sadd.s32 $0x10, s1  }
0x12: {  	[dreg:$0xa] =	wrdreg s25;
	s17 =	sshrl.u32 s19, $0x3;
	s19 =	simm.s32 $0x14000  }
0x13: {  	s25 =	simm.s32 $0x4;
	s5 =	simm.s32 @!p0 $0x15;
	s23 =	sadd.s32 s10, s1  }
0x14: {  	s1 =	sadd.s32 s11, s1;
	s0 =	sadd.s32 $0x99A00, s0;
	[dreg:$0x5] =	wrdreg s22  }
0x15: {  	s6 =	sadd.s32 $0x20, s22;
	s9 =	smov.u32 s21;
	[dreg:$0x6] =	wrdreg s23  }
0x16: {  	s16 =	sadd.s32 $0x20, s21;
	[dreg:$0x7] =	wrdreg s1;
	s24 =	sadd.s32 $0xFFFFFFFF, s5  }
0x17: {  	s21 =	simm.s32 $0x80;
	[dreg:$0x9] =	wrdreg s0;
	s1 =	sshrl.u32 s24, $0x1  }
0x18: {  	s22 =	simm.s32 $0x14200;
	s23 =	simm.s32 $0x14080;
	[dreg:$0x8] =	wrdreg s1  }
.LBB2_1:
0x19: {  	s0 =	rddreg [dreg:$0x4]  }
0x1a: {  	[spmem:s17], [sflag:s7] =	dma.local [hbm:s0], $0x2800  }
0x1b: {  	_ =	swait.ge [sflag:s18], $0x2800  }
0x1c: {  	[sflag:s18] =	ssyncset.done $0x0  }
0x1d: {  	[sflag:s18] =	ssyncadd.s32 $0xFFFFD800  }
0x1e: {  	[tilespmem:s19], [sflag:$0x3] =	stream.linear.gather [hbm4b:s9+s3], $0x80, $0x38;
	[tilespmem:$0x1C200] =	vst v63  }
0x1f: {  	s12 =	rddreg [dreg:$0x5]  }
0x20: {  	[tilespmem:s20], [sflag:$0x5] =	stream.linear.gather [hbm4b:s12+s3], $0x80, $0x38;
	[tilespmem:$0x1C200] =	vst v63  }
0x21: {  	[bflag:$0x0] =	sbarrier.arrive $0xFFFF  }
0x22: {  	_ =	swait.ge [sflag:s29], $0x80  }
0x23: {  	[sflag:s29] =	ssyncset.done $0x0  }
0x24: {  	[sflag:s29] =	ssyncadd.s32 $0xFFFFFF80  }
0x25: {  	[tilespmem:s22], [sflag:$0x1] =	stream.indirect.gather [hbm4b:s4+s21], $0x80, s19, s21, $0xb8;
	[tilespmem:$0x1C200] =	vst v63  }
0x26: {  	s13 =	rddreg [dreg:$0x6]  }
0x27: {  	[tilespmem:s23], [sflag:$0x4] =	stream.linear.gather [hbm4b:s13+s3], $0x80, $0x38;
	[tilespmem:$0x1C200] =	vst v63  }
0x28: {  	s1 =	simm.s32 $0x14180;
	s14 =	rddreg [dreg:$0x7]  }
0x29: {  	[tilespmem:s1], [sflag:$0x6] =	stream.linear.gather [hbm4b:s14+s3], $0x80, $0x38;
	[tilespmem:$0x1C200] =	vst v63  }
0x2a: {  	_ =	swait.ge [sflag:s25], $0x80  }
0x2b: {  	[sflag:s25] =	ssyncset.done $0x0  }
0x2c: {  	[sflag:s25] =	ssyncadd.s32 $0xFFFFFF80  }
0x2d: {  	_ =	swait.ge [sflag:s26], $0x4000  }
0x2e: {  	[sflag:s26] =	ssyncset.done $0x0  }
0x2f: {  	s15 =	rddreg [dreg:$0x3];
	[sflag:s26] =	ssyncadd.s32 $0xFFFFC000  }
0x30: {  	[tilespmem:s15], [sflag:$0x2] =	stream.indirect.gather [hbm4b:s4+s21], $0x80, s23, s21, $0xb8;
	[tilespmem:$0x1C200] =	vst v63  }
0x31: {  	_ = 	snop  }
0x32: {  	[tilespmem:s19], [sflag:$0x3] =	stream.linear.gather [hbm4b:s16+s3], $0x80, $0x38;
	[tilespmem:$0x1C200] =	vst v63  }
0x33: {  	_ =	swait.ge [sflag:s28], $0x80  }
0x34: {  	[sflag:s28] =	ssyncset.done $0x0  }
0x35: {  	[sflag:s28] =	ssyncadd.s32 $0xFFFFFF80  }
0x36: {  	[spmem:s2] =	stream.indirect.scatter.add.f32 [tilespmem:s22], [sflag:$0x7], $0x80, s20, s21, $0xb8;
	[tilespmem:$0x1C200] =	vst v63  }
0x37: {  	_ =	swait.ge [sflag:s18], $0x4000  }
0x38: {  	[sflag:s18] =	ssyncset.done $0x0  }
0x39: {  	[sflag:s18] =	ssyncadd.s32 $0xFFFFC000  }
0x3a: {  	[tilespmem:s20], [sflag:$0x5] =	stream.linear.gather [hbm4b:s6+s3], $0x80, $0x38;
	[tilespmem:$0x1C200] =	vst v63  }
0x3b: {  	_ =	swait.ge [sflag:s29], $0x80  }
0x3c: {  	[sflag:s29] =	ssyncset.done $0x0  }
0x3d: {  	[sflag:s29] =	ssyncadd.s32 $0xFFFFFF80  }
0x3e: {  	_ =	swait.ge [sflag:s30], $0x4000  }
0x3f: {  	p0 =	sle.u32 s5, $0x3;
	[sflag:s30] =	ssyncset.done $0x0  }
0x40: {  	s0 =	simm.s32 @p0 $0x6;
	[sflag:s30] =	ssyncadd.s32 $0xFFFFC000  }
0x41: {  	[tilespmem:s22], [sflag:$0x1] =	stream.indirect.gather [hbm4b:s4+s21], $0x80, s19, s21, $0xb8;
	[tilespmem:$0x1C200] =	vst v63  }
0x42: {  	_ =	swait.ge @p0 [sflag:s0], $0x80  }
0x43: {  	s10 =	simm.s32 @p0 $0x80;
	s11 =	simm.s32 @p0 $0x14180;
	[sflag:s0] =	ssyncset.done @p0 $0x0  }
0x44: {  	s1 =	simm.s32 @p0 $0x18200;
	[sflag:s0] =	ssyncadd.s32 @p0 $0xFFFFFF80;
	s0 =	simm.s32 @p0 $0x7  }
0x45: {  	[spmem:s2] =	stream.indirect.scatter.add.f32 @p0 [tilespmem:s1], [sflag:$0x7], $0x80, s11, s10, $0xb8;
	[tilespmem:$0x1C200] =	vst v63  }
0x46: {  	s12 =	simm.s32 @!p0 $0x6;
	s1 =	simm.s32 @!p0 $0x14080;
	_ =	swait.ge @p0 [sflag:s0], $0x4000  }
0x47: {  	s11 =	sadd.s32 @!p0 $0x10, s16;
	[sflag:s0] =	ssyncset.done @p0 $0x0;
	s24 =	rddreg [dreg:$0x8]  }
0x48: {  	s10 =	simm.s32 @!p0 $0x0;
	[sflag:s0] =	ssyncadd.s32 @p0 $0xFFFFC000;
	s0 =	sadd.s32 $0xFFFFFFFF, s24  }
0x49: {  	[tilespmem:s1], [sflag:$0x4] =	stream.linear.gather @!p0 [hbm4b:s11+s10], $0x80, $0x38;
	[tilespmem:$0x1C200] =	vst v63  }
0x4a: {  	s13 =	simm.s32 @!p0 $0x80;
	p1 =	sne.s32 s0, $0x0;
	_ =	swait.ge @!p0 [sflag:s12], $0x80  }
.Ltmp0:
0x4b: {  	s11 =	simm.s32 @!p0 $0x14180;
	[sflag:s12] =	ssyncset.done @!p0 $0x0;
	(pc) =	sbr.rel @!p1 .LBB2_3-.Ltmp0, $4  }
0x4c: {  	s1 =	simm.s32 @!p0 $0x18200;
	[sflag:s12] =	ssyncadd.s32 @!p0 $0xFFFFFF80;
	s12 =	simm.s32 @!p0 $0x7  }
0x4d: {  	[spmem:s2] =	stream.indirect.scatter.add.f32 @!p0 [tilespmem:s1], [sflag:$0x7], $0x80, s11, s13, $0xb8;
	[tilespmem:$0x1C200] =	vst v63  }
0x4e: {  	s15 =	smov.u32 s6;
	s24 =	sadd.s32 $0x20, s16;
	_ =	swait.ge @!p0 [sflag:s12], $0x4000  }
0x4f: {  	s1 =	simm.s32 $0x5;
	s13 =	sadd.s32 @!p0 $0x10, s6;
	[sflag:s12] =	ssyncset.done @!p0 $0x0  }
.LBB2_2:
0x50: {  	[sflag:s12] =	ssyncadd.s32 @!p0 $0xFFFFC000  }
0x51: {  	[tilespmem:s11], [sflag:$0x6] =	stream.linear.gather @!p0 [hbm4b:s13+s10], $0x80, $0x38;
	[tilespmem:$0x1C200] =	vst v63  }
0x52: {  	_ =	swait.ge [sflag:s25], $0x80  }
0x53: {  	[sflag:s25] =	ssyncset.done $0x0  }
0x54: {  	[sflag:s25] =	ssyncadd.s32 $0xFFFFFF80  }
0x55: {  	_ =	swait.ge [sflag:s26], $0x4000  }
0x56: {  	[sflag:s26] =	ssyncset.done $0x0  }
0x57: {  	s14 =	rddreg [dreg:$0x3];
	[sflag:s26] =	ssyncadd.s32 $0xFFFFC000  }
0x58: {  	[tilespmem:s14], [sflag:$0x2] =	stream.indirect.gather [hbm4b:s4+s21], $0x80, s23, s21, $0xb8;
	[tilespmem:$0x1C200] =	vst v63  }
0x59: {  	_ = 	snop  }
0x5a: {  	[tilespmem:s19], [sflag:$0x3] =	stream.linear.gather [hbm4b:s24+s3], $0x80, $0x38;
	[tilespmem:$0x1C200] =	vst v63  }
0x5b: {  	_ =	swait.ge [sflag:s28], $0x80  }
0x5c: {  	[sflag:s28] =	ssyncset.done $0x0  }
0x5d: {  	[sflag:s28] =	ssyncadd.s32 $0xFFFFFF80  }
0x5e: {  	[spmem:s2] =	stream.indirect.scatter.add.f32 [tilespmem:s22], [sflag:$0x7], $0x80, s20, s21, $0xb8;
	[tilespmem:$0x1C200] =	vst v63  }
0x5f: {  	_ =	swait.ge [sflag:s18], $0x4000  }
0x60: {  	[sflag:s18] =	ssyncset.done $0x0  }
0x61: {  	s15 =	sadd.s32 $0x20, s15;
	[sflag:s18] =	ssyncadd.s32 $0xFFFFC000  }
0x62: {  	[tilespmem:s20], [sflag:$0x5] =	stream.linear.gather [hbm4b:s15+s3], $0x80, $0x38;
	[tilespmem:$0x1C200] =	vst v63  }
0x63: {  	_ =	swait.ge [sflag:s29], $0x80  }
0x64: {  	[sflag:s29] =	ssyncset.done $0x0  }
0x65: {  	[sflag:s29] =	ssyncadd.s32 $0xFFFFFF80  }
0x66: {  	_ =	swait.ge [sflag:s30], $0x4000  }
0x67: {  	p0 =	sge.u32 s1, s5;
	[sflag:s30] =	ssyncset.done $0x0  }
0x68: {  	s10 =	simm.s32 @p0 $0x6;
	[sflag:s30] =	ssyncadd.s32 $0xFFFFC000  }
0x69: {  	[tilespmem:s22], [sflag:$0x1] =	stream.indirect.gather [hbm4b:s4+s21], $0x80, s19, s21, $0xb8;
	[tilespmem:$0x1C200] =	vst v63  }
0x6a: {  	_ =	swait.ge @p0 [sflag:s10], $0x80  }
0x6b: {  	s11 =	simm.s32 @p0 $0x18200;
	s12 =	simm.s32 @p0 $0x80;
	[sflag:s10] =	ssyncset.done @p0 $0x0  }
0x6c: {  	s13 =	simm.s32 @p0 $0x14180;
	s8 =	simm.s32 @p0 $0x7;
	[sflag:s10] =	ssyncadd.s32 @p0 $0xFFFFFF80  }
0x6d: {  	[spmem:s2] =	stream.indirect.scatter.add.f32 @p0 [tilespmem:s11], [sflag:$0x7], $0x80, s13, s12, $0xb8;
	[tilespmem:$0x1C200] =	vst v63  }
0x6e: {  	s0 =	sadd.s32 $0xFFFFFFFF, s0;
	_ =	swait.ge @p0 [sflag:s8], $0x4000  }
0x6f: {  	s10 =	simm.s32 @!p0 $0x0;
	s11 =	simm.s32 @!p0 $0x14080;
	[sflag:s8] =	ssyncset.done @p0 $0x0  }
0x70: {  	s12 =	sadd.s32 @!p0 $0x10, s24;
	[sflag:s8] =	ssyncadd.s32 @p0 $0xFFFFC000;
	s8 =	simm.s32 @!p0 $0x6  }
0x71: {  	[tilespmem:s11], [sflag:$0x4] =	stream.linear.gather @!p0 [hbm4b:s12+s10], $0x80, $0x38;
	[tilespmem:$0x1C200] =	vst v63  }
0x72: {  	p1 =	sne.s32 s0, $0x0;
	s14 =	simm.s32 @!p0 $0x80;
	_ =	swait.ge @!p0 [sflag:s8], $0x80  }
.Ltmp1:
0x73: {  	s13 =	simm.s32 @!p0 $0x18200;
	[sflag:s8] =	ssyncset.done @!p0 $0x0;
	(pc) =	sbr.rel @p1 .LBB2_2-.Ltmp1, $4  }
0x74: {  	s11 =	simm.s32 @!p0 $0x14180;
	s12 =	simm.s32 @!p0 $0x7;
	[sflag:s8] =	ssyncadd.s32 @!p0 $0xFFFFFF80  }
0x75: {  	[spmem:s2] =	stream.indirect.scatter.add.f32 @!p0 [tilespmem:s13], [sflag:$0x7], $0x80, s11, s14, $0xb8;
	[tilespmem:$0x1C200] =	vst v63  }
0x76: {  	s1 =	sadd.s32 $0x2, s1;
	_ =	swait.ge @!p0 [sflag:s12], $0x4000  }
0x77: {  	s24 =	sadd.s32 $0x20, s24;
	s13 =	sadd.s32 @!p0 $0x10, s15;
	[sflag:s12] =	ssyncset.done @!p0 $0x0  }
.LBB2_3:
0x78: {  	[sflag:s12] =	ssyncadd.s32 @!p0 $0xFFFFC000  }
0x79: {  	[tilespmem:s11], [sflag:$0x6] =	stream.linear.gather @!p0 [hbm4b:s13+s10], $0x80, $0x38;
	[tilespmem:$0x1C200] =	vst v63  }
0x7a: {  	_ =	swait.ge [sflag:s26], $0x4000  }
0x7b: {  	[sflag:s26] =	ssyncset.done $0x0  }
0x7c: {  	[sflag:s26] =	ssyncadd.s32 $0xFFFFC000  }
0x7d: {  	_ =	swait.ge [sflag:s28], $0x80  }
0x7e: {  	[sflag:s28] =	ssyncset.done $0x0  }
0x7f: {  	[sflag:s28] =	ssyncadd.s32 $0xFFFFFF80  }
0x80: {  	[spmem:s2] =	stream.indirect.scatter.add.f32 [tilespmem:s22], [sflag:$0x7], $0x80, s20, s21, $0xb8;
	[tilespmem:$0x1C200] =	vst v63  }
0x81: {  	_ =	swait.ge [sflag:s18], $0x4000  }
0x82: {  	[sflag:s18] =	ssyncset.done $0x0  }
0x83: {  	[sflag:s18] =	ssyncadd.s32 $0xFFFFC000  }
0x84: {  	[bflag:$0x0] =	sbarrier.arrive $0xFFFF  }
0x85: {  	s0 =	rddreg [dreg:$0x9]  }
0x86: {  	[hbm:s0], [sflag:s7] =	dma.local [spmem:s17], $0x2800  }
0x87: {  	_ =	swait.ge [sflag:s18], $0x2800  }
0x88: {  	s31 =	sadd.s32 $0x1, s31;
	s24 =	rddreg [dreg:$0xa]  }
0x89: {  	p0 =	sne.s32 s31, s24  }
.Ltmp2:
0x8a: {  	_ = 	snop;
	(pc) =	sbr.rel @p0 .LBB2_1-.Ltmp2, $3  }
0x8b: {  	_ =	sdelay $0x1  }
0x8c: {  	[sflag:s18] =	ssyncset.done $0x0  }
0x8d: {  	[sflag:s18] =	ssyncadd.s32 $0xFFFFD800  }
0x8e: {  	_ =	sfence.sel $0x180000  }
0x8f: {  	[bflag:$0x0] =	sbarrier.arrive $0xFFFF  }
0x90: {  	_ =	strace $0x90000050  }
0x91: {  	s0 =	stileid.u32;
	[bflag:$0x2] =	sbarrier.arrive $0xFFFF  }
0x92: {  	p0 =	sne.s32 s0, $0x0;
	s0 =	rddreg [dreg:$0x2]  }
0x93: {  	s0 =	sadd.s32 @!p0 $0x100000, s0  }
0x94: {  	[sflag:s0] =	ssyncadd.tile.s32 @!p0 $0x1;
	_ =	shalt  }
.Lfunc_end2:
_tile_overlayer_lowered:
.L_overlay_start_2:
0x95: {  	(tag) =	ssettag $0x2  }
0x96: {  	s0 =	rddreg [dreg:$0x0];
	s2 =	stileid.u32  }
0x97: {  	s1 =	rddreg [dreg:$0x1];
	p0 =	sne.s32 s2, $0x0  }
0x98: {  	s3 =	rddreg [dreg:$0x2];
	[bflag:$0x3] =	sbarrier.arrive $0xFFFF;
	s2 =	simm.s32 @!p0 $0x1C07  }
0x99: {  	[timem:s3], [sflag:s2] =	dma.local @!p0 [hbm:s0], s1  }
0x9a: {  	s0 =	simm.s32 @!p0 $0x7  }
0x9b: {  	_ =	swait.ge @!p0 [sflag:s0], s1  }
0x9c: {  	s1 =	ssub.s32 @!p0 $0x0, s1;
	[sflag:s0] =	ssyncset.done @!p0 $0x0  }
0x9d: {  	[sflag:s0] =	ssyncadd.s32 @!p0 s1  }
0x9e: {  	[bflag:$0x3] =	sbarrier.arrive $0xFFFF  }
0x9f: {  	_ =	shalt  }

</sc_bundles>
